<compile_context>
chip_gen: v7x
topology: tpu7x:2x2x1
jax: 0.10.2.dev20260603
libtpu: 0.0.44.dev20260713+nightly
codegen_flags: <defaults>
</compile_context>

<pallas_src>
import jax
import jax.numpy as jnp
from jax import lax
from jax.experimental import pallas as pl
from jax.experimental.pallas import tpu as pltpu
from jax.experimental.pallas import tpu_sc as plsc

N = 10000
E = 320000
D = 128

NC = 2
NS = 16
NW = NC * NS

CHUNK = 64
NCHUNKS = E // CHUNK
BASE_T = NCHUNKS // NW
REM = NCHUNKS % NW
N_PAD = 10112
ROWS_PER_TILE = N_PAD // NS



E_PER_W = E // NW


def _deg_body(e_hbm, deg_out, hist, idxr, sem_i):
    c = lax.axis_index("c")
    s = lax.axis_index("s")
    wid = c * NS + s
    ones16 = jnp.ones((16,), jnp.float32)

    base = pl.multiple_of(E + wid * E_PER_W, 8)
    icp = pltpu.async_copy(e_hbm.at[pl.ds(base, E_PER_W)], idxr, sem_i)

    def zero_body(i, _):
        hist[pl.ds(i * 16, 16)] = jnp.zeros((16,), jnp.float32)
        return _

    lax.fori_loop(0, N_PAD // 16, zero_body, None)
    icp.wait()

    def sc_body(k, _):
        iv = idxr[pl.ds(k * 16, 16)]
        plsc.addupdate_scatter(hist, [iv], ones16)
        return _

    lax.fori_loop(0, E_PER_W // 16, sc_body, None)
    pltpu.sync_copy(hist, deg_out.at[wid])


def _deg_sc(edge_index):
    mesh = plsc.VectorSubcoreMesh(core_axis_name="c", subcore_axis_name="s")
    return pl.kernel(
        _deg_body,
        out_type=jax.ShapeDtypeStruct((NW, N_PAD), jnp.float32),
        mesh=mesh,
        compiler_params=pltpu.CompilerParams(needs_layout_passes=False),
        scratch_types=[
            pltpu.VMEM((N_PAD,), jnp.float32),
            pltpu.VMEM((E_PER_W,), jnp.int32),
            pltpu.SemaphoreType.DMA,
        ],
    )(edge_index)


NBUF = 5
NIB = 6
GLEAD = 4
ILEAD = 5


def _scatter_body(y_hbm, e_hbm, zeros_hbm, out_hbm,
                  acc, sd, rows, sem_i, sem_g, sem_z):
    c = lax.axis_index("c")
    s = lax.axis_index("s")
    wid = c * NS + s
    t_w = BASE_T + jnp.where(wid < REM, 1, 0)
    rbase = pl.multiple_of(s * ROWS_PER_TILE, 8)

    zcp = pltpu.async_copy(zeros_hbm.at[pl.ds(rbase, ROWS_PER_TILE), :],
                           acc.at[pl.ds(rbase, ROWS_PER_TILE), :], sem_z)

    def start_idx(g):
        p = g % NIB
        base = (wid + g * NW) * CHUNK
        pltpu.async_copy(e_hbm.at[0, pl.ds(base, CHUNK)], sd.at[2 * p],
                         sem_i.at[2 * p])
        pltpu.async_copy(e_hbm.at[1, pl.ds(base, CHUNK)], sd.at[2 * p + 1],
                         sem_i.at[2 * p + 1])

    def wait_idx(g):
        p = g % NIB
        base = (wid + g * NW) * CHUNK
        pltpu.make_async_copy(e_hbm.at[0, pl.ds(base, CHUNK)], sd.at[2 * p],
                              sem_i.at[2 * p]).wait()
        pltpu.make_async_copy(e_hbm.at[1, pl.ds(base, CHUNK)],
                              sd.at[2 * p + 1], sem_i.at[2 * p + 1]).wait()

    def start_gather(g):
        pltpu.async_copy(y_hbm.at[sd.at[2 * (g % NIB)]], rows.at[g % NBUF],
                         sem_g.at[g % NBUF])

    def wait_gather(g):
        pltpu.make_async_copy(y_hbm.at[sd.at[2 * (g % NIB)]],
                              rows.at[g % NBUF], sem_g.at[g % NBUF]).wait()

    for k in range(ILEAD):
        start_idx(k)
    for k in range(GLEAD):
        wait_idx(k)
        start_gather(k)
    zcp.wait()
    plsc.subcore_barrier()

    def chunk_body(g, _):
        @pl.when(g + ILEAD < t_w)
        def _issue_idx():
            start_idx(g + ILEAD)

        @pl.when(g + GLEAD < t_w)
        def _issue_gather():
            wait_idx(g + GLEAD)
            start_gather(g + GLEAD)

        wait_gather(g)
        pltpu.sync_copy(rows.at[g % NBUF], acc.at[sd.at[2 * (g % NIB) + 1]],
                        add=True)
        return _

    lax.fori_loop(0, t_w, chunk_body, None)
    plsc.subcore_barrier()
    pltpu.sync_copy(acc.at[pl.ds(rbase, ROWS_PER_TILE), :],
                    out_hbm.at[c, pl.ds(rbase, ROWS_PER_TILE), :])


def _scatter_sc(y, edge_index, zeros_nd):
    mesh = plsc.VectorSubcoreMesh(core_axis_name="c", subcore_axis_name="s")
    return pl.kernel(
        _scatter_body,
        out_type=jax.ShapeDtypeStruct((NC, N_PAD, D), jnp.float32),
        mesh=mesh,
        compiler_params=pltpu.CompilerParams(needs_layout_passes=False),
        scratch_types=[
            pltpu.VMEM_SHARED((N_PAD, D), jnp.float32),
            pltpu.VMEM((2 * NIB, CHUNK), jnp.int32),
            pltpu.VMEM((NBUF, CHUNK, D), jnp.float32),
            pltpu.SemaphoreType.DMA((2 * NIB,)),
            pltpu.SemaphoreType.DMA((NBUF,)),
            pltpu.SemaphoreType.DMA,
        ],
    )(y, edge_index, zeros_nd)



def _tcmm_body(x_ref, w1_ref, u_ref):
    u = jnp.dot(x_ref[...], w1_ref[...],
                preferred_element_type=jnp.float32)
    u_ref[...] = jnp.concatenate(
        [u, jnp.zeros((N_PAD - N, D), jnp.float32)], axis=0)


def _tcmm(x, w1):
    return pl.pallas_call(
        _tcmm_body,
        out_shape=jax.ShapeDtypeStruct((N_PAD, D), jnp.float32),
    )(x, w1)


def _tc1_body(parts_ref, u_ref, disb_ref, y1_ref):
    deg = jnp.sum(parts_ref[...], axis=0) + 1.0
    dis = lax.rsqrt(deg)
    disb = jnp.broadcast_to(dis[:, None], (N_PAD, D))
    disb_ref[...] = disb
    y1_ref[...] = disb * u_ref[...]


def _tc1(deg_parts, u):
    return pl.pallas_call(
        _tc1_body,
        out_shape=(
            jax.ShapeDtypeStruct((N_PAD, D), jnp.float32),
            jax.ShapeDtypeStruct((N_PAD, D), jnp.float32),
        ),
    )(deg_parts, u)


def _bn_elu(g, gamma, beta, mask):
    gm = jnp.where(mask, g, 0.0)
    mean = jnp.sum(gm, axis=0) / N
    diff = g - mean
    var = jnp.sum(jnp.where(mask, diff * diff, 0.0), axis=0) / N
    xn = diff * lax.rsqrt(var + 1e-5)
    h = gamma * xn + beta
    return jnp.where(h > 0, h, jnp.exp(jnp.minimum(h, 0.0)) - 1.0)


def _tc2_body(sp_ref, y1_ref, disb_ref, w2_ref, b1_ref, g1_ref, be1_ref,
              y2_ref):
    mask = lax.broadcasted_iota(jnp.int32, (N_PAD, D), 0) < N
    ssum = sp_ref[0] + sp_ref[1] + y1_ref[...]
    g = disb_ref[...] * ssum + b1_ref[...]
    h1 = jnp.where(mask, _bn_elu(g, g1_ref[...], be1_ref[...], mask), 0.0)
    u2 = jnp.dot(h1, w2_ref[...], preferred_element_type=jnp.float32)
    y2_ref[...] = disb_ref[...] * u2


def _tc2(s1_parts, y1, disb, w2, b1r, g1r, be1r):
    return pl.pallas_call(
        _tc2_body,
        out_shape=jax.ShapeDtypeStruct((N_PAD, D), jnp.float32),
    )(s1_parts, y1, disb, w2, b1r, g1r, be1r)


def _tc3_body(sp_ref, y2_ref, disb_ref, b2_ref, g2_ref, be2_ref, out_ref):
    mask = lax.broadcasted_iota(jnp.int32, (N_PAD, D), 0) < N
    ssum = sp_ref[0] + sp_ref[1] + y2_ref[...]
    g = disb_ref[...] * ssum + b2_ref[...]
    h2 = _bn_elu(g, g2_ref[...], be2_ref[...], mask)
    out_ref[...] = h2[:N]


def _tc3(s2_parts, y2, disb, b2r, g2r, be2r):
    return pl.pallas_call(
        _tc3_body,
        out_shape=jax.ShapeDtypeStruct((N, D), jnp.float32),
    )(s2_parts, y2, disb, b2r, g2r, be2r)



@jax.jit
def kernel(x, edge_index, W1, b1, gamma1, beta1, W2, b2, gamma2, beta2):
    zeros_nd = jnp.zeros((N_PAD, D), jnp.float32)
    b1r = b1[None, :]
    g1r = gamma1[None, :]
    be1r = beta1[None, :]
    b2r = b2[None, :]
    g2r = gamma2[None, :]
    be2r = beta2[None, :]

    deg_parts = _deg_sc(edge_index.reshape(2 * E))
    u1 = _tcmm(x, W1)
    disb, y1 = _tc1(deg_parts, u1)
    s1_parts = _scatter_sc(y1, edge_index, zeros_nd)
    y2 = _tc2(s1_parts, y1, disb, W2, b1r, g1r, be1r)
    s2_parts = _scatter_sc(y2, edge_index, zeros_nd)
    return _tc3(s2_parts, y2, disb, b2r, g2r, be2r)

# --- scband reference (transcript-rebuilt; emitter-appended) ---
"""Pipeline reference for scband-graph-convolution-block-20366734917864 (READ-ONLY COPY).

The authoritative reference and input builder live on the scoring server;
editing this copy changes nothing except your own understanding.
"""

import jax, jax.numpy as jnp
import numpy as np

N = 10000
E = 320000
D = 128
H = 128


def setup_inputs(seed: int = 0) -> dict:
    key = jax.random.key(seed)
    ks = jax.random.split(key, 6)
    x = jax.random.normal(ks[0], (N, D), dtype=jnp.float32)
    edge_index = jax.random.randint(ks[1], (2, E), 0, N, dtype=jnp.int32)
    W1 = jax.random.normal(ks[2], (D, H), dtype=jnp.float32) * (1.0 / np.sqrt(D))
    b1 = jnp.zeros((H,), dtype=jnp.float32)
    gamma1 = jnp.ones((H,), dtype=jnp.float32)
    beta1 = jnp.zeros((H,), dtype=jnp.float32)
    W2 = jax.random.normal(ks[3], (H, H), dtype=jnp.float32) * (1.0 / np.sqrt(H))
    b2 = jnp.zeros((H,), dtype=jnp.float32)
    gamma2 = jnp.ones((H,), dtype=jnp.float32)
    beta2 = jnp.zeros((H,), dtype=jnp.float32)
    return {"x": x, "edge_index": edge_index, "W1": W1, "b1": b1, "gamma1": gamma1,
            "beta1": beta1, "W2": W2, "b2": b2, "gamma2": gamma2, "beta2": beta2}


def _gcn_conv(x, src, dst, W, b, n):
    # PyG GCNConv: D^{-1/2} (A + I) D^{-1/2} X W + b  (self loops already appended)
    xw = x @ W
    deg = jnp.zeros((n,), dtype=x.dtype).at[dst].add(1.0)
    dis = jnp.where(deg > 0, jax.lax.rsqrt(jnp.maximum(deg, 1e-12)), 0.0)
    norm = dis[src] * dis[dst]
    msg = xw[src] * norm[:, None]
    out = jnp.zeros((n, W.shape[1]), dtype=x.dtype).at[dst].add(msg)
    return out + b


def _batchnorm(x, gamma, beta, eps=1e-5):
    # BatchNorm1d, training mode (batch statistics, biased variance)
    mean = jnp.mean(x, axis=0)
    var = jnp.mean((x - mean) ** 2, axis=0)
    return gamma * (x - mean) / jnp.sqrt(var + eps) + beta


def reference(x, edge_index, W1, b1, gamma1, beta1, W2, b2, gamma2, beta2):
    n = x.shape[0]
    loop = jnp.arange(n, dtype=edge_index.dtype)
    src = jnp.concatenate([edge_index[0], loop])
    dst = jnp.concatenate([edge_index[1], loop])
    h = _gcn_conv(x, src, dst, W1, b1, n)
    h = jax.nn.elu(_batchnorm(h, gamma1, beta1))
    h = _gcn_conv(h, src, dst, W2, b2, n)
    h = jax.nn.elu(_batchnorm(h, gamma2, beta2))
    return h

if __name__ == "__main__":
    import jax
    _d = setup_inputs()
    print(jax.jit(kernel)(*tuple(_d.values())))

</pallas_src>

<mosaic_0001>
#map = affine_map<(d0, d1) -> (0, 0)>
#map1 = affine_map<(d0, d1) -> (0, 0, 0)>
module attributes {stable_mosaic.version = 14 : i64} {
  func.func @_scatter_body(%arg0: i32, %arg1: i32, %arg2: memref<10112x128xf32, #tpu.memory_space<hbm>>, %arg3: memref<2x320000xi32, #tpu.memory_space<hbm>>, %arg4: memref<10112x128xf32, #tpu.memory_space<hbm>>, %arg5: memref<2x10112x128xf32, #tpu.memory_space<hbm>>, %arg6: memref<10112x128xf32, #tpu.memory_space<vmem_shared>>, %arg7: memref<12x64xi32, #tpu.memory_space<vmem>>, %arg8: memref<5x64x128xf32, #tpu.memory_space<vmem>>, %arg9: memref<12x!tpu.dma_semaphore, #tpu.memory_space<semaphore_mem>>, %arg10: memref<5x!tpu.dma_semaphore, #tpu.memory_space<semaphore_mem>>, %arg11: memref<!tpu.dma_semaphore, #tpu.memory_space<semaphore_mem>>) attributes {dimension_semantics = [#tpu.dimension_semantics<core_parallel>, #tpu.dimension_semantics<subcore_parallel>], iteration_bounds = array<i64: 2, 16>, scalar_prefetch = 0 : i64, scratch_operands = 6 : i64, tpu.core_type = #tpu.core_type<sc_vector_subcore>, window_params = [{transform_indices = #map}, {transform_indices = #map}, {transform_indices = #map}, {transform_indices = #map1}]} {
    %mul3A = arith.constant 16 : i32
    %mul3A_0 = arith.muli %arg0, %mul3A : i32
    %add3A = arith.addi %mul3A_0, %arg1 : i32
    %lt3A = arith.constant 8 : i32
    %lt3A_1 = arith.cmpi slt, %add3A, %lt3A : i32
    %jit3A = arith.constant 1 : i32
    %jit3A_2 = arith.constant 0 : i32
    %select_n3A = arith.select %lt3A_1, %jit3A, %jit3A_2 : i32
    %add3A_3 = arith.constant 156 : i32
    %add3A_4 = arith.addi %add3A_3, %select_n3A : i32
    %mul3A_5 = arith.constant 632 : i32
    %mul3A_6 = arith.muli %arg1, %mul3A_5 : i32
    %multiple_of3A = tpu.assume_multiple %mul3A_6, 8 : i32
    %dma_start3A = arith.constant 0 : i32
    %dma_start3A_7 = tpu.memref_slice %arg6[%multiple_of3A, %dma_start3A] : memref<10112x128xf32, #tpu.memory_space<vmem_shared>> -> memref<632x128xf32, #tpu.memory_space<vmem_shared>>
    %dma_start3A_8 = arith.constant 0 : i32
    %dma_start3A_9 = tpu.memref_slice %arg4[%multiple_of3A, %dma_start3A_8] : memref<10112x128xf32, #tpu.memory_space<hbm>> -> memref<632x128xf32, #tpu.memory_space<hbm>>
    tpu.enqueue_dma source(%dma_start3A_9 : memref<632x128xf32, #tpu.memory_space<hbm>>) target(%dma_start3A_7 : memref<632x128xf32, #tpu.memory_space<vmem_shared>>) target_semaphore(%arg11 : memref<!tpu.dma_semaphore, #tpu.memory_space<semaphore_mem>>)
    %add3A_10 = arith.constant 0 : i32
    %add3A_11 = arith.addi %add3A, %add3A_10 : i32
    %mul3A_12 = arith.constant 64 : i32
    %mul3A_13 = arith.muli %add3A_11, %mul3A_12 : i32
    %dma_start3A_14 = arith.constant 0 : i32
    %dma_start3A_15 = arith.constant 0 : i32
    %dma_start3A_16 = arith.constant 0 : i32
    %dma_start3A_17 = arith.constant 0 : i32
    %dma_start3A_18 = tpu.memref_slice %arg7[%dma_start3A_15, %dma_start3A_17] : memref<12x64xi32, #tpu.memory_space<vmem>> -> memref<1x64xi32, #tpu.memory_space<vmem>>
    %dma_start3A_19 = tpu.memref_squeeze %dma_start3A_18 : memref<1x64xi32, #tpu.memory_space<vmem>> -> memref<64xi32, #tpu.memory_space<vmem>>
    %dma_start3A_20 = tpu.memref_slice %arg3[%dma_start3A_14, %mul3A_13] : memref<2x320000xi32, #tpu.memory_space<hbm>> -> memref<1x64xi32, #tpu.memory_space<hbm>>
    %dma_start3A_21 = tpu.memref_squeeze %dma_start3A_20 : memref<1x64xi32, #tpu.memory_space<hbm>> -> memref<64xi32, #tpu.memory_space<hbm>>
    %dma_start3A_22 = tpu.memref_slice %arg9[%dma_start3A_16] : memref<12x!tpu.dma_semaphore, #tpu.memory_space<semaphore_mem>> -> memref<1x!tpu.dma_semaphore, #tpu.memory_space<semaphore_mem>>
    %dma_start3A_23 = tpu.memref_squeeze %dma_start3A_22 : memref<1x!tpu.dma_semaphore, #tpu.memory_space<semaphore_mem>> -> memref<!tpu.dma_semaphore, #tpu.memory_space<semaphore_mem>>
    %dma_start3A_24 = arith.constant 0 : i32
    %dma_start3A_25 = tpu.memref_slice %arg7[%dma_start3A_15, %dma_start3A_24] : memref<12x64xi32, #tpu.memory_space<vmem>> -> memref<1x64xi32, #tpu.memory_space<vmem>>
    %dma_start3A_26 = tpu.memref_squeeze %dma_start3A_25 : memref<1x64xi32, #tpu.memory_space<vmem>> -> memref<64xi32, #tpu.memory_space<vmem>>
    %dma_start3A_27 = tpu.memref_slice %arg3[%dma_start3A_14, %mul3A_13] : memref<2x320000xi32, #tpu.memory_space<hbm>> -> memref<1x64xi32, #tpu.memory_space<hbm>>
    %dma_start3A_28 = tpu.memref_squeeze %dma_start3A_27 : memref<1x64xi32, #tpu.memory_space<hbm>> -> memref<64xi32, #tpu.memory_space<hbm>>
    tpu.enqueue_dma source(%dma_start3A_28 : memref<64xi32, #tpu.memory_space<hbm>>) target(%dma_start3A_26 : memref<64xi32, #tpu.memory_space<vmem>>) target_semaphore(%dma_start3A_23 : memref<!tpu.dma_semaphore, #tpu.memory_space<semaphore_mem>>)
    %dma_start3A_29 = arith.constant 1 : i32
    %dma_start3A_30 = arith.constant 1 : i32
    %dma_start3A_31 = arith.constant 1 : i32
    %dma_start3A_32 = arith.constant 0 : i32
    %dma_start3A_33 = tpu.memref_slice %arg7[%dma_start3A_30, %dma_start3A_32] : memref<12x64xi32, #tpu.memory_space<vmem>> -> memref<1x64xi32, #tpu.memory_space<vmem>>
    %dma_start3A_34 = tpu.memref_squeeze %dma_start3A_33 : memref<1x64xi32, #tpu.memory_space<vmem>> -> memref<64xi32, #tpu.memory_space<vmem>>
    %dma_start3A_35 = tpu.memref_slice %arg3[%dma_start3A_29, %mul3A_13] : memref<2x320000xi32, #tpu.memory_space<hbm>> -> memref<1x64xi32, #tpu.memory_space<hbm>>
    %dma_start3A_36 = tpu.memref_squeeze %dma_start3A_35 : memref<1x64xi32, #tpu.memory_space<hbm>> -> memref<64xi32, #tpu.memory_space<hbm>>
    %dma_start3A_37 = tpu.memref_slice %arg9[%dma_start3A_31] : memref<12x!tpu.dma_semaphore, #tpu.memory_space<semaphore_mem>> -> memref<1x!tpu.dma_semaphore, #tpu.memory_space<semaphore_mem>>
    %dma_start3A_38 = tpu.memref_squeeze %dma_start3A_37 : memref<1x!tpu.dma_semaphore, #tpu.memory_space<semaphore_mem>> -> memref<!tpu.dma_semaphore, #tpu.memory_space<semaphore_mem>>
    %dma_start3A_39 = arith.constant 0 : i32
    %dma_start3A_40 = tpu.memref_slice %arg7[%dma_start3A_30, %dma_start3A_39] : memref<12x64xi32, #tpu.memory_space<vmem>> -> memref<1x64xi32, #tpu.memory_space<vmem>>
    %dma_start3A_41 = tpu.memref_squeeze %dma_start3A_40 : memref<1x64xi32, #tpu.memory_space<vmem>> -> memref<64xi32, #tpu.memory_space<vmem>>
    %dma_start3A_42 = tpu.memref_slice %arg3[%dma_start3A_29, %mul3A_13] : memref<2x320000xi32, #tpu.memory_space<hbm>> -> memref<1x64xi32, #tpu.memory_space<hbm>>
    %dma_start3A_43 = tpu.memref_squeeze %dma_start3A_42 : memref<1x64xi32, #tpu.memory_space<hbm>> -> memref<64xi32, #tpu.memory_space<hbm>>
    tpu.enqueue_dma source(%dma_start3A_43 : memref<64xi32, #tpu.memory_space<hbm>>) target(%dma_start3A_41 : memref<64xi32, #tpu.memory_space<vmem>>) target_semaphore(%dma_start3A_38 : memref<!tpu.dma_semaphore, #tpu.memory_space<semaphore_mem>>)
    %add3A_44 = arith.constant 32 : i32
    %add3A_45 = arith.addi %add3A, %add3A_44 : i32
    %mul3A_46 = arith.constant 64 : i32
    %mul3A_47 = arith.muli %add3A_45, %mul3A_46 : i32
    %dma_start3A_48 = arith.constant 0 : i32
    %dma_start3A_49 = arith.constant 2 : i32
    %dma_start3A_50 = arith.constant 2 : i32
    %dma_start3A_51 = arith.constant 0 : i32
    %dma_start3A_52 = tpu.memref_slice %arg7[%dma_start3A_49, %dma_start3A_51] : memref<12x64xi32, #tpu.memory_space<vmem>> -> memref<1x64xi32, #tpu.memory_space<vmem>>
    %dma_start3A_53 = tpu.memref_squeeze %dma_start3A_52 : memref<1x64xi32, #tpu.memory_space<vmem>> -> memref<64xi32, #tpu.memory_space<vmem>>
    %dma_start3A_54 = tpu.memref_slice %arg3[%dma_start3A_48, %mul3A_47] : memref<2x320000xi32, #tpu.memory_space<hbm>> -> memref<1x64xi32, #tpu.memory_space<hbm>>
    %dma_start3A_55 = tpu.memref_squeeze %dma_start3A_54 : memref<1x64xi32, #tpu.memory_space<hbm>> -> memref<64xi32, #tpu.memory_space<hbm>>
    %dma_start3A_56 = tpu.memref_slice %arg9[%dma_start3A_50] : memref<12x!tpu.dma_semaphore, #tpu.memory_space<semaphore_mem>> -> memref<1x!tpu.dma_semaphore, #tpu.memory_space<semaphore_mem>>
    %dma_start3A_57 = tpu.memref_squeeze %dma_start3A_56 : memref<1x!tpu.dma_semaphore, #tpu.memory_space<semaphore_mem>> -> memref<!tpu.dma_semaphore, #tpu.memory_space<semaphore_mem>>
    %dma_start3A_58 = arith.constant 0 : i32
    %dma_start3A_59 = tpu.memref_slice %arg7[%dma_start3A_49, %dma_start3A_58] : memref<12x64xi32, #tpu.memory_space<vmem>> -> memref<1x64xi32, #tpu.memory_space<vmem>>
    %dma_start3A_60 = tpu.memref_squeeze %dma_start3A_59 : memref<1x64xi32, #tpu.memory_space<vmem>> -> memref<64xi32, #tpu.memory_space<vmem>>
    %dma_start3A_61 = tpu.memref_slice %arg3[%dma_start3A_48, %mul3A_47] : memref<2x320000xi32, #tpu.memory_space<hbm>> -> memref<1x64xi32, #tpu.memory_space<hbm>>
    %dma_start3A_62 = tpu.memref_squeeze %dma_start3A_61 : memref<1x64xi32, #tpu.memory_space<hbm>> -> memref<64xi32, #tpu.memory_space<hbm>>
    tpu.enqueue_dma source(%dma_start3A_62 : memref<64xi32, #tpu.memory_space<hbm>>) target(%dma_start3A_60 : memref<64xi32, #tpu.memory_space<vmem>>) target_semaphore(%dma_start3A_57 : memref<!tpu.dma_semaphore, #tpu.memory_space<semaphore_mem>>)
    %dma_start3A_63 = arith.constant 1 : i32
    %dma_start3A_64 = arith.constant 3 : i32
    %dma_start3A_65 = arith.constant 3 : i32
    %dma_start3A_66 = arith.constant 0 : i32
    %dma_start3A_67 = tpu.memref_slice %arg7[%dma_start3A_64, %dma_start3A_66] : memref<12x64xi32, #tpu.memory_space<vmem>> -> memref<1x64xi32, #tpu.memory_space<vmem>>
    %dma_start3A_68 = tpu.memref_squeeze %dma_start3A_67 : memref<1x64xi32, #tpu.memory_space<vmem>> -> memref<64xi32, #tpu.memory_space<vmem>>
    %dma_start3A_69 = tpu.memref_slice %arg3[%dma_start3A_63, %mul3A_47] : memref<2x320000xi32, #tpu.memory_space<hbm>> -> memref<1x64xi32, #tpu.memory_space<hbm>>
    %dma_start3A_70 = tpu.memref_squeeze %dma_start3A_69 : memref<1x64xi32, #tpu.memory_space<hbm>> -> memref<64xi32, #tpu.memory_space<hbm>>
    %dma_start3A_71 = tpu.memref_slice %arg9[%dma_start3A_65] : memref<12x!tpu.dma_semaphore, #tpu.memory_space<semaphore_mem>> -> memref<1x!tpu.dma_semaphore, #tpu.memory_space<semaphore_mem>>
    %dma_start3A_72 = tpu.memref_squeeze %dma_start3A_71 : memref<1x!tpu.dma_semaphore, #tpu.memory_space<semaphore_mem>> -> memref<!tpu.dma_semaphore, #tpu.memory_space<semaphore_mem>>
    %dma_start3A_73 = arith.constant 0 : i32
    %dma_start3A_74 = tpu.memref_slice %arg7[%dma_start3A_64, %dma_start3A_73] : memref<12x64xi32, #tpu.memory_space<vmem>> -> memref<1x64xi32, #tpu.memory_space<vmem>>
    %dma_start3A_75 = tpu.memref_squeeze %dma_start3A_74 : memref<1x64xi32, #tpu.memory_space<vmem>> -> memref<64xi32, #tpu.memory_space<vmem>>
    %dma_start3A_76 = tpu.memref_slice %arg3[%dma_start3A_63, %mul3A_47] : memref<2x320000xi32, #tpu.memory_space<hbm>> -> memref<1x64xi32, #tpu.memory_space<hbm>>
    %dma_start3A_77 = tpu.memref_squeeze %dma_start3A_76 : memref<1x64xi32, #tpu.memory_space<hbm>> -> memref<64xi32, #tpu.memory_space<hbm>>
    tpu.enqueue_dma source(%dma_start3A_77 : memref<64xi32, #tpu.memory_space<hbm>>) target(%dma_start3A_75 : memref<64xi32, #tpu.memory_space<vmem>>) target_semaphore(%dma_start3A_72 : memref<!tpu.dma_semaphore, #tpu.memory_space<semaphore_mem>>)
    %add3A_78 = arith.constant 64 : i32
    %add3A_79 = arith.addi %add3A, %add3A_78 : i32
    %mul3A_80 = arith.constant 64 : i32
    %mul3A_81 = arith.muli %add3A_79, %mul3A_80 : i32
    %dma_start3A_82 = arith.constant 0 : i32
    %dma_start3A_83 = arith.constant 4 : i32
    %dma_start3A_84 = arith.constant 4 : i32
    %dma_start3A_85 = arith.constant 0 : i32
    %dma_start3A_86 = tpu.memref_slice %arg7[%dma_start3A_83, %dma_start3A_85] : memref<12x64xi32, #tpu.memory_space<vmem>> -> memref<1x64xi32, #tpu.memory_space<vmem>>
    %dma_start3A_87 = tpu.memref_squeeze %dma_start3A_86 : memref<1x64xi32, #tpu.memory_space<vmem>> -> memref<64xi32, #tpu.memory_space<vmem>>
    %dma_start3A_88 = tpu.memref_slice %arg3[%dma_start3A_82, %mul3A_81] : memref<2x320000xi32, #tpu.memory_space<hbm>> -> memref<1x64xi32, #tpu.memory_space<hbm>>
    %dma_start3A_89 = tpu.memref_squeeze %dma_start3A_88 : memref<1x64xi32, #tpu.memory_space<hbm>> -> memref<64xi32, #tpu.memory_space<hbm>>
    %dma_start3A_90 = tpu.memref_slice %arg9[%dma_start3A_84] : memref<12x!tpu.dma_semaphore, #tpu.memory_space<semaphore_mem>> -> memref<1x!tpu.dma_semaphore, #tpu.memory_space<semaphore_mem>>
    %dma_start3A_91 = tpu.memref_squeeze %dma_start3A_90 : memref<1x!tpu.dma_semaphore, #tpu.memory_space<semaphore_mem>> -> memref<!tpu.dma_semaphore, #tpu.memory_space<semaphore_mem>>
    %dma_start3A_92 = arith.constant 0 : i32
    %dma_start3A_93 = tpu.memref_slice %arg7[%dma_start3A_83, %dma_start3A_92] : memref<12x64xi32, #tpu.memory_space<vmem>> -> memref<1x64xi32, #tpu.memory_space<vmem>>
    %dma_start3A_94 = tpu.memref_squeeze %dma_start3A_93 : memref<1x64xi32, #tpu.memory_space<vmem>> -> memref<64xi32, #tpu.memory_space<vmem>>
    %dma_start3A_95 = tpu.memref_slice %arg3[%dma_start3A_82, %mul3A_81] : memref<2x320000xi32, #tpu.memory_space<hbm>> -> memref<1x64xi32, #tpu.memory_space<hbm>>
    %dma_start3A_96 = tpu.memref_squeeze %dma_start3A_95 : memref<1x64xi32, #tpu.memory_space<hbm>> -> memref<64xi32, #tpu.memory_space<hbm>>
    tpu.enqueue_dma source(%dma_start3A_96 : memref<64xi32, #tpu.memory_space<hbm>>) target(%dma_start3A_94 : memref<64xi32, #tpu.memory_space<vmem>>) target_semaphore(%dma_start3A_91 : memref<!tpu.dma_semaphore, #tpu.memory_space<semaphore_mem>>)
    %dma_start3A_97 = arith.constant 1 : i32
    %dma_start3A_98 = arith.constant 5 : i32
    %dma_start3A_99 = arith.constant 5 : i32
    %dma_start3A_100 = arith.constant 0 : i32
    %dma_start3A_101 = tpu.memref_slice %arg7[%dma_start3A_98, %dma_start3A_100] : memref<12x64xi32, #tpu.memory_space<vmem>> -> memref<1x64xi32, #tpu.memory_space<vmem>>
    %dma_start3A_102 = tpu.memref_squeeze %dma_start3A_101 : memref<1x64xi32, #tpu.memory_space<vmem>> -> memref<64xi32, #tpu.memory_space<vmem>>
    %dma_start3A_103 = tpu.memref_slice %arg3[%dma_start3A_97, %mul3A_81] : memref<2x320000xi32, #tpu.memory_space<hbm>> -> memref<1x64xi32, #tpu.memory_space<hbm>>
    %dma_start3A_104 = tpu.memref_squeeze %dma_start3A_103 : memref<1x64xi32, #tpu.memory_space<hbm>> -> memref<64xi32, #tpu.memory_space<hbm>>
    %dma_start3A_105 = tpu.memref_slice %arg9[%dma_start3A_99] : memref<12x!tpu.dma_semaphore, #tpu.memory_space<semaphore_mem>> -> memref<1x!tpu.dma_semaphore, #tpu.memory_space<semaphore_mem>>
    %dma_start3A_106 = tpu.memref_squeeze %dma_start3A_105 : memref<1x!tpu.dma_semaphore, #tpu.memory_space<semaphore_mem>> -> memref<!tpu.dma_semaphore, #tpu.memory_space<semaphore_mem>>
    %dma_start3A_107 = arith.constant 0 : i32
    %dma_start3A_108 = tpu.memref_slice %arg7[%dma_start3A_98, %dma_start3A_107] : memref<12x64xi32, #tpu.memory_space<vmem>> -> memref<1x64xi32, #tpu.memory_space<vmem>>
    %dma_start3A_109 = tpu.memref_squeeze %dma_start3A_108 : memref<1x64xi32, #tpu.memory_space<vmem>> -> memref<64xi32, #tpu.memory_space<vmem>>
    %dma_start3A_110 = tpu.memref_slice %arg3[%dma_start3A_97, %mul3A_81] : memref<2x320000xi32, #tpu.memory_space<hbm>> -> memref<1x64xi32, #tpu.memory_space<hbm>>
    %dma_start3A_111 = tpu.memref_squeeze %dma_start3A_110 : memref<1x64xi32, #tpu.memory_space<hbm>> -> memref<64xi32, #tpu.memory_space<hbm>>
    tpu.enqueue_dma source(%dma_start3A_111 : memref<64xi32, #tpu.memory_space<hbm>>) target(%dma_start3A_109 : memref<64xi32, #tpu.memory_space<vmem>>) target_semaphore(%dma_start3A_106 : memref<!tpu.dma_semaphore, #tpu.memory_space<semaphore_mem>>)
    %add3A_112 = arith.constant 96 : i32
    %add3A_113 = arith.addi %add3A, %add3A_112 : i32
    %mul3A_114 = arith.constant 64 : i32
    %mul3A_115 = arith.muli %add3A_113, %mul3A_114 : i32
    %dma_start3A_116 = arith.constant 0 : i32
    %dma_start3A_117 = arith.constant 6 : i32
    %dma_start3A_118 = arith.constant 6 : i32
    %dma_start3A_119 = arith.constant 0 : i32
    %dma_start3A_120 = tpu.memref_slice %arg7[%dma_start3A_117, %dma_start3A_119] : memref<12x64xi32, #tpu.memory_space<vmem>> -> memref<1x64xi32, #tpu.memory_space<vmem>>
    %dma_start3A_121 = tpu.memref_squeeze %dma_start3A_120 : memref<1x64xi32, #tpu.memory_space<vmem>> -> memref<64xi32, #tpu.memory_space<vmem>>
    %dma_start3A_122 = tpu.memref_slice %arg3[%dma_start3A_116, %mul3A_115] : memref<2x320000xi32, #tpu.memory_space<hbm>> -> memref<1x64xi32, #tpu.memory_space<hbm>>
    %dma_start3A_123 = tpu.memref_squeeze %dma_start3A_122 : memref<1x64xi32, #tpu.memory_space<hbm>> -> memref<64xi32, #tpu.memory_space<hbm>>
    %dma_start3A_124 = tpu.memref_slice %arg9[%dma_start3A_118] : memref<12x!tpu.dma_semaphore, #tpu.memory_space<semaphore_mem>> -> memref<1x!tpu.dma_semaphore, #tpu.memory_space<semaphore_mem>>
    %dma_start3A_125 = tpu.memref_squeeze %dma_start3A_124 : memref<1x!tpu.dma_semaphore, #tpu.memory_space<semaphore_mem>> -> memref<!tpu.dma_semaphore, #tpu.memory_space<semaphore_mem>>
    %dma_start3A_126 = arith.constant 0 : i32
    %dma_start3A_127 = tpu.memref_slice %arg7[%dma_start3A_117, %dma_start3A_126] : memref<12x64xi32, #tpu.memory_space<vmem>> -> memref<1x64xi32, #tpu.memory_space<vmem>>
    %dma_start3A_128 = tpu.memref_squeeze %dma_start3A_127 : memref<1x64xi32, #tpu.memory_space<vmem>> -> memref<64xi32, #tpu.memory_space<vmem>>
    %dma_start3A_129 = tpu.memref_slice %arg3[%dma_start3A_116, %mul3A_115] : memref<2x320000xi32, #tpu.memory_space<hbm>> -> memref<1x64xi32, #tpu.memory_space<hbm>>
    %dma_start3A_130 = tpu.memref_squeeze %dma_start3A_129 : memref<1x64xi32, #tpu.memory_space<hbm>> -> memref<64xi32, #tpu.memory_space<hbm>>
    tpu.enqueue_dma source(%dma_start3A_130 : memref<64xi32, #tpu.memory_space<hbm>>) target(%dma_start3A_128 : memref<64xi32, #tpu.memory_space<vmem>>) target_semaphore(%dma_start3A_125 : memref<!tpu.dma_semaphore, #tpu.memory_space<semaphore_mem>>)
    %dma_start3A_131 = arith.constant 1 : i32
    %dma_start3A_132 = arith.constant 7 : i32
    %dma_start3A_133 = arith.constant 7 : i32
    %dma_start3A_134 = arith.constant 0 : i32
    %dma_start3A_135 = tpu.memref_slice %arg7[%dma_start3A_132, %dma_start3A_134] : memref<12x64xi32, #tpu.memory_space<vmem>> -> memref<1x64xi32, #tpu.memory_space<vmem>>
    %dma_start3A_136 = tpu.memref_squeeze %dma_start3A_135 : memref<1x64xi32, #tpu.memory_space<vmem>> -> memref<64xi32, #tpu.memory_space<vmem>>
    %dma_start3A_137 = tpu.memref_slice %arg3[%dma_start3A_131, %mul3A_115] : memref<2x320000xi32, #tpu.memory_space<hbm>> -> memref<1x64xi32, #tpu.memory_space<hbm>>
    %dma_start3A_138 = tpu.memref_squeeze %dma_start3A_137 : memref<1x64xi32, #tpu.memory_space<hbm>> -> memref<64xi32, #tpu.memory_space<hbm>>
    %dma_start3A_139 = tpu.memref_slice %arg9[%dma_start3A_133] : memref<12x!tpu.dma_semaphore, #tpu.memory_space<semaphore_mem>> -> memref<1x!tpu.dma_semaphore, #tpu.memory_space<semaphore_mem>>
    %dma_start3A_140 = tpu.memref_squeeze %dma_start3A_139 : memref<1x!tpu.dma_semaphore, #tpu.memory_space<semaphore_mem>> -> memref<!tpu.dma_semaphore, #tpu.memory_space<semaphore_mem>>
    %dma_start3A_141 = arith.constant 0 : i32
    %dma_start3A_142 = tpu.memref_slice %arg7[%dma_start3A_132, %dma_start3A_141] : memref<12x64xi32, #tpu.memory_space<vmem>> -> memref<1x64xi32, #tpu.memory_space<vmem>>
    %dma_start3A_143 = tpu.memref_squeeze %dma_start3A_142 : memref<1x64xi32, #tpu.memory_space<vmem>> -> memref<64xi32, #tpu.memory_space<vmem>>
    %dma_start3A_144 = tpu.memref_slice %arg3[%dma_start3A_131, %mul3A_115] : memref<2x320000xi32, #tpu.memory_space<hbm>> -> memref<1x64xi32, #tpu.memory_space<hbm>>
    %dma_start3A_145 = tpu.memref_squeeze %dma_start3A_144 : memref<1x64xi32, #tpu.memory_space<hbm>> -> memref<64xi32, #tpu.memory_space<hbm>>
    tpu.enqueue_dma source(%dma_start3A_145 : memref<64xi32, #tpu.memory_space<hbm>>) target(%dma_start3A_143 : memref<64xi32, #tpu.memory_space<vmem>>) target_semaphore(%dma_start3A_140 : memref<!tpu.dma_semaphore, #tpu.memory_space<semaphore_mem>>)
    %add3A_146 = arith.constant 128 : i32
    %add3A_147 = arith.addi %add3A, %add3A_146 : i32
    %mul3A_148 = arith.constant 64 : i32
    %mul3A_149 = arith.muli %add3A_147, %mul3A_148 : i32
    %dma_start3A_150 = arith.constant 0 : i32
    %dma_start3A_151 = arith.constant 8 : i32
    %dma_start3A_152 = arith.constant 8 : i32
    %dma_start3A_153 = arith.constant 0 : i32
    %dma_start3A_154 = tpu.memref_slice %arg7[%dma_start3A_151, %dma_start3A_153] : memref<12x64xi32, #tpu.memory_space<vmem>> -> memref<1x64xi32, #tpu.memory_space<vmem>>
    %dma_start3A_155 = tpu.memref_squeeze %dma_start3A_154 : memref<1x64xi32, #tpu.memory_space<vmem>> -> memref<64xi32, #tpu.memory_space<vmem>>
    %dma_start3A_156 = tpu.memref_slice %arg3[%dma_start3A_150, %mul3A_149] : memref<2x320000xi32, #tpu.memory_space<hbm>> -> memref<1x64xi32, #tpu.memory_space<hbm>>
    %dma_start3A_157 = tpu.memref_squeeze %dma_start3A_156 : memref<1x64xi32, #tpu.memory_space<hbm>> -> memref<64xi32, #tpu.memory_space<hbm>>
    %dma_start3A_158 = tpu.memref_slice %arg9[%dma_start3A_152] : memref<12x!tpu.dma_semaphore, #tpu.memory_space<semaphore_mem>> -> memref<1x!tpu.dma_semaphore, #tpu.memory_space<semaphore_mem>>
    %dma_start3A_159 = tpu.memref_squeeze %dma_start3A_158 : memref<1x!tpu.dma_semaphore, #tpu.memory_space<semaphore_mem>> -> memref<!tpu.dma_semaphore, #tpu.memory_space<semaphore_mem>>
    %dma_start3A_160 = arith.constant 0 : i32
    %dma_start3A_161 = tpu.memref_slice %arg7[%dma_start3A_151, %dma_start3A_160] : memref<12x64xi32, #tpu.memory_space<vmem>> -> memref<1x64xi32, #tpu.memory_space<vmem>>
    %dma_start3A_162 = tpu.memref_squeeze %dma_start3A_161 : memref<1x64xi32, #tpu.memory_space<vmem>> -> memref<64xi32, #tpu.memory_space<vmem>>
    %dma_start3A_163 = tpu.memref_slice %arg3[%dma_start3A_150, %mul3A_149] : memref<2x320000xi32, #tpu.memory_space<hbm>> -> memref<1x64xi32, #tpu.memory_space<hbm>>
    %dma_start3A_164 = tpu.memref_squeeze %dma_start3A_163 : memref<1x64xi32, #tpu.memory_space<hbm>> -> memref<64xi32, #tpu.memory_space<hbm>>
    tpu.enqueue_dma source(%dma_start3A_164 : memref<64xi32, #tpu.memory_space<hbm>>) target(%dma_start3A_162 : memref<64xi32, #tpu.memory_space<vmem>>) target_semaphore(%dma_start3A_159 : memref<!tpu.dma_semaphore, #tpu.memory_space<semaphore_mem>>)
    %dma_start3A_165 = arith.constant 1 : i32
    %dma_start3A_166 = arith.constant 9 : i32
    %dma_start3A_167 = arith.constant 9 : i32
    %dma_start3A_168 = arith.constant 0 : i32
    %dma_start3A_169 = tpu.memref_slice %arg7[%dma_start3A_166, %dma_start3A_168] : memref<12x64xi32, #tpu.memory_space<vmem>> -> memref<1x64xi32, #tpu.memory_space<vmem>>
    %dma_start3A_170 = tpu.memref_squeeze %dma_start3A_169 : memref<1x64xi32, #tpu.memory_space<vmem>> -> memref<64xi32, #tpu.memory_space<vmem>>
    %dma_start3A_171 = tpu.memref_slice %arg3[%dma_start3A_165, %mul3A_149] : memref<2x320000xi32, #tpu.memory_space<hbm>> -> memref<1x64xi32, #tpu.memory_space<hbm>>
    %dma_start3A_172 = tpu.memref_squeeze %dma_start3A_171 : memref<1x64xi32, #tpu.memory_space<hbm>> -> memref<64xi32, #tpu.memory_space<hbm>>
    %dma_start3A_173 = tpu.memref_slice %arg9[%dma_start3A_167] : memref<12x!tpu.dma_semaphore, #tpu.memory_space<semaphore_mem>> -> memref<1x!tpu.dma_semaphore, #tpu.memory_space<semaphore_mem>>
    %dma_start3A_174 = tpu.memref_squeeze %dma_start3A_173 : memref<1x!tpu.dma_semaphore, #tpu.memory_space<semaphore_mem>> -> memref<!tpu.dma_semaphore, #tpu.memory_space<semaphore_mem>>
    %dma_start3A_175 = arith.constant 0 : i32
    %dma_start3A_176 = tpu.memref_slice %arg7[%dma_start3A_166, %dma_start3A_175] : memref<12x64xi32, #tpu.memory_space<vmem>> -> memref<1x64xi32, #tpu.memory_space<vmem>>
    %dma_start3A_177 = tpu.memref_squeeze %dma_start3A_176 : memref<1x64xi32, #tpu.memory_space<vmem>> -> memref<64xi32, #tpu.memory_space<vmem>>
    %dma_start3A_178 = tpu.memref_slice %arg3[%dma_start3A_165, %mul3A_149] : memref<2x320000xi32, #tpu.memory_space<hbm>> -> memref<1x64xi32, #tpu.memory_space<hbm>>
    %dma_start3A_179 = tpu.memref_squeeze %dma_start3A_178 : memref<1x64xi32, #tpu.memory_space<hbm>> -> memref<64xi32, #tpu.memory_space<hbm>>
    tpu.enqueue_dma source(%dma_start3A_179 : memref<64xi32, #tpu.memory_space<hbm>>) target(%dma_start3A_177 : memref<64xi32, #tpu.memory_space<vmem>>) target_semaphore(%dma_start3A_174 : memref<!tpu.dma_semaphore, #tpu.memory_space<semaphore_mem>>)
    %add3A_180 = arith.constant 0 : i32
    %add3A_181 = arith.addi %add3A, %add3A_180 : i32
    %mul3A_182 = arith.constant 64 : i32
    %mul3A_183 = arith.muli %add3A_181, %mul3A_182 : i32
    %dma_wait3A = arith.constant 0 : i32
    %dma_wait3A_184 = arith.constant 0 : i32
    %dma_wait3A_185 = arith.constant 0 : i32
    %dma_wait3A_186 = arith.constant 0 : i32
    %dma_wait3A_187 = tpu.memref_slice %arg7[%dma_wait3A_184, %dma_wait3A_186] : memref<12x64xi32, #tpu.memory_space<vmem>> -> memref<1x64xi32, #tpu.memory_space<vmem>>
    %dma_wait3A_188 = tpu.memref_squeeze %dma_wait3A_187 : memref<1x64xi32, #tpu.memory_space<vmem>> -> memref<64xi32, #tpu.memory_space<vmem>>
    %dma_wait3A_189 = tpu.memref_slice %arg3[%dma_wait3A, %mul3A_183] : memref<2x320000xi32, #tpu.memory_space<hbm>> -> memref<1x64xi32, #tpu.memory_space<hbm>>
    %dma_wait3A_190 = tpu.memref_squeeze %dma_wait3A_189 : memref<1x64xi32, #tpu.memory_space<hbm>> -> memref<64xi32, #tpu.memory_space<hbm>>
    %dma_wait3A_191 = tpu.memref_slice %arg9[%dma_wait3A_185] : memref<12x!tpu.dma_semaphore, #tpu.memory_space<semaphore_mem>> -> memref<1x!tpu.dma_semaphore, #tpu.memory_space<semaphore_mem>>
    %dma_wait3A_192 = tpu.memref_squeeze %dma_wait3A_191 : memref<1x!tpu.dma_semaphore, #tpu.memory_space<semaphore_mem>> -> memref<!tpu.dma_semaphore, #tpu.memory_space<semaphore_mem>>
    %dma_wait3A_193 = arith.constant 0 : i32
    %dma_wait3A_194 = tpu.memref_slice %arg7[%dma_wait3A_184, %dma_wait3A_193] : memref<12x64xi32, #tpu.memory_space<vmem>> -> memref<1x64xi32, #tpu.memory_space<vmem>>
    %dma_wait3A_195 = tpu.memref_squeeze %dma_wait3A_194 : memref<1x64xi32, #tpu.memory_space<vmem>> -> memref<64xi32, #tpu.memory_space<vmem>>
    %dma_wait3A_196 = tpu.memref_slice %arg3[%dma_wait3A, %mul3A_183] : memref<2x320000xi32, #tpu.memory_space<hbm>> -> memref<1x64xi32, #tpu.memory_space<hbm>>
    %dma_wait3A_197 = tpu.memref_squeeze %dma_wait3A_196 : memref<1x64xi32, #tpu.memory_space<hbm>> -> memref<64xi32, #tpu.memory_space<hbm>>
    tpu.wait_dma2 semaphore(%dma_wait3A_192 : memref<!tpu.dma_semaphore, #tpu.memory_space<semaphore_mem>>) src(%dma_wait3A_197 : memref<64xi32, #tpu.memory_space<hbm>>) dst(%dma_wait3A_195 : memref<64xi32, #tpu.memory_space<vmem>>)
    %dma_wait3A_198 = arith.constant 1 : i32
    %dma_wait3A_199 = arith.constant 1 : i32
    %dma_wait3A_200 = arith.constant 1 : i32
    %dma_wait3A_201 = arith.constant 0 : i32
    %dma_wait3A_202 = tpu.memref_slice %arg7[%dma_wait3A_199, %dma_wait3A_201] : memref<12x64xi32, #tpu.memory_space<vmem>> -> memref<1x64xi32, #tpu.memory_space<vmem>>
    %dma_wait3A_203 = tpu.memref_squeeze %dma_wait3A_202 : memref<1x64xi32, #tpu.memory_space<vmem>> -> memref<64xi32, #tpu.memory_space<vmem>>
    %dma_wait3A_204 = tpu.memref_slice %arg3[%dma_wait3A_198, %mul3A_183] : memref<2x320000xi32, #tpu.memory_space<hbm>> -> memref<1x64xi32, #tpu.memory_space<hbm>>
    %dma_wait3A_205 = tpu.memref_squeeze %dma_wait3A_204 : memref<1x64xi32, #tpu.memory_space<hbm>> -> memref<64xi32, #tpu.memory_space<hbm>>
    %dma_wait3A_206 = tpu.memref_slice %arg9[%dma_wait3A_200] : memref<12x!tpu.dma_semaphore, #tpu.memory_space<semaphore_mem>> -> memref<1x!tpu.dma_semaphore, #tpu.memory_space<semaphore_mem>>
    %dma_wait3A_207 = tpu.memref_squeeze %dma_wait3A_206 : memref<1x!tpu.dma_semaphore, #tpu.memory_space<semaphore_mem>> -> memref<!tpu.dma_semaphore, #tpu.memory_space<semaphore_mem>>
    %dma_wait3A_208 = arith.constant 0 : i32
    %dma_wait3A_209 = tpu.memref_slice %arg7[%dma_wait3A_199, %dma_wait3A_208] : memref<12x64xi32, #tpu.memory_space<vmem>> -> memref<1x64xi32, #tpu.memory_space<vmem>>
    %dma_wait3A_210 = tpu.memref_squeeze %dma_wait3A_209 : memref<1x64xi32, #tpu.memory_space<vmem>> -> memref<64xi32, #tpu.memory_space<vmem>>
    %dma_wait3A_211 = tpu.memref_slice %arg3[%dma_wait3A_198, %mul3A_183] : memref<2x320000xi32, #tpu.memory_space<hbm>> -> memref<1x64xi32, #tpu.memory_space<hbm>>
    %dma_wait3A_212 = tpu.memref_squeeze %dma_wait3A_211 : memref<1x64xi32, #tpu.memory_space<hbm>> -> memref<64xi32, #tpu.memory_space<hbm>>
    tpu.wait_dma2 semaphore(%dma_wait3A_207 : memref<!tpu.dma_semaphore, #tpu.memory_space<semaphore_mem>>) src(%dma_wait3A_212 : memref<64xi32, #tpu.memory_space<hbm>>) dst(%dma_wait3A_210 : memref<64xi32, #tpu.memory_space<vmem>>)
    %dma_start3A_213 = arith.constant 0 : i32
    %dma_start3A_214 = arith.constant 0 : i32
    %dma_start3A_215 = arith.constant 0 : i32
    %dma_start3A_216 = arith.constant 0 : i32
    %dma_start3A_217 = arith.constant 0 : i32
    %dma_start3A_218 = tpu.memref_slice %arg8[%dma_start3A_214, %dma_start3A_216, %dma_start3A_217] : memref<5x64x128xf32, #tpu.memory_space<vmem>> -> memref<1x64x128xf32, #tpu.memory_space<vmem>>
    %dma_start3A_219 = tpu.memref_squeeze %dma_start3A_218 : memref<1x64x128xf32, #tpu.memory_space<vmem>> -> memref<64x128xf32, #tpu.memory_space<vmem>>
    %dma_start3A_220 = arith.constant 0 : i32
    %dma_start3A_221 = tpu.memref_slice %arg7[%dma_start3A_213, %dma_start3A_220] : memref<12x64xi32, #tpu.memory_space<vmem>> -> memref<1x64xi32, #tpu.memory_space<vmem>>
    %dma_start3A_222 = tpu.memref_squeeze %dma_start3A_221 : memref<1x64xi32, #tpu.memory_space<vmem>> -> memref<64xi32, #tpu.memory_space<vmem>>
    %dma_start3A_223 = arith.constant 0 : i32
    %dma_start3A_224 = arith.constant 0 : i32
    %dma_start3A_225 = tpu.memref_slice %arg2[%dma_start3A_223, %dma_start3A_224] : memref<10112x128xf32, #tpu.memory_space<hbm>> -> memref<10112x128xf32, #tpu.memory_space<hbm>>
    %dma_start3A_226 = tpu.memref_slice %arg10[%dma_start3A_215] : memref<5x!tpu.dma_semaphore, #tpu.memory_space<semaphore_mem>> -> memref<1x!tpu.dma_semaphore, #tpu.memory_space<semaphore_mem>>
    %dma_start3A_227 = tpu.memref_squeeze %dma_start3A_226 : memref<1x!tpu.dma_semaphore, #tpu.memory_space<semaphore_mem>> -> memref<!tpu.dma_semaphore, #tpu.memory_space<semaphore_mem>>
    tpu.enqueue_indirect_dma source(%dma_start3A_225 : memref<10112x128xf32, #tpu.memory_space<hbm>>) target(%dma_start3A_219 : memref<64x128xf32, #tpu.memory_space<vmem>>) offsets(%dma_start3A_222 : memref<64xi32, #tpu.memory_space<vmem>>) semaphore(%dma_start3A_227 : memref<!tpu.dma_semaphore, #tpu.memory_space<semaphore_mem>>)
    %add3A_228 = arith.constant 32 : i32
    %add3A_229 = arith.addi %add3A, %add3A_228 : i32
    %mul3A_230 = arith.constant 64 : i32
    %mul3A_231 = arith.muli %add3A_229, %mul3A_230 : i32
    %dma_wait3A_232 = arith.constant 0 : i32
    %dma_wait3A_233 = arith.constant 2 : i32
    %dma_wait3A_234 = arith.constant 2 : i32
    %dma_wait3A_235 = arith.constant 0 : i32
    %dma_wait3A_236 = tpu.memref_slice %arg7[%dma_wait3A_233, %dma_wait3A_235] : memref<12x64xi32, #tpu.memory_space<vmem>> -> memref<1x64xi32, #tpu.memory_space<vmem>>
    %dma_wait3A_237 = tpu.memref_squeeze %dma_wait3A_236 : memref<1x64xi32, #tpu.memory_space<vmem>> -> memref<64xi32, #tpu.memory_space<vmem>>
    %dma_wait3A_238 = tpu.memref_slice %arg3[%dma_wait3A_232, %mul3A_231] : memref<2x320000xi32, #tpu.memory_space<hbm>> -> memref<1x64xi32, #tpu.memory_space<hbm>>
    %dma_wait3A_239 = tpu.memref_squeeze %dma_wait3A_238 : memref<1x64xi32, #tpu.memory_space<hbm>> -> memref<64xi32, #tpu.memory_space<hbm>>
    %dma_wait3A_240 = tpu.memref_slice %arg9[%dma_wait3A_234] : memref<12x!tpu.dma_semaphore, #tpu.memory_space<semaphore_mem>> -> memref<1x!tpu.dma_semaphore, #tpu.memory_space<semaphore_mem>>
    %dma_wait3A_241 = tpu.memref_squeeze %dma_wait3A_240 : memref<1x!tpu.dma_semaphore, #tpu.memory_space<semaphore_mem>> -> memref<!tpu.dma_semaphore, #tpu.memory_space<semaphore_mem>>
    %dma_wait3A_242 = arith.constant 0 : i32
    %dma_wait3A_243 = tpu.memref_slice %arg7[%dma_wait3A_233, %dma_wait3A_242] : memref<12x64xi32, #tpu.memory_space<vmem>> -> memref<1x64xi32, #tpu.memory_space<vmem>>
    %dma_wait3A_244 = tpu.memref_squeeze %dma_wait3A_243 : memref<1x64xi32, #tpu.memory_space<vmem>> -> memref<64xi32, #tpu.memory_space<vmem>>
    %dma_wait3A_245 = tpu.memref_slice %arg3[%dma_wait3A_232, %mul3A_231] : memref<2x320000xi32, #tpu.memory_space<hbm>> -> memref<1x64xi32, #tpu.memory_space<hbm>>
    %dma_wait3A_246 = tpu.memref_squeeze %dma_wait3A_245 : memref<1x64xi32, #tpu.memory_space<hbm>> -> memref<64xi32, #tpu.memory_space<hbm>>
    tpu.wait_dma2 semaphore(%dma_wait3A_241 : memref<!tpu.dma_semaphore, #tpu.memory_space<semaphore_mem>>) src(%dma_wait3A_246 : memref<64xi32, #tpu.memory_space<hbm>>) dst(%dma_wait3A_244 : memref<64xi32, #tpu.memory_space<vmem>>)
    %dma_wait3A_247 = arith.constant 1 : i32
    %dma_wait3A_248 = arith.constant 3 : i32
    %dma_wait3A_249 = arith.constant 3 : i32
    %dma_wait3A_250 = arith.constant 0 : i32
    %dma_wait3A_251 = tpu.memref_slice %arg7[%dma_wait3A_248, %dma_wait3A_250] : memref<12x64xi32, #tpu.memory_space<vmem>> -> memref<1x64xi32, #tpu.memory_space<vmem>>
    %dma_wait3A_252 = tpu.memref_squeeze %dma_wait3A_251 : memref<1x64xi32, #tpu.memory_space<vmem>> -> memref<64xi32, #tpu.memory_space<vmem>>
    %dma_wait3A_253 = tpu.memref_slice %arg3[%dma_wait3A_247, %mul3A_231] : memref<2x320000xi32, #tpu.memory_space<hbm>> -> memref<1x64xi32, #tpu.memory_space<hbm>>
    %dma_wait3A_254 = tpu.memref_squeeze %dma_wait3A_253 : memref<1x64xi32, #tpu.memory_space<hbm>> -> memref<64xi32, #tpu.memory_space<hbm>>
    %dma_wait3A_255 = tpu.memref_slice %arg9[%dma_wait3A_249] : memref<12x!tpu.dma_semaphore, #tpu.memory_space<semaphore_mem>> -> memref<1x!tpu.dma_semaphore, #tpu.memory_space<semaphore_mem>>
    %dma_wait3A_256 = tpu.memref_squeeze %dma_wait3A_255 : memref<1x!tpu.dma_semaphore, #tpu.memory_space<semaphore_mem>> -> memref<!tpu.dma_semaphore, #tpu.memory_space<semaphore_mem>>
    %dma_wait3A_257 = arith.constant 0 : i32
    %dma_wait3A_258 = tpu.memref_slice %arg7[%dma_wait3A_248, %dma_wait3A_257] : memref<12x64xi32, #tpu.memory_space<vmem>> -> memref<1x64xi32, #tpu.memory_space<vmem>>
    %dma_wait3A_259 = tpu.memref_squeeze %dma_wait3A_258 : memref<1x64xi32, #tpu.memory_space<vmem>> -> memref<64xi32, #tpu.memory_space<vmem>>
    %dma_wait3A_260 = tpu.memref_slice %arg3[%dma_wait3A_247, %mul3A_231] : memref<2x320000xi32, #tpu.memory_space<hbm>> -> memref<1x64xi32, #tpu.memory_space<hbm>>
    %dma_wait3A_261 = tpu.memref_squeeze %dma_wait3A_260 : memref<1x64xi32, #tpu.memory_space<hbm>> -> memref<64xi32, #tpu.memory_space<hbm>>
    tpu.wait_dma2 semaphore(%dma_wait3A_256 : memref<!tpu.dma_semaphore, #tpu.memory_space<semaphore_mem>>) src(%dma_wait3A_261 : memref<64xi32, #tpu.memory_space<hbm>>) dst(%dma_wait3A_259 : memref<64xi32, #tpu.memory_space<vmem>>)
    %dma_start3A_262 = arith.constant 2 : i32
    %dma_start3A_263 = arith.constant 1 : i32
    %dma_start3A_264 = arith.constant 1 : i32
    %dma_start3A_265 = arith.constant 0 : i32
    %dma_start3A_266 = arith.constant 0 : i32
    %dma_start3A_267 = tpu.memref_slice %arg8[%dma_start3A_263, %dma_start3A_265, %dma_start3A_266] : memref<5x64x128xf32, #tpu.memory_space<vmem>> -> memref<1x64x128xf32, #tpu.memory_space<vmem>>
    %dma_start3A_268 = tpu.memref_squeeze %dma_start3A_267 : memref<1x64x128xf32, #tpu.memory_space<vmem>> -> memref<64x128xf32, #tpu.memory_space<vmem>>
    %dma_start3A_269 = arith.constant 0 : i32
    %dma_start3A_270 = tpu.memref_slice %arg7[%dma_start3A_262, %dma_start3A_269] : memref<12x64xi32, #tpu.memory_space<vmem>> -> memref<1x64xi32, #tpu.memory_space<vmem>>
    %dma_start3A_271 = tpu.memref_squeeze %dma_start3A_270 : memref<1x64xi32, #tpu.memory_space<vmem>> -> memref<64xi32, #tpu.memory_space<vmem>>
    %dma_start3A_272 = arith.constant 0 : i32
    %dma_start3A_273 = arith.constant 0 : i32
    %dma_start3A_274 = tpu.memref_slice %arg2[%dma_start3A_272, %dma_start3A_273] : memref<10112x128xf32, #tpu.memory_space<hbm>> -> memref<10112x128xf32, #tpu.memory_space<hbm>>
    %dma_start3A_275 = tpu.memref_slice %arg10[%dma_start3A_264] : memref<5x!tpu.dma_semaphore, #tpu.memory_space<semaphore_mem>> -> memref<1x!tpu.dma_semaphore, #tpu.memory_space<semaphore_mem>>
    %dma_start3A_276 = tpu.memref_squeeze %dma_start3A_275 : memref<1x!tpu.dma_semaphore, #tpu.memory_space<semaphore_mem>> -> memref<!tpu.dma_semaphore, #tpu.memory_space<semaphore_mem>>
    tpu.enqueue_indirect_dma source(%dma_start3A_274 : memref<10112x128xf32, #tpu.memory_space<hbm>>) target(%dma_start3A_268 : memref<64x128xf32, #tpu.memory_space<vmem>>) offsets(%dma_start3A_271 : memref<64xi32, #tpu.memory_space<vmem>>) semaphore(%dma_start3A_276 : memref<!tpu.dma_semaphore, #tpu.memory_space<semaphore_mem>>)
    %add3A_277 = arith.constant 64 : i32
    %add3A_278 = arith.addi %add3A, %add3A_277 : i32
    %mul3A_279 = arith.constant 64 : i32
    %mul3A_280 = arith.muli %add3A_278, %mul3A_279 : i32
    %dma_wait3A_281 = arith.constant 0 : i32
    %dma_wait3A_282 = arith.constant 4 : i32
    %dma_wait3A_283 = arith.constant 4 : i32
    %dma_wait3A_284 = arith.constant 0 : i32
    %dma_wait3A_285 = tpu.memref_slice %arg7[%dma_wait3A_282, %dma_wait3A_284] : memref<12x64xi32, #tpu.memory_space<vmem>> -> memref<1x64xi32, #tpu.memory_space<vmem>>
    %dma_wait3A_286 = tpu.memref_squeeze %dma_wait3A_285 : memref<1x64xi32, #tpu.memory_space<vmem>> -> memref<64xi32, #tpu.memory_space<vmem>>
    %dma_wait3A_287 = tpu.memref_slice %arg3[%dma_wait3A_281, %mul3A_280] : memref<2x320000xi32, #tpu.memory_space<hbm>> -> memref<1x64xi32, #tpu.memory_space<hbm>>
    %dma_wait3A_288 = tpu.memref_squeeze %dma_wait3A_287 : memref<1x64xi32, #tpu.memory_space<hbm>> -> memref<64xi32, #tpu.memory_space<hbm>>
    %dma_wait3A_289 = tpu.memref_slice %arg9[%dma_wait3A_283] : memref<12x!tpu.dma_semaphore, #tpu.memory_space<semaphore_mem>> -> memref<1x!tpu.dma_semaphore, #tpu.memory_space<semaphore_mem>>
    %dma_wait3A_290 = tpu.memref_squeeze %dma_wait3A_289 : memref<1x!tpu.dma_semaphore, #tpu.memory_space<semaphore_mem>> -> memref<!tpu.dma_semaphore, #tpu.memory_space<semaphore_mem>>
    %dma_wait3A_291 = arith.constant 0 : i32
    %dma_wait3A_292 = tpu.memref_slice %arg7[%dma_wait3A_282, %dma_wait3A_291] : memref<12x64xi32, #tpu.memory_space<vmem>> -> memref<1x64xi32, #tpu.memory_space<vmem>>
    %dma_wait3A_293 = tpu.memref_squeeze %dma_wait3A_292 : memref<1x64xi32, #tpu.memory_space<vmem>> -> memref<64xi32, #tpu.memory_space<vmem>>
    %dma_wait3A_294 = tpu.memref_slice %arg3[%dma_wait3A_281, %mul3A_280] : memref<2x320000xi32, #tpu.memory_space<hbm>> -> memref<1x64xi32, #tpu.memory_space<hbm>>
    %dma_wait3A_295 = tpu.memref_squeeze %dma_wait3A_294 : memref<1x64xi32, #tpu.memory_space<hbm>> -> memref<64xi32, #tpu.memory_space<hbm>>
    tpu.wait_dma2 semaphore(%dma_wait3A_290 : memref<!tpu.dma_semaphore, #tpu.memory_space<semaphore_mem>>) src(%dma_wait3A_295 : memref<64xi32, #tpu.memory_space<hbm>>) dst(%dma_wait3A_293 : memref<64xi32, #tpu.memory_space<vmem>>)
    %dma_wait3A_296 = arith.constant 1 : i32
    %dma_wait3A_297 = arith.constant 5 : i32
    %dma_wait3A_298 = arith.constant 5 : i32
    %dma_wait3A_299 = arith.constant 0 : i32
    %dma_wait3A_300 = tpu.memref_slice %arg7[%dma_wait3A_297, %dma_wait3A_299] : memref<12x64xi32, #tpu.memory_space<vmem>> -> memref<1x64xi32, #tpu.memory_space<vmem>>
    %dma_wait3A_301 = tpu.memref_squeeze %dma_wait3A_300 : memref<1x64xi32, #tpu.memory_space<vmem>> -> memref<64xi32, #tpu.memory_space<vmem>>
    %dma_wait3A_302 = tpu.memref_slice %arg3[%dma_wait3A_296, %mul3A_280] : memref<2x320000xi32, #tpu.memory_space<hbm>> -> memref<1x64xi32, #tpu.memory_space<hbm>>
    %dma_wait3A_303 = tpu.memref_squeeze %dma_wait3A_302 : memref<1x64xi32, #tpu.memory_space<hbm>> -> memref<64xi32, #tpu.memory_space<hbm>>
    %dma_wait3A_304 = tpu.memref_slice %arg9[%dma_wait3A_298] : memref<12x!tpu.dma_semaphore, #tpu.memory_space<semaphore_mem>> -> memref<1x!tpu.dma_semaphore, #tpu.memory_space<semaphore_mem>>
    %dma_wait3A_305 = tpu.memref_squeeze %dma_wait3A_304 : memref<1x!tpu.dma_semaphore, #tpu.memory_space<semaphore_mem>> -> memref<!tpu.dma_semaphore, #tpu.memory_space<semaphore_mem>>
    %dma_wait3A_306 = arith.constant 0 : i32
    %dma_wait3A_307 = tpu.memref_slice %arg7[%dma_wait3A_297, %dma_wait3A_306] : memref<12x64xi32, #tpu.memory_space<vmem>> -> memref<1x64xi32, #tpu.memory_space<vmem>>
    %dma_wait3A_308 = tpu.memref_squeeze %dma_wait3A_307 : memref<1x64xi32, #tpu.memory_space<vmem>> -> memref<64xi32, #tpu.memory_space<vmem>>
    %dma_wait3A_309 = tpu.memref_slice %arg3[%dma_wait3A_296, %mul3A_280] : memref<2x320000xi32, #tpu.memory_space<hbm>> -> memref<1x64xi32, #tpu.memory_space<hbm>>
    %dma_wait3A_310 = tpu.memref_squeeze %dma_wait3A_309 : memref<1x64xi32, #tpu.memory_space<hbm>> -> memref<64xi32, #tpu.memory_space<hbm>>
    tpu.wait_dma2 semaphore(%dma_wait3A_305 : memref<!tpu.dma_semaphore, #tpu.memory_space<semaphore_mem>>) src(%dma_wait3A_310 : memref<64xi32, #tpu.memory_space<hbm>>) dst(%dma_wait3A_308 : memref<64xi32, #tpu.memory_space<vmem>>)
    %dma_start3A_311 = arith.constant 4 : i32
    %dma_start3A_312 = arith.constant 2 : i32
    %dma_start3A_313 = arith.constant 2 : i32
    %dma_start3A_314 = arith.constant 0 : i32
    %dma_start3A_315 = arith.constant 0 : i32
    %dma_start3A_316 = tpu.memref_slice %arg8[%dma_start3A_312, %dma_start3A_314, %dma_start3A_315] : memref<5x64x128xf32, #tpu.memory_space<vmem>> -> memref<1x64x128xf32, #tpu.memory_space<vmem>>
    %dma_start3A_317 = tpu.memref_squeeze %dma_start3A_316 : memref<1x64x128xf32, #tpu.memory_space<vmem>> -> memref<64x128xf32, #tpu.memory_space<vmem>>
    %dma_start3A_318 = arith.constant 0 : i32
    %dma_start3A_319 = tpu.memref_slice %arg7[%dma_start3A_311, %dma_start3A_318] : memref<12x64xi32, #tpu.memory_space<vmem>> -> memref<1x64xi32, #tpu.memory_space<vmem>>
    %dma_start3A_320 = tpu.memref_squeeze %dma_start3A_319 : memref<1x64xi32, #tpu.memory_space<vmem>> -> memref<64xi32, #tpu.memory_space<vmem>>
    %dma_start3A_321 = arith.constant 0 : i32
    %dma_start3A_322 = arith.constant 0 : i32
    %dma_start3A_323 = tpu.memref_slice %arg2[%dma_start3A_321, %dma_start3A_322] : memref<10112x128xf32, #tpu.memory_space<hbm>> -> memref<10112x128xf32, #tpu.memory_space<hbm>>
    %dma_start3A_324 = tpu.memref_slice %arg10[%dma_start3A_313] : memref<5x!tpu.dma_semaphore, #tpu.memory_space<semaphore_mem>> -> memref<1x!tpu.dma_semaphore, #tpu.memory_space<semaphore_mem>>
    %dma_start3A_325 = tpu.memref_squeeze %dma_start3A_324 : memref<1x!tpu.dma_semaphore, #tpu.memory_space<semaphore_mem>> -> memref<!tpu.dma_semaphore, #tpu.memory_space<semaphore_mem>>
    tpu.enqueue_indirect_dma source(%dma_start3A_323 : memref<10112x128xf32, #tpu.memory_space<hbm>>) target(%dma_start3A_317 : memref<64x128xf32, #tpu.memory_space<vmem>>) offsets(%dma_start3A_320 : memref<64xi32, #tpu.memory_space<vmem>>) semaphore(%dma_start3A_325 : memref<!tpu.dma_semaphore, #tpu.memory_space<semaphore_mem>>)
    %add3A_326 = arith.constant 96 : i32
    %add3A_327 = arith.addi %add3A, %add3A_326 : i32
    %mul3A_328 = arith.constant 64 : i32
    %mul3A_329 = arith.muli %add3A_327, %mul3A_328 : i32
    %dma_wait3A_330 = arith.constant 0 : i32
    %dma_wait3A_331 = arith.constant 6 : i32
    %dma_wait3A_332 = arith.constant 6 : i32
    %dma_wait3A_333 = arith.constant 0 : i32
    %dma_wait3A_334 = tpu.memref_slice %arg7[%dma_wait3A_331, %dma_wait3A_333] : memref<12x64xi32, #tpu.memory_space<vmem>> -> memref<1x64xi32, #tpu.memory_space<vmem>>
    %dma_wait3A_335 = tpu.memref_squeeze %dma_wait3A_334 : memref<1x64xi32, #tpu.memory_space<vmem>> -> memref<64xi32, #tpu.memory_space<vmem>>
    %dma_wait3A_336 = tpu.memref_slice %arg3[%dma_wait3A_330, %mul3A_329] : memref<2x320000xi32, #tpu.memory_space<hbm>> -> memref<1x64xi32, #tpu.memory_space<hbm>>
    %dma_wait3A_337 = tpu.memref_squeeze %dma_wait3A_336 : memref<1x64xi32, #tpu.memory_space<hbm>> -> memref<64xi32, #tpu.memory_space<hbm>>
    %dma_wait3A_338 = tpu.memref_slice %arg9[%dma_wait3A_332] : memref<12x!tpu.dma_semaphore, #tpu.memory_space<semaphore_mem>> -> memref<1x!tpu.dma_semaphore, #tpu.memory_space<semaphore_mem>>
    %dma_wait3A_339 = tpu.memref_squeeze %dma_wait3A_338 : memref<1x!tpu.dma_semaphore, #tpu.memory_space<semaphore_mem>> -> memref<!tpu.dma_semaphore, #tpu.memory_space<semaphore_mem>>
    %dma_wait3A_340 = arith.constant 0 : i32
    %dma_wait3A_341 = tpu.memref_slice %arg7[%dma_wait3A_331, %dma_wait3A_340] : memref<12x64xi32, #tpu.memory_space<vmem>> -> memref<1x64xi32, #tpu.memory_space<vmem>>
    %dma_wait3A_342 = tpu.memref_squeeze %dma_wait3A_341 : memref<1x64xi32, #tpu.memory_space<vmem>> -> memref<64xi32, #tpu.memory_space<vmem>>
    %dma_wait3A_343 = tpu.memref_slice %arg3[%dma_wait3A_330, %mul3A_329] : memref<2x320000xi32, #tpu.memory_space<hbm>> -> memref<1x64xi32, #tpu.memory_space<hbm>>
    %dma_wait3A_344 = tpu.memref_squeeze %dma_wait3A_343 : memref<1x64xi32, #tpu.memory_space<hbm>> -> memref<64xi32, #tpu.memory_space<hbm>>
    tpu.wait_dma2 semaphore(%dma_wait3A_339 : memref<!tpu.dma_semaphore, #tpu.memory_space<semaphore_mem>>) src(%dma_wait3A_344 : memref<64xi32, #tpu.memory_space<hbm>>) dst(%dma_wait3A_342 : memref<64xi32, #tpu.memory_space<vmem>>)
    %dma_wait3A_345 = arith.constant 1 : i32
    %dma_wait3A_346 = arith.constant 7 : i32
    %dma_wait3A_347 = arith.constant 7 : i32
    %dma_wait3A_348 = arith.constant 0 : i32
    %dma_wait3A_349 = tpu.memref_slice %arg7[%dma_wait3A_346, %dma_wait3A_348] : memref<12x64xi32, #tpu.memory_space<vmem>> -> memref<1x64xi32, #tpu.memory_space<vmem>>
    %dma_wait3A_350 = tpu.memref_squeeze %dma_wait3A_349 : memref<1x64xi32, #tpu.memory_space<vmem>> -> memref<64xi32, #tpu.memory_space<vmem>>
    %dma_wait3A_351 = tpu.memref_slice %arg3[%dma_wait3A_345, %mul3A_329] : memref<2x320000xi32, #tpu.memory_space<hbm>> -> memref<1x64xi32, #tpu.memory_space<hbm>>
    %dma_wait3A_352 = tpu.memref_squeeze %dma_wait3A_351 : memref<1x64xi32, #tpu.memory_space<hbm>> -> memref<64xi32, #tpu.memory_space<hbm>>
    %dma_wait3A_353 = tpu.memref_slice %arg9[%dma_wait3A_347] : memref<12x!tpu.dma_semaphore, #tpu.memory_space<semaphore_mem>> -> memref<1x!tpu.dma_semaphore, #tpu.memory_space<semaphore_mem>>
    %dma_wait3A_354 = tpu.memref_squeeze %dma_wait3A_353 : memref<1x!tpu.dma_semaphore, #tpu.memory_space<semaphore_mem>> -> memref<!tpu.dma_semaphore, #tpu.memory_space<semaphore_mem>>
    %dma_wait3A_355 = arith.constant 0 : i32
    %dma_wait3A_356 = tpu.memref_slice %arg7[%dma_wait3A_346, %dma_wait3A_355] : memref<12x64xi32, #tpu.memory_space<vmem>> -> memref<1x64xi32, #tpu.memory_space<vmem>>
    %dma_wait3A_357 = tpu.memref_squeeze %dma_wait3A_356 : memref<1x64xi32, #tpu.memory_space<vmem>> -> memref<64xi32, #tpu.memory_space<vmem>>
    %dma_wait3A_358 = tpu.memref_slice %arg3[%dma_wait3A_345, %mul3A_329] : memref<2x320000xi32, #tpu.memory_space<hbm>> -> memref<1x64xi32, #tpu.memory_space<hbm>>
    %dma_wait3A_359 = tpu.memref_squeeze %dma_wait3A_358 : memref<1x64xi32, #tpu.memory_space<hbm>> -> memref<64xi32, #tpu.memory_space<hbm>>
    tpu.wait_dma2 semaphore(%dma_wait3A_354 : memref<!tpu.dma_semaphore, #tpu.memory_space<semaphore_mem>>) src(%dma_wait3A_359 : memref<64xi32, #tpu.memory_space<hbm>>) dst(%dma_wait3A_357 : memref<64xi32, #tpu.memory_space<vmem>>)
    %dma_start3A_360 = arith.constant 6 : i32
    %dma_start3A_361 = arith.constant 3 : i32
    %dma_start3A_362 = arith.constant 3 : i32
    %dma_start3A_363 = arith.constant 0 : i32
    %dma_start3A_364 = arith.constant 0 : i32
    %dma_start3A_365 = tpu.memref_slice %arg8[%dma_start3A_361, %dma_start3A_363, %dma_start3A_364] : memref<5x64x128xf32, #tpu.memory_space<vmem>> -> memref<1x64x128xf32, #tpu.memory_space<vmem>>
    %dma_start3A_366 = tpu.memref_squeeze %dma_start3A_365 : memref<1x64x128xf32, #tpu.memory_space<vmem>> -> memref<64x128xf32, #tpu.memory_space<vmem>>
    %dma_start3A_367 = arith.constant 0 : i32
    %dma_start3A_368 = tpu.memref_slice %arg7[%dma_start3A_360, %dma_start3A_367] : memref<12x64xi32, #tpu.memory_space<vmem>> -> memref<1x64xi32, #tpu.memory_space<vmem>>
    %dma_start3A_369 = tpu.memref_squeeze %dma_start3A_368 : memref<1x64xi32, #tpu.memory_space<vmem>> -> memref<64xi32, #tpu.memory_space<vmem>>
    %dma_start3A_370 = arith.constant 0 : i32
    %dma_start3A_371 = arith.constant 0 : i32
    %dma_start3A_372 = tpu.memref_slice %arg2[%dma_start3A_370, %dma_start3A_371] : memref<10112x128xf32, #tpu.memory_space<hbm>> -> memref<10112x128xf32, #tpu.memory_space<hbm>>
    %dma_start3A_373 = tpu.memref_slice %arg10[%dma_start3A_362] : memref<5x!tpu.dma_semaphore, #tpu.memory_space<semaphore_mem>> -> memref<1x!tpu.dma_semaphore, #tpu.memory_space<semaphore_mem>>
    %dma_start3A_374 = tpu.memref_squeeze %dma_start3A_373 : memref<1x!tpu.dma_semaphore, #tpu.memory_space<semaphore_mem>> -> memref<!tpu.dma_semaphore, #tpu.memory_space<semaphore_mem>>
    tpu.enqueue_indirect_dma source(%dma_start3A_372 : memref<10112x128xf32, #tpu.memory_space<hbm>>) target(%dma_start3A_366 : memref<64x128xf32, #tpu.memory_space<vmem>>) offsets(%dma_start3A_369 : memref<64xi32, #tpu.memory_space<vmem>>) semaphore(%dma_start3A_374 : memref<!tpu.dma_semaphore, #tpu.memory_space<semaphore_mem>>)
    %dma_wait3A_375 = arith.constant 0 : i32
    %dma_wait3A_376 = tpu.memref_slice %arg6[%multiple_of3A, %dma_wait3A_375] : memref<10112x128xf32, #tpu.memory_space<vmem_shared>> -> memref<632x128xf32, #tpu.memory_space<vmem_shared>>
    %dma_wait3A_377 = arith.constant 0 : i32
    %dma_wait3A_378 = tpu.memref_slice %arg4[%multiple_of3A, %dma_wait3A_377] : memref<10112x128xf32, #tpu.memory_space<hbm>> -> memref<632x128xf32, #tpu.memory_space<hbm>>
    tpu.wait_dma2 semaphore(%arg11 : memref<!tpu.dma_semaphore, #tpu.memory_space<semaphore_mem>>) src(%dma_wait3A_378 : memref<632x128xf32, #tpu.memory_space<hbm>>) dst(%dma_wait3A_376 : memref<632x128xf32, #tpu.memory_space<vmem_shared>>)
    %barrier3A = arith.constant 0 : index
    tpu.barrier barrier_id(%barrier3A)
    %while3A = arith.constant 0 : i32
    %while3A_379 = arith.subi %add3A_4, %while3A : i32
    %while3A_380 = arith.addi %while3A, %while3A_379 : i32
    %while3A_381 = arith.constant 1 : i32
    %while3A_382 = arith.divsi %while3A_379, %while3A_381 : i32
    %while3A_383 = arith.muli %while3A_382, %while3A_381 : i32
    %while3A_384 = arith.addi %while3A, %while3A_383 : i32
    %while3A_385 = arith.constant 1 : i32
    scf.for %while3A_388 = %while3A to %while3A_384 step %while3A_385  : i32 {
      %add3A_389 = arith.constant 5 : i32
      %add3A_390 = arith.addi %while3A_388, %add3A_389 : i32
      %lt3A_391 = arith.cmpi slt, %add3A_390, %add3A_4 : i32
      %convert_element_type3A = arith.extui %lt3A_391 : i1 to i32
      %cond3A = arith.constant 0 : i32
      %cond3A_392 = arith.cmpi ne, %convert_element_type3A, %cond3A : i32
      scf.if %cond3A_392 {
        %add3A_493 = arith.constant 5 : i32
        %add3A_494 = arith.addi %while3A_388, %add3A_493 : i32
        %jit3A_495 = arith.constant 6 : i32
        %eq3A_496 = arith.constant 0 : i32
        %eq3A_497 = arith.cmpi eq, %jit3A_495, %eq3A_496 : i32
        %jit3A_498 = arith.constant 1 : i32
        %select_n3A_499 = arith.select %eq3A_497, %jit3A_498, %jit3A_495 : i32
        %rem3A_500 = arith.remsi %add3A_494, %select_n3A_499 : i32
        %ne3A_501 = arith.constant 0 : i32
        %ne3A_502 = arith.cmpi ne, %rem3A_500, %ne3A_501 : i32
        %lt3A_503 = arith.constant 0 : i32
        %lt3A_504 = arith.cmpi slt, %rem3A_500, %lt3A_503 : i32
        %lt3A_505 = arith.constant 0 : i32
        %lt3A_506 = arith.cmpi slt, %select_n3A_499, %lt3A_505 : i32
        %ne3A_507 = arith.xori %lt3A_504, %lt3A_506 : i1
        %and3A_508 = arith.andi %ne3A_507, %ne3A_502 : i1
        %add3A_509 = arith.addi %rem3A_500, %select_n3A_499 : i32
        %select_n3A_510 = arith.select %and3A_508, %add3A_509, %rem3A_500 : i32
        %mul3A_511 = arith.constant 32 : i32
        %mul3A_512 = arith.muli %add3A_494, %mul3A_511 : i32
        %add3A_513 = arith.addi %add3A, %mul3A_512 : i32
        %mul3A_514 = arith.constant 64 : i32
        %mul3A_515 = arith.muli %add3A_513, %mul3A_514 : i32
        %mul3A_516 = arith.constant 2 : i32
        %mul3A_517 = arith.muli %mul3A_516, %select_n3A_510 : i32
        %mul3A_518 = arith.constant 2 : i32
        %mul3A_519 = arith.muli %mul3A_518, %select_n3A_510 : i32
        %dma_start3A_520 = arith.constant 0 : i32
        %dma_start3A_521 = arith.constant 0 : i32
        %dma_start3A_522 = tpu.memref_slice %arg7[%mul3A_517, %dma_start3A_521] : memref<12x64xi32, #tpu.memory_space<vmem>> -> memref<1x64xi32, #tpu.memory_space<vmem>>
        %dma_start3A_523 = tpu.memref_squeeze %dma_start3A_522 : memref<1x64xi32, #tpu.memory_space<vmem>> -> memref<64xi32, #tpu.memory_space<vmem>>
        %dma_start3A_524 = tpu.memref_slice %arg3[%dma_start3A_520, %mul3A_515] : memref<2x320000xi32, #tpu.memory_space<hbm>> -> memref<1x64xi32, #tpu.memory_space<hbm>>
        %dma_start3A_525 = tpu.memref_squeeze %dma_start3A_524 : memref<1x64xi32, #tpu.memory_space<hbm>> -> memref<64xi32, #tpu.memory_space<hbm>>
        %dma_start3A_526 = tpu.memref_slice %arg9[%mul3A_519] : memref<12x!tpu.dma_semaphore, #tpu.memory_space<semaphore_mem>> -> memref<1x!tpu.dma_semaphore, #tpu.memory_space<semaphore_mem>>
        %dma_start3A_527 = tpu.memref_squeeze %dma_start3A_526 : memref<1x!tpu.dma_semaphore, #tpu.memory_space<semaphore_mem>> -> memref<!tpu.dma_semaphore, #tpu.memory_space<semaphore_mem>>
        %dma_start3A_528 = arith.constant 0 : i32
        %dma_start3A_529 = tpu.memref_slice %arg7[%mul3A_517, %dma_start3A_528] : memref<12x64xi32, #tpu.memory_space<vmem>> -> memref<1x64xi32, #tpu.memory_space<vmem>>
        %dma_start3A_530 = tpu.memref_squeeze %dma_start3A_529 : memref<1x64xi32, #tpu.memory_space<vmem>> -> memref<64xi32, #tpu.memory_space<vmem>>
        %dma_start3A_531 = tpu.memref_slice %arg3[%dma_start3A_520, %mul3A_515] : memref<2x320000xi32, #tpu.memory_space<hbm>> -> memref<1x64xi32, #tpu.memory_space<hbm>>
        %dma_start3A_532 = tpu.memref_squeeze %dma_start3A_531 : memref<1x64xi32, #tpu.memory_space<hbm>> -> memref<64xi32, #tpu.memory_space<hbm>>
        tpu.enqueue_dma source(%dma_start3A_532 : memref<64xi32, #tpu.memory_space<hbm>>) target(%dma_start3A_530 : memref<64xi32, #tpu.memory_space<vmem>>) target_semaphore(%dma_start3A_527 : memref<!tpu.dma_semaphore, #tpu.memory_space<semaphore_mem>>)
        %mul3A_533 = arith.constant 2 : i32
        %mul3A_534 = arith.muli %mul3A_533, %select_n3A_510 : i32
        %add3A_535 = arith.constant 1 : i32
        %add3A_536 = arith.addi %mul3A_534, %add3A_535 : i32
        %mul3A_537 = arith.constant 2 : i32
        %mul3A_538 = arith.muli %mul3A_537, %select_n3A_510 : i32
        %add3A_539 = arith.constant 1 : i32
        %add3A_540 = arith.addi %mul3A_538, %add3A_539 : i32
        %dma_start3A_541 = arith.constant 1 : i32
        %dma_start3A_542 = arith.constant 0 : i32
        %dma_start3A_543 = tpu.memref_slice %arg7[%add3A_536, %dma_start3A_542] : memref<12x64xi32, #tpu.memory_space<vmem>> -> memref<1x64xi32, #tpu.memory_space<vmem>>
        %dma_start3A_544 = tpu.memref_squeeze %dma_start3A_543 : memref<1x64xi32, #tpu.memory_space<vmem>> -> memref<64xi32, #tpu.memory_space<vmem>>
        %dma_start3A_545 = tpu.memref_slice %arg3[%dma_start3A_541, %mul3A_515] : memref<2x320000xi32, #tpu.memory_space<hbm>> -> memref<1x64xi32, #tpu.memory_space<hbm>>
        %dma_start3A_546 = tpu.memref_squeeze %dma_start3A_545 : memref<1x64xi32, #tpu.memory_space<hbm>> -> memref<64xi32, #tpu.memory_space<hbm>>
        %dma_start3A_547 = tpu.memref_slice %arg9[%add3A_540] : memref<12x!tpu.dma_semaphore, #tpu.memory_space<semaphore_mem>> -> memref<1x!tpu.dma_semaphore, #tpu.memory_space<semaphore_mem>>
        %dma_start3A_548 = tpu.memref_squeeze %dma_start3A_547 : memref<1x!tpu.dma_semaphore, #tpu.memory_space<semaphore_mem>> -> memref<!tpu.dma_semaphore, #tpu.memory_space<semaphore_mem>>
        %dma_start3A_549 = arith.constant 0 : i32
        %dma_start3A_550 = tpu.memref_slice %arg7[%add3A_536, %dma_start3A_549] : memref<12x64xi32, #tpu.memory_space<vmem>> -> memref<1x64xi32, #tpu.memory_space<vmem>>
        %dma_start3A_551 = tpu.memref_squeeze %dma_start3A_550 : memref<1x64xi32, #tpu.memory_space<vmem>> -> memref<64xi32, #tpu.memory_space<vmem>>
        %dma_start3A_552 = tpu.memref_slice %arg3[%dma_start3A_541, %mul3A_515] : memref<2x320000xi32, #tpu.memory_space<hbm>> -> memref<1x64xi32, #tpu.memory_space<hbm>>
        %dma_start3A_553 = tpu.memref_squeeze %dma_start3A_552 : memref<1x64xi32, #tpu.memory_space<hbm>> -> memref<64xi32, #tpu.memory_space<hbm>>
        tpu.enqueue_dma source(%dma_start3A_553 : memref<64xi32, #tpu.memory_space<hbm>>) target(%dma_start3A_551 : memref<64xi32, #tpu.memory_space<vmem>>) target_semaphore(%dma_start3A_548 : memref<!tpu.dma_semaphore, #tpu.memory_space<semaphore_mem>>)
      } else {
      }
      %add3A_393 = arith.constant 4 : i32
      %add3A_394 = arith.addi %while3A_388, %add3A_393 : i32
      %lt3A_395 = arith.cmpi slt, %add3A_394, %add3A_4 : i32
      %convert_element_type3A_396 = arith.extui %lt3A_395 : i1 to i32
      %cond3A_397 = arith.constant 0 : i32
      %cond3A_398 = arith.cmpi ne, %convert_element_type3A_396, %cond3A_397 : i32
      scf.if %cond3A_398 {
        %add3A_493 = arith.constant 4 : i32
        %add3A_494 = arith.addi %while3A_388, %add3A_493 : i32
        %jit3A_495 = arith.constant 6 : i32
        %eq3A_496 = arith.constant 0 : i32
        %eq3A_497 = arith.cmpi eq, %jit3A_495, %eq3A_496 : i32
        %jit3A_498 = arith.constant 1 : i32
        %select_n3A_499 = arith.select %eq3A_497, %jit3A_498, %jit3A_495 : i32
        %rem3A_500 = arith.remsi %add3A_494, %select_n3A_499 : i32
        %ne3A_501 = arith.constant 0 : i32
        %ne3A_502 = arith.cmpi ne, %rem3A_500, %ne3A_501 : i32
        %lt3A_503 = arith.constant 0 : i32
        %lt3A_504 = arith.cmpi slt, %rem3A_500, %lt3A_503 : i32
        %lt3A_505 = arith.constant 0 : i32
        %lt3A_506 = arith.cmpi slt, %select_n3A_499, %lt3A_505 : i32
        %ne3A_507 = arith.xori %lt3A_504, %lt3A_506 : i1
        %and3A_508 = arith.andi %ne3A_507, %ne3A_502 : i1
        %add3A_509 = arith.addi %rem3A_500, %select_n3A_499 : i32
        %select_n3A_510 = arith.select %and3A_508, %add3A_509, %rem3A_500 : i32
        %mul3A_511 = arith.constant 32 : i32
        %mul3A_512 = arith.muli %add3A_494, %mul3A_511 : i32
        %add3A_513 = arith.addi %add3A, %mul3A_512 : i32
        %mul3A_514 = arith.constant 64 : i32
        %mul3A_515 = arith.muli %add3A_513, %mul3A_514 : i32
        %mul3A_516 = arith.constant 2 : i32
        %mul3A_517 = arith.muli %mul3A_516, %select_n3A_510 : i32
        %mul3A_518 = arith.constant 2 : i32
        %mul3A_519 = arith.muli %mul3A_518, %select_n3A_510 : i32
        %dma_wait3A_520 = arith.constant 0 : i32
        %dma_wait3A_521 = arith.constant 0 : i32
        %dma_wait3A_522 = tpu.memref_slice %arg7[%mul3A_517, %dma_wait3A_521] : memref<12x64xi32, #tpu.memory_space<vmem>> -> memref<1x64xi32, #tpu.memory_space<vmem>>
        %dma_wait3A_523 = tpu.memref_squeeze %dma_wait3A_522 : memref<1x64xi32, #tpu.memory_space<vmem>> -> memref<64xi32, #tpu.memory_space<vmem>>
        %dma_wait3A_524 = tpu.memref_slice %arg3[%dma_wait3A_520, %mul3A_515] : memref<2x320000xi32, #tpu.memory_space<hbm>> -> memref<1x64xi32, #tpu.memory_space<hbm>>
        %dma_wait3A_525 = tpu.memref_squeeze %dma_wait3A_524 : memref<1x64xi32, #tpu.memory_space<hbm>> -> memref<64xi32, #tpu.memory_space<hbm>>
        %dma_wait3A_526 = tpu.memref_slice %arg9[%mul3A_519] : memref<12x!tpu.dma_semaphore, #tpu.memory_space<semaphore_mem>> -> memref<1x!tpu.dma_semaphore, #tpu.memory_space<semaphore_mem>>
        %dma_wait3A_527 = tpu.memref_squeeze %dma_wait3A_526 : memref<1x!tpu.dma_semaphore, #tpu.memory_space<semaphore_mem>> -> memref<!tpu.dma_semaphore, #tpu.memory_space<semaphore_mem>>
        %dma_wait3A_528 = arith.constant 0 : i32
        %dma_wait3A_529 = tpu.memref_slice %arg7[%mul3A_517, %dma_wait3A_528] : memref<12x64xi32, #tpu.memory_space<vmem>> -> memref<1x64xi32, #tpu.memory_space<vmem>>
        %dma_wait3A_530 = tpu.memref_squeeze %dma_wait3A_529 : memref<1x64xi32, #tpu.memory_space<vmem>> -> memref<64xi32, #tpu.memory_space<vmem>>
        %dma_wait3A_531 = tpu.memref_slice %arg3[%dma_wait3A_520, %mul3A_515] : memref<2x320000xi32, #tpu.memory_space<hbm>> -> memref<1x64xi32, #tpu.memory_space<hbm>>
        %dma_wait3A_532 = tpu.memref_squeeze %dma_wait3A_531 : memref<1x64xi32, #tpu.memory_space<hbm>> -> memref<64xi32, #tpu.memory_space<hbm>>
        tpu.wait_dma2 semaphore(%dma_wait3A_527 : memref<!tpu.dma_semaphore, #tpu.memory_space<semaphore_mem>>) src(%dma_wait3A_532 : memref<64xi32, #tpu.memory_space<hbm>>) dst(%dma_wait3A_530 : memref<64xi32, #tpu.memory_space<vmem>>)
        %mul3A_533 = arith.constant 2 : i32
        %mul3A_534 = arith.muli %mul3A_533, %select_n3A_510 : i32
        %add3A_535 = arith.constant 1 : i32
        %add3A_536 = arith.addi %mul3A_534, %add3A_535 : i32
        %mul3A_537 = arith.constant 2 : i32
        %mul3A_538 = arith.muli %mul3A_537, %select_n3A_510 : i32
        %add3A_539 = arith.constant 1 : i32
        %add3A_540 = arith.addi %mul3A_538, %add3A_539 : i32
        %dma_wait3A_541 = arith.constant 1 : i32
        %dma_wait3A_542 = arith.constant 0 : i32
        %dma_wait3A_543 = tpu.memref_slice %arg7[%add3A_536, %dma_wait3A_542] : memref<12x64xi32, #tpu.memory_space<vmem>> -> memref<1x64xi32, #tpu.memory_space<vmem>>
        %dma_wait3A_544 = tpu.memref_squeeze %dma_wait3A_543 : memref<1x64xi32, #tpu.memory_space<vmem>> -> memref<64xi32, #tpu.memory_space<vmem>>
        %dma_wait3A_545 = tpu.memref_slice %arg3[%dma_wait3A_541, %mul3A_515] : memref<2x320000xi32, #tpu.memory_space<hbm>> -> memref<1x64xi32, #tpu.memory_space<hbm>>
        %dma_wait3A_546 = tpu.memref_squeeze %dma_wait3A_545 : memref<1x64xi32, #tpu.memory_space<hbm>> -> memref<64xi32, #tpu.memory_space<hbm>>
        %dma_wait3A_547 = tpu.memref_slice %arg9[%add3A_540] : memref<12x!tpu.dma_semaphore, #tpu.memory_space<semaphore_mem>> -> memref<1x!tpu.dma_semaphore, #tpu.memory_space<semaphore_mem>>
        %dma_wait3A_548 = tpu.memref_squeeze %dma_wait3A_547 : memref<1x!tpu.dma_semaphore, #tpu.memory_space<semaphore_mem>> -> memref<!tpu.dma_semaphore, #tpu.memory_space<semaphore_mem>>
        %dma_wait3A_549 = arith.constant 0 : i32
        %dma_wait3A_550 = tpu.memref_slice %arg7[%add3A_536, %dma_wait3A_549] : memref<12x64xi32, #tpu.memory_space<vmem>> -> memref<1x64xi32, #tpu.memory_space<vmem>>
        %dma_wait3A_551 = tpu.memref_squeeze %dma_wait3A_550 : memref<1x64xi32, #tpu.memory_space<vmem>> -> memref<64xi32, #tpu.memory_space<vmem>>
        %dma_wait3A_552 = tpu.memref_slice %arg3[%dma_wait3A_541, %mul3A_515] : memref<2x320000xi32, #tpu.memory_space<hbm>> -> memref<1x64xi32, #tpu.memory_space<hbm>>
        %dma_wait3A_553 = tpu.memref_squeeze %dma_wait3A_552 : memref<1x64xi32, #tpu.memory_space<hbm>> -> memref<64xi32, #tpu.memory_space<hbm>>
        tpu.wait_dma2 semaphore(%dma_wait3A_548 : memref<!tpu.dma_semaphore, #tpu.memory_space<semaphore_mem>>) src(%dma_wait3A_553 : memref<64xi32, #tpu.memory_space<hbm>>) dst(%dma_wait3A_551 : memref<64xi32, #tpu.memory_space<vmem>>)
        %add3A_554 = arith.constant 4 : i32
        %add3A_555 = arith.addi %while3A_388, %add3A_554 : i32
        %jit3A_556 = arith.constant 6 : i32
        %eq3A_557 = arith.constant 0 : i32
        %eq3A_558 = arith.cmpi eq, %jit3A_556, %eq3A_557 : i32
        %jit3A_559 = arith.constant 1 : i32
        %select_n3A_560 = arith.select %eq3A_558, %jit3A_559, %jit3A_556 : i32
        %rem3A_561 = arith.remsi %add3A_555, %select_n3A_560 : i32
        %ne3A_562 = arith.constant 0 : i32
        %ne3A_563 = arith.cmpi ne, %rem3A_561, %ne3A_562 : i32
        %lt3A_564 = arith.constant 0 : i32
        %lt3A_565 = arith.cmpi slt, %rem3A_561, %lt3A_564 : i32
        %lt3A_566 = arith.constant 0 : i32
        %lt3A_567 = arith.cmpi slt, %select_n3A_560, %lt3A_566 : i32
        %ne3A_568 = arith.xori %lt3A_565, %lt3A_567 : i1
        %and3A_569 = arith.andi %ne3A_568, %ne3A_563 : i1
        %add3A_570 = arith.addi %rem3A_561, %select_n3A_560 : i32
        %select_n3A_571 = arith.select %and3A_569, %add3A_570, %rem3A_561 : i32
        %mul3A_572 = arith.constant 2 : i32
        %mul3A_573 = arith.muli %mul3A_572, %select_n3A_571 : i32
        %jit3A_574 = arith.constant 5 : i32
        %eq3A_575 = arith.constant 0 : i32
        %eq3A_576 = arith.cmpi eq, %jit3A_574, %eq3A_575 : i32
        %jit3A_577 = arith.constant 1 : i32
        %select_n3A_578 = arith.select %eq3A_576, %jit3A_577, %jit3A_574 : i32
        %rem3A_579 = arith.remsi %add3A_555, %select_n3A_578 : i32
        %ne3A_580 = arith.constant 0 : i32
        %ne3A_581 = arith.cmpi ne, %rem3A_579, %ne3A_580 : i32
        %lt3A_582 = arith.constant 0 : i32
        %lt3A_583 = arith.cmpi slt, %rem3A_579, %lt3A_582 : i32
        %lt3A_584 = arith.constant 0 : i32
        %lt3A_585 = arith.cmpi slt, %select_n3A_578, %lt3A_584 : i32
        %ne3A_586 = arith.xori %lt3A_583, %lt3A_585 : i1
        %and3A_587 = arith.andi %ne3A_586, %ne3A_581 : i1
        %add3A_588 = arith.addi %rem3A_579, %select_n3A_578 : i32
        %select_n3A_589 = arith.select %and3A_587, %add3A_588, %rem3A_579 : i32
        %jit3A_590 = arith.constant 5 : i32
        %eq3A_591 = arith.constant 0 : i32
        %eq3A_592 = arith.cmpi eq, %jit3A_590, %eq3A_591 : i32
        %jit3A_593 = arith.constant 1 : i32
        %select_n3A_594 = arith.select %eq3A_592, %jit3A_593, %jit3A_590 : i32
        %rem3A_595 = arith.remsi %add3A_555, %select_n3A_594 : i32
        %ne3A_596 = arith.constant 0 : i32
        %ne3A_597 = arith.cmpi ne, %rem3A_595, %ne3A_596 : i32
        %lt3A_598 = arith.constant 0 : i32
        %lt3A_599 = arith.cmpi slt, %rem3A_595, %lt3A_598 : i32
        %lt3A_600 = arith.constant 0 : i32
        %lt3A_601 = arith.cmpi slt, %select_n3A_594, %lt3A_600 : i32
        %ne3A_602 = arith.xori %lt3A_599, %lt3A_601 : i1
        %and3A_603 = arith.andi %ne3A_602, %ne3A_597 : i1
        %add3A_604 = arith.addi %rem3A_595, %select_n3A_594 : i32
        %select_n3A_605 = arith.select %and3A_603, %add3A_604, %rem3A_595 : i32
        %dma_start3A_606 = arith.constant 0 : i32
        %dma_start3A_607 = arith.constant 0 : i32
        %dma_start3A_608 = tpu.memref_slice %arg8[%select_n3A_589, %dma_start3A_606, %dma_start3A_607] : memref<5x64x128xf32, #tpu.memory_space<vmem>> -> memref<1x64x128xf32, #tpu.memory_space<vmem>>
        %dma_start3A_609 = tpu.memref_squeeze %dma_start3A_608 : memref<1x64x128xf32, #tpu.memory_space<vmem>> -> memref<64x128xf32, #tpu.memory_space<vmem>>
        %dma_start3A_610 = arith.constant 0 : i32
        %dma_start3A_611 = tpu.memref_slice %arg7[%mul3A_573, %dma_start3A_610] : memref<12x64xi32, #tpu.memory_space<vmem>> -> memref<1x64xi32, #tpu.memory_space<vmem>>
        %dma_start3A_612 = tpu.memref_squeeze %dma_start3A_611 : memref<1x64xi32, #tpu.memory_space<vmem>> -> memref<64xi32, #tpu.memory_space<vmem>>
        %dma_start3A_613 = arith.constant 0 : i32
        %dma_start3A_614 = arith.constant 0 : i32
        %dma_start3A_615 = tpu.memref_slice %arg2[%dma_start3A_613, %dma_start3A_614] : memref<10112x128xf32, #tpu.memory_space<hbm>> -> memref<10112x128xf32, #tpu.memory_space<hbm>>
        %dma_start3A_616 = tpu.memref_slice %arg10[%select_n3A_605] : memref<5x!tpu.dma_semaphore, #tpu.memory_space<semaphore_mem>> -> memref<1x!tpu.dma_semaphore, #tpu.memory_space<semaphore_mem>>
        %dma_start3A_617 = tpu.memref_squeeze %dma_start3A_616 : memref<1x!tpu.dma_semaphore, #tpu.memory_space<semaphore_mem>> -> memref<!tpu.dma_semaphore, #tpu.memory_space<semaphore_mem>>
        tpu.enqueue_indirect_dma source(%dma_start3A_615 : memref<10112x128xf32, #tpu.memory_space<hbm>>) target(%dma_start3A_609 : memref<64x128xf32, #tpu.memory_space<vmem>>) offsets(%dma_start3A_612 : memref<64xi32, #tpu.memory_space<vmem>>) semaphore(%dma_start3A_617 : memref<!tpu.dma_semaphore, #tpu.memory_space<semaphore_mem>>)
      } else {
      }
      %jit3A_399 = arith.constant 6 : i32
      %eq3A = arith.constant 0 : i32
      %eq3A_400 = arith.cmpi eq, %jit3A_399, %eq3A : i32
      %jit3A_401 = arith.constant 1 : i32
      %select_n3A_402 = arith.select %eq3A_400, %jit3A_401, %jit3A_399 : i32
      %rem3A = arith.remsi %while3A_388, %select_n3A_402 : i32
      %ne3A = arith.constant 0 : i32
      %ne3A_403 = arith.cmpi ne, %rem3A, %ne3A : i32
      %lt3A_404 = arith.constant 0 : i32
      %lt3A_405 = arith.cmpi slt, %rem3A, %lt3A_404 : i32
      %lt3A_406 = arith.constant 0 : i32
      %lt3A_407 = arith.cmpi slt, %select_n3A_402, %lt3A_406 : i32
      %ne3A_408 = arith.xori %lt3A_405, %lt3A_407 : i1
      %and3A = arith.andi %ne3A_408, %ne3A_403 : i1
      %add3A_409 = arith.addi %rem3A, %select_n3A_402 : i32
      %select_n3A_410 = arith.select %and3A, %add3A_409, %rem3A : i32
      %mul3A_411 = arith.constant 2 : i32
      %mul3A_412 = arith.muli %mul3A_411, %select_n3A_410 : i32
      %jit3A_413 = arith.constant 5 : i32
      %eq3A_414 = arith.constant 0 : i32
      %eq3A_415 = arith.cmpi eq, %jit3A_413, %eq3A_414 : i32
      %jit3A_416 = arith.constant 1 : i32
      %select_n3A_417 = arith.select %eq3A_415, %jit3A_416, %jit3A_413 : i32
      %rem3A_418 = arith.remsi %while3A_388, %select_n3A_417 : i32
      %ne3A_419 = arith.constant 0 : i32
      %ne3A_420 = arith.cmpi ne, %rem3A_418, %ne3A_419 : i32
      %lt3A_421 = arith.constant 0 : i32
      %lt3A_422 = arith.cmpi slt, %rem3A_418, %lt3A_421 : i32
      %lt3A_423 = arith.constant 0 : i32
      %lt3A_424 = arith.cmpi slt, %select_n3A_417, %lt3A_423 : i32
      %ne3A_425 = arith.xori %lt3A_422, %lt3A_424 : i1
      %and3A_426 = arith.andi %ne3A_425, %ne3A_420 : i1
      %add3A_427 = arith.addi %rem3A_418, %select_n3A_417 : i32
      %select_n3A_428 = arith.select %and3A_426, %add3A_427, %rem3A_418 : i32
      %jit3A_429 = arith.constant 5 : i32
      %eq3A_430 = arith.constant 0 : i32
      %eq3A_431 = arith.cmpi eq, %jit3A_429, %eq3A_430 : i32
      %jit3A_432 = arith.constant 1 : i32
      %select_n3A_433 = arith.select %eq3A_431, %jit3A_432, %jit3A_429 : i32
      %rem3A_434 = arith.remsi %while3A_388, %select_n3A_433 : i32
      %ne3A_435 = arith.constant 0 : i32
      %ne3A_436 = arith.cmpi ne, %rem3A_434, %ne3A_435 : i32
      %lt3A_437 = arith.constant 0 : i32
      %lt3A_438 = arith.cmpi slt, %rem3A_434, %lt3A_437 : i32
      %lt3A_439 = arith.constant 0 : i32
      %lt3A_440 = arith.cmpi slt, %select_n3A_433, %lt3A_439 : i32
      %ne3A_441 = arith.xori %lt3A_438, %lt3A_440 : i1
      %and3A_442 = arith.andi %ne3A_441, %ne3A_436 : i1
      %add3A_443 = arith.addi %rem3A_434, %select_n3A_433 : i32
      %select_n3A_444 = arith.select %and3A_442, %add3A_443, %rem3A_434 : i32
      %dma_wait3A_445 = arith.constant 0 : i32
      %dma_wait3A_446 = arith.constant 0 : i32
      %dma_wait3A_447 = tpu.memref_slice %arg8[%select_n3A_428, %dma_wait3A_445, %dma_wait3A_446] : memref<5x64x128xf32, #tpu.memory_space<vmem>> -> memref<1x64x128xf32, #tpu.memory_space<vmem>>
      %dma_wait3A_448 = tpu.memref_squeeze %dma_wait3A_447 : memref<1x64x128xf32, #tpu.memory_space<vmem>> -> memref<64x128xf32, #tpu.memory_space<vmem>>
      %dma_wait3A_449 = arith.constant 0 : i32
      %dma_wait3A_450 = tpu.memref_slice %arg7[%mul3A_412, %dma_wait3A_449] : memref<12x64xi32, #tpu.memory_space<vmem>> -> memref<1x64xi32, #tpu.memory_space<vmem>>
      %dma_wait3A_451 = tpu.memref_squeeze %dma_wait3A_450 : memref<1x64xi32, #tpu.memory_space<vmem>> -> memref<64xi32, #tpu.memory_space<vmem>>
      %dma_wait3A_452 = arith.constant 0 : i32
      %dma_wait3A_453 = arith.constant 0 : i32
      %dma_wait3A_454 = tpu.memref_slice %arg2[%dma_wait3A_452, %dma_wait3A_453] : memref<10112x128xf32, #tpu.memory_space<hbm>> -> memref<10112x128xf32, #tpu.memory_space<hbm>>
      %dma_wait3A_455 = tpu.memref_slice %arg10[%select_n3A_444] : memref<5x!tpu.dma_semaphore, #tpu.memory_space<semaphore_mem>> -> memref<1x!tpu.dma_semaphore, #tpu.memory_space<semaphore_mem>>
      %dma_wait3A_456 = tpu.memref_squeeze %dma_wait3A_455 : memref<1x!tpu.dma_semaphore, #tpu.memory_space<semaphore_mem>> -> memref<!tpu.dma_semaphore, #tpu.memory_space<semaphore_mem>>
      tpu.wait_indirect_dma semaphore(%dma_wait3A_456 : memref<!tpu.dma_semaphore, #tpu.memory_space<semaphore_mem>>) src(%dma_wait3A_454 : memref<10112x128xf32, #tpu.memory_space<hbm>>) dst(%dma_wait3A_448 : memref<64x128xf32, #tpu.memory_space<vmem>>)
      %jit3A_457 = arith.constant 5 : i32
      %eq3A_458 = arith.constant 0 : i32
      %eq3A_459 = arith.cmpi eq, %jit3A_457, %eq3A_458 : i32
      %jit3A_460 = arith.constant 1 : i32
      %select_n3A_461 = arith.select %eq3A_459, %jit3A_460, %jit3A_457 : i32
      %rem3A_462 = arith.remsi %while3A_388, %select_n3A_461 : i32
      %ne3A_463 = arith.constant 0 : i32
      %ne3A_464 = arith.cmpi ne, %rem3A_462, %ne3A_463 : i32
      %lt3A_465 = arith.constant 0 : i32
      %lt3A_466 = arith.cmpi slt, %rem3A_462, %lt3A_465 : i32
      %lt3A_467 = arith.constant 0 : i32
      %lt3A_468 = arith.cmpi slt, %select_n3A_461, %lt3A_467 : i32
      %ne3A_469 = arith.xori %lt3A_466, %lt3A_468 : i1
      %and3A_470 = arith.andi %ne3A_469, %ne3A_464 : i1
      %add3A_471 = arith.addi %rem3A_462, %select_n3A_461 : i32
      %select_n3A_472 = arith.select %and3A_470, %add3A_471, %rem3A_462 : i32
      %jit3A_473 = arith.constant 6 : i32
      %eq3A_474 = arith.constant 0 : i32
      %eq3A_475 = arith.cmpi eq, %jit3A_473, %eq3A_474 : i32
      %jit3A_476 = arith.constant 1 : i32
      %select_n3A_477 = arith.select %eq3A_475, %jit3A_476, %jit3A_473 : i32
      %rem3A_478 = arith.remsi %while3A_388, %select_n3A_477 : i32
      %ne3A_479 = arith.constant 0 : i32
      %ne3A_480 = arith.cmpi ne, %rem3A_478, %ne3A_479 : i32
      %lt3A_481 = arith.constant 0 : i32
      %lt3A_482 = arith.cmpi slt, %rem3A_478, %lt3A_481 : i32
      %lt3A_483 = arith.constant 0 : i32
      %lt3A_484 = arith.cmpi slt, %select_n3A_477, %lt3A_483 : i32
      %ne3A_485 = arith.xori %lt3A_482, %lt3A_484 : i1
      %and3A_486 = arith.andi %ne3A_485, %ne3A_480 : i1
      %add3A_487 = arith.addi %rem3A_478, %select_n3A_477 : i32
      %select_n3A_488 = arith.select %and3A_486, %add3A_487, %rem3A_478 : i32
      %mul3A_489 = arith.constant 2 : i32
      %mul3A_490 = arith.muli %mul3A_489, %select_n3A_488 : i32
      %add3A_491 = arith.constant 1 : i32
      %add3A_492 = arith.addi %mul3A_490, %add3A_491 : i32
      "tpu.region"() ({
        %run_scoped3A = tpu.sem_alloc : memref<!tpu.dma_semaphore, #tpu.memory_space<semaphore_mem>>
        %dma_start3A_493 = arith.constant 0 : i32
        %dma_start3A_494 = arith.constant 0 : i32
        %dma_start3A_495 = tpu.memref_slice %arg8[%select_n3A_472, %dma_start3A_493, %dma_start3A_494] : memref<5x64x128xf32, #tpu.memory_space<vmem>> -> memref<1x64x128xf32, #tpu.memory_space<vmem>>
        %dma_start3A_496 = tpu.memref_squeeze %dma_start3A_495 : memref<1x64x128xf32, #tpu.memory_space<vmem>> -> memref<64x128xf32, #tpu.memory_space<vmem>>
        %dma_start3A_497 = arith.constant 0 : i32
        %dma_start3A_498 = tpu.memref_slice %arg7[%add3A_492, %dma_start3A_497] : memref<12x64xi32, #tpu.memory_space<vmem>> -> memref<1x64xi32, #tpu.memory_space<vmem>>
        %dma_start3A_499 = tpu.memref_squeeze %dma_start3A_498 : memref<1x64xi32, #tpu.memory_space<vmem>> -> memref<64xi32, #tpu.memory_space<vmem>>
        %dma_start3A_500 = arith.constant 0 : i32
        %dma_start3A_501 = arith.constant 0 : i32
        %dma_start3A_502 = tpu.memref_slice %arg6[%dma_start3A_500, %dma_start3A_501] : memref<10112x128xf32, #tpu.memory_space<vmem_shared>> -> memref<10112x128xf32, #tpu.memory_space<vmem_shared>>
        tpu.enqueue_indirect_dma source(%dma_start3A_496 : memref<64x128xf32, #tpu.memory_space<vmem>>) target(%dma_start3A_502 : memref<10112x128xf32, #tpu.memory_space<vmem_shared>>) offsets(%dma_start3A_499 : memref<64xi32, #tpu.memory_space<vmem>>) semaphore(%run_scoped3A : memref<!tpu.dma_semaphore, #tpu.memory_space<semaphore_mem>>) {add = true}
        %dma_wait3A_503 = arith.constant 0 : i32
        %dma_wait3A_504 = arith.constant 0 : i32
        %dma_wait3A_505 = tpu.memref_slice %arg8[%select_n3A_472, %dma_wait3A_503, %dma_wait3A_504] : memref<5x64x128xf32, #tpu.memory_space<vmem>> -> memref<1x64x128xf32, #tpu.memory_space<vmem>>
        %dma_wait3A_506 = tpu.memref_squeeze %dma_wait3A_505 : memref<1x64x128xf32, #tpu.memory_space<vmem>> -> memref<64x128xf32, #tpu.memory_space<vmem>>
        %dma_wait3A_507 = arith.constant 0 : i32
        %dma_wait3A_508 = tpu.memref_slice %arg7[%add3A_492, %dma_wait3A_507] : memref<12x64xi32, #tpu.memory_space<vmem>> -> memref<1x64xi32, #tpu.memory_space<vmem>>
        %dma_wait3A_509 = tpu.memref_squeeze %dma_wait3A_508 : memref<1x64xi32, #tpu.memory_space<vmem>> -> memref<64xi32, #tpu.memory_space<vmem>>
        %dma_wait3A_510 = arith.constant 0 : i32
        %dma_wait3A_511 = arith.constant 0 : i32
        %dma_wait3A_512 = tpu.memref_slice %arg6[%dma_wait3A_510, %dma_wait3A_511] : memref<10112x128xf32, #tpu.memory_space<vmem_shared>> -> memref<10112x128xf32, #tpu.memory_space<vmem_shared>>
        tpu.wait_indirect_dma semaphore(%run_scoped3A : memref<!tpu.dma_semaphore, #tpu.memory_space<semaphore_mem>>) src(%dma_wait3A_506 : memref<64x128xf32, #tpu.memory_space<vmem>>) dst(%dma_wait3A_512 : memref<10112x128xf32, #tpu.memory_space<vmem_shared>>)
        tpu.yield
      }) : () -> ()
    }
    %while3A_386 = arith.constant 1 : i32
    scf.for %while3A_388 = %while3A_384 to %while3A_380 step %while3A_386  : i32 {
      %add3A_389 = arith.constant 5 : i32
      %add3A_390 = arith.addi %while3A_388, %add3A_389 : i32
      %lt3A_391 = arith.cmpi slt, %add3A_390, %add3A_4 : i32
      %convert_element_type3A = arith.extui %lt3A_391 : i1 to i32
      %cond3A = arith.constant 0 : i32
      %cond3A_392 = arith.cmpi ne, %convert_element_type3A, %cond3A : i32
      scf.if %cond3A_392 {
        %add3A_493 = arith.constant 5 : i32
        %add3A_494 = arith.addi %while3A_388, %add3A_493 : i32
        %jit3A_495 = arith.constant 6 : i32
        %eq3A_496 = arith.constant 0 : i32
        %eq3A_497 = arith.cmpi eq, %jit3A_495, %eq3A_496 : i32
        %jit3A_498 = arith.constant 1 : i32
        %select_n3A_499 = arith.select %eq3A_497, %jit3A_498, %jit3A_495 : i32
        %rem3A_500 = arith.remsi %add3A_494, %select_n3A_499 : i32
        %ne3A_501 = arith.constant 0 : i32
        %ne3A_502 = arith.cmpi ne, %rem3A_500, %ne3A_501 : i32
        %lt3A_503 = arith.constant 0 : i32
        %lt3A_504 = arith.cmpi slt, %rem3A_500, %lt3A_503 : i32
        %lt3A_505 = arith.constant 0 : i32
        %lt3A_506 = arith.cmpi slt, %select_n3A_499, %lt3A_505 : i32
        %ne3A_507 = arith.xori %lt3A_504, %lt3A_506 : i1
        %and3A_508 = arith.andi %ne3A_507, %ne3A_502 : i1
        %add3A_509 = arith.addi %rem3A_500, %select_n3A_499 : i32
        %select_n3A_510 = arith.select %and3A_508, %add3A_509, %rem3A_500 : i32
        %mul3A_511 = arith.constant 32 : i32
        %mul3A_512 = arith.muli %add3A_494, %mul3A_511 : i32
        %add3A_513 = arith.addi %add3A, %mul3A_512 : i32
        %mul3A_514 = arith.constant 64 : i32
        %mul3A_515 = arith.muli %add3A_513, %mul3A_514 : i32
        %mul3A_516 = arith.constant 2 : i32
        %mul3A_517 = arith.muli %mul3A_516, %select_n3A_510 : i32
        %mul3A_518 = arith.constant 2 : i32
        %mul3A_519 = arith.muli %mul3A_518, %select_n3A_510 : i32
        %dma_start3A_520 = arith.constant 0 : i32
        %dma_start3A_521 = arith.constant 0 : i32
        %dma_start3A_522 = tpu.memref_slice %arg7[%mul3A_517, %dma_start3A_521] : memref<12x64xi32, #tpu.memory_space<vmem>> -> memref<1x64xi32, #tpu.memory_space<vmem>>
        %dma_start3A_523 = tpu.memref_squeeze %dma_start3A_522 : memref<1x64xi32, #tpu.memory_space<vmem>> -> memref<64xi32, #tpu.memory_space<vmem>>
        %dma_start3A_524 = tpu.memref_slice %arg3[%dma_start3A_520, %mul3A_515] : memref<2x320000xi32, #tpu.memory_space<hbm>> -> memref<1x64xi32, #tpu.memory_space<hbm>>
        %dma_start3A_525 = tpu.memref_squeeze %dma_start3A_524 : memref<1x64xi32, #tpu.memory_space<hbm>> -> memref<64xi32, #tpu.memory_space<hbm>>
        %dma_start3A_526 = tpu.memref_slice %arg9[%mul3A_519] : memref<12x!tpu.dma_semaphore, #tpu.memory_space<semaphore_mem>> -> memref<1x!tpu.dma_semaphore, #tpu.memory_space<semaphore_mem>>
        %dma_start3A_527 = tpu.memref_squeeze %dma_start3A_526 : memref<1x!tpu.dma_semaphore, #tpu.memory_space<semaphore_mem>> -> memref<!tpu.dma_semaphore, #tpu.memory_space<semaphore_mem>>
        %dma_start3A_528 = arith.constant 0 : i32
        %dma_start3A_529 = tpu.memref_slice %arg7[%mul3A_517, %dma_start3A_528] : memref<12x64xi32, #tpu.memory_space<vmem>> -> memref<1x64xi32, #tpu.memory_space<vmem>>
        %dma_start3A_530 = tpu.memref_squeeze %dma_start3A_529 : memref<1x64xi32, #tpu.memory_space<vmem>> -> memref<64xi32, #tpu.memory_space<vmem>>
        %dma_start3A_531 = tpu.memref_slice %arg3[%dma_start3A_520, %mul3A_515] : memref<2x320000xi32, #tpu.memory_space<hbm>> -> memref<1x64xi32, #tpu.memory_space<hbm>>
        %dma_start3A_532 = tpu.memref_squeeze %dma_start3A_531 : memref<1x64xi32, #tpu.memory_space<hbm>> -> memref<64xi32, #tpu.memory_space<hbm>>
        tpu.enqueue_dma source(%dma_start3A_532 : memref<64xi32, #tpu.memory_space<hbm>>) target(%dma_start3A_530 : memref<64xi32, #tpu.memory_space<vmem>>) target_semaphore(%dma_start3A_527 : memref<!tpu.dma_semaphore, #tpu.memory_space<semaphore_mem>>)
        %mul3A_533 = arith.constant 2 : i32
        %mul3A_534 = arith.muli %mul3A_533, %select_n3A_510 : i32
        %add3A_535 = arith.constant 1 : i32
        %add3A_536 = arith.addi %mul3A_534, %add3A_535 : i32
        %mul3A_537 = arith.constant 2 : i32
        %mul3A_538 = arith.muli %mul3A_537, %select_n3A_510 : i32
        %add3A_539 = arith.constant 1 : i32
        %add3A_540 = arith.addi %mul3A_538, %add3A_539 : i32
        %dma_start3A_541 = arith.constant 1 : i32
        %dma_start3A_542 = arith.constant 0 : i32
        %dma_start3A_543 = tpu.memref_slice %arg7[%add3A_536, %dma_start3A_542] : memref<12x64xi32, #tpu.memory_space<vmem>> -> memref<1x64xi32, #tpu.memory_space<vmem>>
        %dma_start3A_544 = tpu.memref_squeeze %dma_start3A_543 : memref<1x64xi32, #tpu.memory_space<vmem>> -> memref<64xi32, #tpu.memory_space<vmem>>
        %dma_start3A_545 = tpu.memref_slice %arg3[%dma_start3A_541, %mul3A_515] : memref<2x320000xi32, #tpu.memory_space<hbm>> -> memref<1x64xi32, #tpu.memory_space<hbm>>
        %dma_start3A_546 = tpu.memref_squeeze %dma_start3A_545 : memref<1x64xi32, #tpu.memory_space<hbm>> -> memref<64xi32, #tpu.memory_space<hbm>>
        %dma_start3A_547 = tpu.memref_slice %arg9[%add3A_540] : memref<12x!tpu.dma_semaphore, #tpu.memory_space<semaphore_mem>> -> memref<1x!tpu.dma_semaphore, #tpu.memory_space<semaphore_mem>>
        %dma_start3A_548 = tpu.memref_squeeze %dma_start3A_547 : memref<1x!tpu.dma_semaphore, #tpu.memory_space<semaphore_mem>> -> memref<!tpu.dma_semaphore, #tpu.memory_space<semaphore_mem>>
        %dma_start3A_549 = arith.constant 0 : i32
        %dma_start3A_550 = tpu.memref_slice %arg7[%add3A_536, %dma_start3A_549] : memref<12x64xi32, #tpu.memory_space<vmem>> -> memref<1x64xi32, #tpu.memory_space<vmem>>
        %dma_start3A_551 = tpu.memref_squeeze %dma_start3A_550 : memref<1x64xi32, #tpu.memory_space<vmem>> -> memref<64xi32, #tpu.memory_space<vmem>>
        %dma_start3A_552 = tpu.memref_slice %arg3[%dma_start3A_541, %mul3A_515] : memref<2x320000xi32, #tpu.memory_space<hbm>> -> memref<1x64xi32, #tpu.memory_space<hbm>>
        %dma_start3A_553 = tpu.memref_squeeze %dma_start3A_552 : memref<1x64xi32, #tpu.memory_space<hbm>> -> memref<64xi32, #tpu.memory_space<hbm>>
        tpu.enqueue_dma source(%dma_start3A_553 : memref<64xi32, #tpu.memory_space<hbm>>) target(%dma_start3A_551 : memref<64xi32, #tpu.memory_space<vmem>>) target_semaphore(%dma_start3A_548 : memref<!tpu.dma_semaphore, #tpu.memory_space<semaphore_mem>>)
      } else {
      }
      %add3A_393 = arith.constant 4 : i32
      %add3A_394 = arith.addi %while3A_388, %add3A_393 : i32
      %lt3A_395 = arith.cmpi slt, %add3A_394, %add3A_4 : i32
      %convert_element_type3A_396 = arith.extui %lt3A_395 : i1 to i32
      %cond3A_397 = arith.constant 0 : i32
      %cond3A_398 = arith.cmpi ne, %convert_element_type3A_396, %cond3A_397 : i32
      scf.if %cond3A_398 {
        %add3A_493 = arith.constant 4 : i32
        %add3A_494 = arith.addi %while3A_388, %add3A_493 : i32
        %jit3A_495 = arith.constant 6 : i32
        %eq3A_496 = arith.constant 0 : i32
        %eq3A_497 = arith.cmpi eq, %jit3A_495, %eq3A_496 : i32
        %jit3A_498 = arith.constant 1 : i32
        %select_n3A_499 = arith.select %eq3A_497, %jit3A_498, %jit3A_495 : i32
        %rem3A_500 = arith.remsi %add3A_494, %select_n3A_499 : i32
        %ne3A_501 = arith.constant 0 : i32
        %ne3A_502 = arith.cmpi ne, %rem3A_500, %ne3A_501 : i32
        %lt3A_503 = arith.constant 0 : i32
        %lt3A_504 = arith.cmpi slt, %rem3A_500, %lt3A_503 : i32
        %lt3A_505 = arith.constant 0 : i32
        %lt3A_506 = arith.cmpi slt, %select_n3A_499, %lt3A_505 : i32
        %ne3A_507 = arith.xori %lt3A_504, %lt3A_506 : i1
        %and3A_508 = arith.andi %ne3A_507, %ne3A_502 : i1
        %add3A_509 = arith.addi %rem3A_500, %select_n3A_499 : i32
        %select_n3A_510 = arith.select %and3A_508, %add3A_509, %rem3A_500 : i32
        %mul3A_511 = arith.constant 32 : i32
        %mul3A_512 = arith.muli %add3A_494, %mul3A_511 : i32
        %add3A_513 = arith.addi %add3A, %mul3A_512 : i32
        %mul3A_514 = arith.constant 64 : i32
        %mul3A_515 = arith.muli %add3A_513, %mul3A_514 : i32
        %mul3A_516 = arith.constant 2 : i32
        %mul3A_517 = arith.muli %mul3A_516, %select_n3A_510 : i32
        %mul3A_518 = arith.constant 2 : i32
        %mul3A_519 = arith.muli %mul3A_518, %select_n3A_510 : i32
        %dma_wait3A_520 = arith.constant 0 : i32
        %dma_wait3A_521 = arith.constant 0 : i32
        %dma_wait3A_522 = tpu.memref_slice %arg7[%mul3A_517, %dma_wait3A_521] : memref<12x64xi32, #tpu.memory_space<vmem>> -> memref<1x64xi32, #tpu.memory_space<vmem>>
        %dma_wait3A_523 = tpu.memref_squeeze %dma_wait3A_522 : memref<1x64xi32, #tpu.memory_space<vmem>> -> memref<64xi32, #tpu.memory_space<vmem>>
        %dma_wait3A_524 = tpu.memref_slice %arg3[%dma_wait3A_520, %mul3A_515] : memref<2x320000xi32, #tpu.memory_space<hbm>> -> memref<1x64xi32, #tpu.memory_space<hbm>>
        %dma_wait3A_525 = tpu.memref_squeeze %dma_wait3A_524 : memref<1x64xi32, #tpu.memory_space<hbm>> -> memref<64xi32, #tpu.memory_space<hbm>>
        %dma_wait3A_526 = tpu.memref_slice %arg9[%mul3A_519] : memref<12x!tpu.dma_semaphore, #tpu.memory_space<semaphore_mem>> -> memref<1x!tpu.dma_semaphore, #tpu.memory_space<semaphore_mem>>
        %dma_wait3A_527 = tpu.memref_squeeze %dma_wait3A_526 : memref<1x!tpu.dma_semaphore, #tpu.memory_space<semaphore_mem>> -> memref<!tpu.dma_semaphore, #tpu.memory_space<semaphore_mem>>
        %dma_wait3A_528 = arith.constant 0 : i32
        %dma_wait3A_529 = tpu.memref_slice %arg7[%mul3A_517, %dma_wait3A_528] : memref<12x64xi32, #tpu.memory_space<vmem>> -> memref<1x64xi32, #tpu.memory_space<vmem>>
        %dma_wait3A_530 = tpu.memref_squeeze %dma_wait3A_529 : memref<1x64xi32, #tpu.memory_space<vmem>> -> memref<64xi32, #tpu.memory_space<vmem>>
        %dma_wait3A_531 = tpu.memref_slice %arg3[%dma_wait3A_520, %mul3A_515] : memref<2x320000xi32, #tpu.memory_space<hbm>> -> memref<1x64xi32, #tpu.memory_space<hbm>>
        %dma_wait3A_532 = tpu.memref_squeeze %dma_wait3A_531 : memref<1x64xi32, #tpu.memory_space<hbm>> -> memref<64xi32, #tpu.memory_space<hbm>>
        tpu.wait_dma2 semaphore(%dma_wait3A_527 : memref<!tpu.dma_semaphore, #tpu.memory_space<semaphore_mem>>) src(%dma_wait3A_532 : memref<64xi32, #tpu.memory_space<hbm>>) dst(%dma_wait3A_530 : memref<64xi32, #tpu.memory_space<vmem>>)
        %mul3A_533 = arith.constant 2 : i32
        %mul3A_534 = arith.muli %mul3A_533, %select_n3A_510 : i32
        %add3A_535 = arith.constant 1 : i32
        %add3A_536 = arith.addi %mul3A_534, %add3A_535 : i32
        %mul3A_537 = arith.constant 2 : i32
        %mul3A_538 = arith.muli %mul3A_537, %select_n3A_510 : i32
        %add3A_539 = arith.constant 1 : i32
        %add3A_540 = arith.addi %mul3A_538, %add3A_539 : i32
        %dma_wait3A_541 = arith.constant 1 : i32
        %dma_wait3A_542 = arith.constant 0 : i32
        %dma_wait3A_543 = tpu.memref_slice %arg7[%add3A_536, %dma_wait3A_542] : memref<12x64xi32, #tpu.memory_space<vmem>> -> memref<1x64xi32, #tpu.memory_space<vmem>>
        %dma_wait3A_544 = tpu.memref_squeeze %dma_wait3A_543 : memref<1x64xi32, #tpu.memory_space<vmem>> -> memref<64xi32, #tpu.memory_space<vmem>>
        %dma_wait3A_545 = tpu.memref_slice %arg3[%dma_wait3A_541, %mul3A_515] : memref<2x320000xi32, #tpu.memory_space<hbm>> -> memref<1x64xi32, #tpu.memory_space<hbm>>
        %dma_wait3A_546 = tpu.memref_squeeze %dma_wait3A_545 : memref<1x64xi32, #tpu.memory_space<hbm>> -> memref<64xi32, #tpu.memory_space<hbm>>
        %dma_wait3A_547 = tpu.memref_slice %arg9[%add3A_540] : memref<12x!tpu.dma_semaphore, #tpu.memory_space<semaphore_mem>> -> memref<1x!tpu.dma_semaphore, #tpu.memory_space<semaphore_mem>>
        %dma_wait3A_548 = tpu.memref_squeeze %dma_wait3A_547 : memref<1x!tpu.dma_semaphore, #tpu.memory_space<semaphore_mem>> -> memref<!tpu.dma_semaphore, #tpu.memory_space<semaphore_mem>>
        %dma_wait3A_549 = arith.constant 0 : i32
        %dma_wait3A_550 = tpu.memref_slice %arg7[%add3A_536, %dma_wait3A_549] : memref<12x64xi32, #tpu.memory_space<vmem>> -> memref<1x64xi32, #tpu.memory_space<vmem>>
        %dma_wait3A_551 = tpu.memref_squeeze %dma_wait3A_550 : memref<1x64xi32, #tpu.memory_space<vmem>> -> memref<64xi32, #tpu.memory_space<vmem>>
        %dma_wait3A_552 = tpu.memref_slice %arg3[%dma_wait3A_541, %mul3A_515] : memref<2x320000xi32, #tpu.memory_space<hbm>> -> memref<1x64xi32, #tpu.memory_space<hbm>>
        %dma_wait3A_553 = tpu.memref_squeeze %dma_wait3A_552 : memref<1x64xi32, #tpu.memory_space<hbm>> -> memref<64xi32, #tpu.memory_space<hbm>>
        tpu.wait_dma2 semaphore(%dma_wait3A_548 : memref<!tpu.dma_semaphore, #tpu.memory_space<semaphore_mem>>) src(%dma_wait3A_553 : memref<64xi32, #tpu.memory_space<hbm>>) dst(%dma_wait3A_551 : memref<64xi32, #tpu.memory_space<vmem>>)
        %add3A_554 = arith.constant 4 : i32
        %add3A_555 = arith.addi %while3A_388, %add3A_554 : i32
        %jit3A_556 = arith.constant 6 : i32
        %eq3A_557 = arith.constant 0 : i32
        %eq3A_558 = arith.cmpi eq, %jit3A_556, %eq3A_557 : i32
        %jit3A_559 = arith.constant 1 : i32
        %select_n3A_560 = arith.select %eq3A_558, %jit3A_559, %jit3A_556 : i32
        %rem3A_561 = arith.remsi %add3A_555, %select_n3A_560 : i32
        %ne3A_562 = arith.constant 0 : i32
        %ne3A_563 = arith.cmpi ne, %rem3A_561, %ne3A_562 : i32
        %lt3A_564 = arith.constant 0 : i32
        %lt3A_565 = arith.cmpi slt, %rem3A_561, %lt3A_564 : i32
        %lt3A_566 = arith.constant 0 : i32
        %lt3A_567 = arith.cmpi slt, %select_n3A_560, %lt3A_566 : i32
        %ne3A_568 = arith.xori %lt3A_565, %lt3A_567 : i1
        %and3A_569 = arith.andi %ne3A_568, %ne3A_563 : i1
        %add3A_570 = arith.addi %rem3A_561, %select_n3A_560 : i32
        %select_n3A_571 = arith.select %and3A_569, %add3A_570, %rem3A_561 : i32
        %mul3A_572 = arith.constant 2 : i32
        %mul3A_573 = arith.muli %mul3A_572, %select_n3A_571 : i32
        %jit3A_574 = arith.constant 5 : i32
        %eq3A_575 = arith.constant 0 : i32
        %eq3A_576 = arith.cmpi eq, %jit3A_574, %eq3A_575 : i32
        %jit3A_577 = arith.constant 1 : i32
        %select_n3A_578 = arith.select %eq3A_576, %jit3A_577, %jit3A_574 : i32
        %rem3A_579 = arith.remsi %add3A_555, %select_n3A_578 : i32
        %ne3A_580 = arith.constant 0 : i32
        %ne3A_581 = arith.cmpi ne, %rem3A_579, %ne3A_580 : i32
        %lt3A_582 = arith.constant 0 : i32
        %lt3A_583 = arith.cmpi slt, %rem3A_579, %lt3A_582 : i32
        %lt3A_584 = arith.constant 0 : i32
        %lt3A_585 = arith.cmpi slt, %select_n3A_578, %lt3A_584 : i32
        %ne3A_586 = arith.xori %lt3A_583, %lt3A_585 : i1
        %and3A_587 = arith.andi %ne3A_586, %ne3A_581 : i1
        %add3A_588 = arith.addi %rem3A_579, %select_n3A_578 : i32
        %select_n3A_589 = arith.select %and3A_587, %add3A_588, %rem3A_579 : i32
        %jit3A_590 = arith.constant 5 : i32
        %eq3A_591 = arith.constant 0 : i32
        %eq3A_592 = arith.cmpi eq, %jit3A_590, %eq3A_591 : i32
        %jit3A_593 = arith.constant 1 : i32
        %select_n3A_594 = arith.select %eq3A_592, %jit3A_593, %jit3A_590 : i32
        %rem3A_595 = arith.remsi %add3A_555, %select_n3A_594 : i32
        %ne3A_596 = arith.constant 0 : i32
        %ne3A_597 = arith.cmpi ne, %rem3A_595, %ne3A_596 : i32
        %lt3A_598 = arith.constant 0 : i32
        %lt3A_599 = arith.cmpi slt, %rem3A_595, %lt3A_598 : i32
        %lt3A_600 = arith.constant 0 : i32
        %lt3A_601 = arith.cmpi slt, %select_n3A_594, %lt3A_600 : i32
        %ne3A_602 = arith.xori %lt3A_599, %lt3A_601 : i1
        %and3A_603 = arith.andi %ne3A_602, %ne3A_597 : i1
        %add3A_604 = arith.addi %rem3A_595, %select_n3A_594 : i32
        %select_n3A_605 = arith.select %and3A_603, %add3A_604, %rem3A_595 : i32
        %dma_start3A_606 = arith.constant 0 : i32
        %dma_start3A_607 = arith.constant 0 : i32
        %dma_start3A_608 = tpu.memref_slice %arg8[%select_n3A_589, %dma_start3A_606, %dma_start3A_607] : memref<5x64x128xf32, #tpu.memory_space<vmem>> -> memref<1x64x128xf32, #tpu.memory_space<vmem>>
        %dma_start3A_609 = tpu.memref_squeeze %dma_start3A_608 : memref<1x64x128xf32, #tpu.memory_space<vmem>> -> memref<64x128xf32, #tpu.memory_space<vmem>>
        %dma_start3A_610 = arith.constant 0 : i32
        %dma_start3A_611 = tpu.memref_slice %arg7[%mul3A_573, %dma_start3A_610] : memref<12x64xi32, #tpu.memory_space<vmem>> -> memref<1x64xi32, #tpu.memory_space<vmem>>
        %dma_start3A_612 = tpu.memref_squeeze %dma_start3A_611 : memref<1x64xi32, #tpu.memory_space<vmem>> -> memref<64xi32, #tpu.memory_space<vmem>>
        %dma_start3A_613 = arith.constant 0 : i32
        %dma_start3A_614 = arith.constant 0 : i32
        %dma_start3A_615 = tpu.memref_slice %arg2[%dma_start3A_613, %dma_start3A_614] : memref<10112x128xf32, #tpu.memory_space<hbm>> -> memref<10112x128xf32, #tpu.memory_space<hbm>>
        %dma_start3A_616 = tpu.memref_slice %arg10[%select_n3A_605] : memref<5x!tpu.dma_semaphore, #tpu.memory_space<semaphore_mem>> -> memref<1x!tpu.dma_semaphore, #tpu.memory_space<semaphore_mem>>
        %dma_start3A_617 = tpu.memref_squeeze %dma_start3A_616 : memref<1x!tpu.dma_semaphore, #tpu.memory_space<semaphore_mem>> -> memref<!tpu.dma_semaphore, #tpu.memory_space<semaphore_mem>>
        tpu.enqueue_indirect_dma source(%dma_start3A_615 : memref<10112x128xf32, #tpu.memory_space<hbm>>) target(%dma_start3A_609 : memref<64x128xf32, #tpu.memory_space<vmem>>) offsets(%dma_start3A_612 : memref<64xi32, #tpu.memory_space<vmem>>) semaphore(%dma_start3A_617 : memref<!tpu.dma_semaphore, #tpu.memory_space<semaphore_mem>>)
      } else {
      }
      %jit3A_399 = arith.constant 6 : i32
      %eq3A = arith.constant 0 : i32
      %eq3A_400 = arith.cmpi eq, %jit3A_399, %eq3A : i32
      %jit3A_401 = arith.constant 1 : i32
      %select_n3A_402 = arith.select %eq3A_400, %jit3A_401, %jit3A_399 : i32
      %rem3A = arith.remsi %while3A_388, %select_n3A_402 : i32
      %ne3A = arith.constant 0 : i32
      %ne3A_403 = arith.cmpi ne, %rem3A, %ne3A : i32
      %lt3A_404 = arith.constant 0 : i32
      %lt3A_405 = arith.cmpi slt, %rem3A, %lt3A_404 : i32
      %lt3A_406 = arith.constant 0 : i32
      %lt3A_407 = arith.cmpi slt, %select_n3A_402, %lt3A_406 : i32
      %ne3A_408 = arith.xori %lt3A_405, %lt3A_407 : i1
      %and3A = arith.andi %ne3A_408, %ne3A_403 : i1
      %add3A_409 = arith.addi %rem3A, %select_n3A_402 : i32
      %select_n3A_410 = arith.select %and3A, %add3A_409, %rem3A : i32
      %mul3A_411 = arith.constant 2 : i32
      %mul3A_412 = arith.muli %mul3A_411, %select_n3A_410 : i32
      %jit3A_413 = arith.constant 5 : i32
      %eq3A_414 = arith.constant 0 : i32
      %eq3A_415 = arith.cmpi eq, %jit3A_413, %eq3A_414 : i32
      %jit3A_416 = arith.constant 1 : i32
      %select_n3A_417 = arith.select %eq3A_415, %jit3A_416, %jit3A_413 : i32
      %rem3A_418 = arith.remsi %while3A_388, %select_n3A_417 : i32
      %ne3A_419 = arith.constant 0 : i32
      %ne3A_420 = arith.cmpi ne, %rem3A_418, %ne3A_419 : i32
      %lt3A_421 = arith.constant 0 : i32
      %lt3A_422 = arith.cmpi slt, %rem3A_418, %lt3A_421 : i32
      %lt3A_423 = arith.constant 0 : i32
      %lt3A_424 = arith.cmpi slt, %select_n3A_417, %lt3A_423 : i32
      %ne3A_425 = arith.xori %lt3A_422, %lt3A_424 : i1
      %and3A_426 = arith.andi %ne3A_425, %ne3A_420 : i1
      %add3A_427 = arith.addi %rem3A_418, %select_n3A_417 : i32
      %select_n3A_428 = arith.select %and3A_426, %add3A_427, %rem3A_418 : i32
      %jit3A_429 = arith.constant 5 : i32
      %eq3A_430 = arith.constant 0 : i32
      %eq3A_431 = arith.cmpi eq, %jit3A_429, %eq3A_430 : i32
      %jit3A_432 = arith.constant 1 : i32
      %select_n3A_433 = arith.select %eq3A_431, %jit3A_432, %jit3A_429 : i32
      %rem3A_434 = arith.remsi %while3A_388, %select_n3A_433 : i32
      %ne3A_435 = arith.constant 0 : i32
      %ne3A_436 = arith.cmpi ne, %rem3A_434, %ne3A_435 : i32
      %lt3A_437 = arith.constant 0 : i32
      %lt3A_438 = arith.cmpi slt, %rem3A_434, %lt3A_437 : i32
      %lt3A_439 = arith.constant 0 : i32
      %lt3A_440 = arith.cmpi slt, %select_n3A_433, %lt3A_439 : i32
      %ne3A_441 = arith.xori %lt3A_438, %lt3A_440 : i1
      %and3A_442 = arith.andi %ne3A_441, %ne3A_436 : i1
      %add3A_443 = arith.addi %rem3A_434, %select_n3A_433 : i32
      %select_n3A_444 = arith.select %and3A_442, %add3A_443, %rem3A_434 : i32
      %dma_wait3A_445 = arith.constant 0 : i32
      %dma_wait3A_446 = arith.constant 0 : i32
      %dma_wait3A_447 = tpu.memref_slice %arg8[%select_n3A_428, %dma_wait3A_445, %dma_wait3A_446] : memref<5x64x128xf32, #tpu.memory_space<vmem>> -> memref<1x64x128xf32, #tpu.memory_space<vmem>>
      %dma_wait3A_448 = tpu.memref_squeeze %dma_wait3A_447 : memref<1x64x128xf32, #tpu.memory_space<vmem>> -> memref<64x128xf32, #tpu.memory_space<vmem>>
      %dma_wait3A_449 = arith.constant 0 : i32
      %dma_wait3A_450 = tpu.memref_slice %arg7[%mul3A_412, %dma_wait3A_449] : memref<12x64xi32, #tpu.memory_space<vmem>> -> memref<1x64xi32, #tpu.memory_space<vmem>>
      %dma_wait3A_451 = tpu.memref_squeeze %dma_wait3A_450 : memref<1x64xi32, #tpu.memory_space<vmem>> -> memref<64xi32, #tpu.memory_space<vmem>>
      %dma_wait3A_452 = arith.constant 0 : i32
      %dma_wait3A_453 = arith.constant 0 : i32
      %dma_wait3A_454 = tpu.memref_slice %arg2[%dma_wait3A_452, %dma_wait3A_453] : memref<10112x128xf32, #tpu.memory_space<hbm>> -> memref<10112x128xf32, #tpu.memory_space<hbm>>
      %dma_wait3A_455 = tpu.memref_slice %arg10[%select_n3A_444] : memref<5x!tpu.dma_semaphore, #tpu.memory_space<semaphore_mem>> -> memref<1x!tpu.dma_semaphore, #tpu.memory_space<semaphore_mem>>
      %dma_wait3A_456 = tpu.memref_squeeze %dma_wait3A_455 : memref<1x!tpu.dma_semaphore, #tpu.memory_space<semaphore_mem>> -> memref<!tpu.dma_semaphore, #tpu.memory_space<semaphore_mem>>
      tpu.wait_indirect_dma semaphore(%dma_wait3A_456 : memref<!tpu.dma_semaphore, #tpu.memory_space<semaphore_mem>>) src(%dma_wait3A_454 : memref<10112x128xf32, #tpu.memory_space<hbm>>) dst(%dma_wait3A_448 : memref<64x128xf32, #tpu.memory_space<vmem>>)
      %jit3A_457 = arith.constant 5 : i32
      %eq3A_458 = arith.constant 0 : i32
      %eq3A_459 = arith.cmpi eq, %jit3A_457, %eq3A_458 : i32
      %jit3A_460 = arith.constant 1 : i32
      %select_n3A_461 = arith.select %eq3A_459, %jit3A_460, %jit3A_457 : i32
      %rem3A_462 = arith.remsi %while3A_388, %select_n3A_461 : i32
      %ne3A_463 = arith.constant 0 : i32
      %ne3A_464 = arith.cmpi ne, %rem3A_462, %ne3A_463 : i32
      %lt3A_465 = arith.constant 0 : i32
      %lt3A_466 = arith.cmpi slt, %rem3A_462, %lt3A_465 : i32
      %lt3A_467 = arith.constant 0 : i32
      %lt3A_468 = arith.cmpi slt, %select_n3A_461, %lt3A_467 : i32
      %ne3A_469 = arith.xori %lt3A_466, %lt3A_468 : i1
      %and3A_470 = arith.andi %ne3A_469, %ne3A_464 : i1
      %add3A_471 = arith.addi %rem3A_462, %select_n3A_461 : i32
      %select_n3A_472 = arith.select %and3A_470, %add3A_471, %rem3A_462 : i32
      %jit3A_473 = arith.constant 6 : i32
      %eq3A_474 = arith.constant 0 : i32
      %eq3A_475 = arith.cmpi eq, %jit3A_473, %eq3A_474 : i32
      %jit3A_476 = arith.constant 1 : i32
      %select_n3A_477 = arith.select %eq3A_475, %jit3A_476, %jit3A_473 : i32
      %rem3A_478 = arith.remsi %while3A_388, %select_n3A_477 : i32
      %ne3A_479 = arith.constant 0 : i32
      %ne3A_480 = arith.cmpi ne, %rem3A_478, %ne3A_479 : i32
      %lt3A_481 = arith.constant 0 : i32
      %lt3A_482 = arith.cmpi slt, %rem3A_478, %lt3A_481 : i32
      %lt3A_483 = arith.constant 0 : i32
      %lt3A_484 = arith.cmpi slt, %select_n3A_477, %lt3A_483 : i32
      %ne3A_485 = arith.xori %lt3A_482, %lt3A_484 : i1
      %and3A_486 = arith.andi %ne3A_485, %ne3A_480 : i1
      %add3A_487 = arith.addi %rem3A_478, %select_n3A_477 : i32
      %select_n3A_488 = arith.select %and3A_486, %add3A_487, %rem3A_478 : i32
      %mul3A_489 = arith.constant 2 : i32
      %mul3A_490 = arith.muli %mul3A_489, %select_n3A_488 : i32
      %add3A_491 = arith.constant 1 : i32
      %add3A_492 = arith.addi %mul3A_490, %add3A_491 : i32
      "tpu.region"() ({
        %run_scoped3A = tpu.sem_alloc : memref<!tpu.dma_semaphore, #tpu.memory_space<semaphore_mem>>
        %dma_start3A_493 = arith.constant 0 : i32
        %dma_start3A_494 = arith.constant 0 : i32
        %dma_start3A_495 = tpu.memref_slice %arg8[%select_n3A_472, %dma_start3A_493, %dma_start3A_494] : memref<5x64x128xf32, #tpu.memory_space<vmem>> -> memref<1x64x128xf32, #tpu.memory_space<vmem>>
        %dma_start3A_496 = tpu.memref_squeeze %dma_start3A_495 : memref<1x64x128xf32, #tpu.memory_space<vmem>> -> memref<64x128xf32, #tpu.memory_space<vmem>>
        %dma_start3A_497 = arith.constant 0 : i32
        %dma_start3A_498 = tpu.memref_slice %arg7[%add3A_492, %dma_start3A_497] : memref<12x64xi32, #tpu.memory_space<vmem>> -> memref<1x64xi32, #tpu.memory_space<vmem>>
        %dma_start3A_499 = tpu.memref_squeeze %dma_start3A_498 : memref<1x64xi32, #tpu.memory_space<vmem>> -> memref<64xi32, #tpu.memory_space<vmem>>
        %dma_start3A_500 = arith.constant 0 : i32
        %dma_start3A_501 = arith.constant 0 : i32
        %dma_start3A_502 = tpu.memref_slice %arg6[%dma_start3A_500, %dma_start3A_501] : memref<10112x128xf32, #tpu.memory_space<vmem_shared>> -> memref<10112x128xf32, #tpu.memory_space<vmem_shared>>
        tpu.enqueue_indirect_dma source(%dma_start3A_496 : memref<64x128xf32, #tpu.memory_space<vmem>>) target(%dma_start3A_502 : memref<10112x128xf32, #tpu.memory_space<vmem_shared>>) offsets(%dma_start3A_499 : memref<64xi32, #tpu.memory_space<vmem>>) semaphore(%run_scoped3A : memref<!tpu.dma_semaphore, #tpu.memory_space<semaphore_mem>>) {add = true}
        %dma_wait3A_503 = arith.constant 0 : i32
        %dma_wait3A_504 = arith.constant 0 : i32
        %dma_wait3A_505 = tpu.memref_slice %arg8[%select_n3A_472, %dma_wait3A_503, %dma_wait3A_504] : memref<5x64x128xf32, #tpu.memory_space<vmem>> -> memref<1x64x128xf32, #tpu.memory_space<vmem>>
        %dma_wait3A_506 = tpu.memref_squeeze %dma_wait3A_505 : memref<1x64x128xf32, #tpu.memory_space<vmem>> -> memref<64x128xf32, #tpu.memory_space<vmem>>
        %dma_wait3A_507 = arith.constant 0 : i32
        %dma_wait3A_508 = tpu.memref_slice %arg7[%add3A_492, %dma_wait3A_507] : memref<12x64xi32, #tpu.memory_space<vmem>> -> memref<1x64xi32, #tpu.memory_space<vmem>>
        %dma_wait3A_509 = tpu.memref_squeeze %dma_wait3A_508 : memref<1x64xi32, #tpu.memory_space<vmem>> -> memref<64xi32, #tpu.memory_space<vmem>>
        %dma_wait3A_510 = arith.constant 0 : i32
        %dma_wait3A_511 = arith.constant 0 : i32
        %dma_wait3A_512 = tpu.memref_slice %arg6[%dma_wait3A_510, %dma_wait3A_511] : memref<10112x128xf32, #tpu.memory_space<vmem_shared>> -> memref<10112x128xf32, #tpu.memory_space<vmem_shared>>
        tpu.wait_indirect_dma semaphore(%run_scoped3A : memref<!tpu.dma_semaphore, #tpu.memory_space<semaphore_mem>>) src(%dma_wait3A_506 : memref<64x128xf32, #tpu.memory_space<vmem>>) dst(%dma_wait3A_512 : memref<10112x128xf32, #tpu.memory_space<vmem_shared>>)
        tpu.yield
      }) : () -> ()
    }
    %barrier3A_387 = arith.constant 0 : index
    tpu.barrier barrier_id(%barrier3A_387)
    "tpu.region"() ({
      %run_scoped3A = tpu.sem_alloc : memref<!tpu.dma_semaphore, #tpu.memory_space<semaphore_mem>>
      %dma_start3A_388 = arith.constant 0 : i32
      %dma_start3A_389 = tpu.memref_slice %arg5[%arg0, %multiple_of3A, %dma_start3A_388] : memref<2x10112x128xf32, #tpu.memory_space<hbm>> -> memref<1x632x128xf32, #tpu.memory_space<hbm>>
      %dma_start3A_390 = tpu.memref_squeeze %dma_start3A_389 : memref<1x632x128xf32, #tpu.memory_space<hbm>> -> memref<632x128xf32, #tpu.memory_space<hbm>>
      %dma_start3A_391 = arith.constant 0 : i32
      %dma_start3A_392 = tpu.memref_slice %arg6[%multiple_of3A, %dma_start3A_391] : memref<10112x128xf32, #tpu.memory_space<vmem_shared>> -> memref<632x128xf32, #tpu.memory_space<vmem_shared>>
      tpu.enqueue_dma source(%dma_start3A_392 : memref<632x128xf32, #tpu.memory_space<vmem_shared>>) target(%dma_start3A_390 : memref<632x128xf32, #tpu.memory_space<hbm>>) target_semaphore(%run_scoped3A : memref<!tpu.dma_semaphore, #tpu.memory_space<semaphore_mem>>)
      %dma_wait3A_393 = arith.constant 0 : i32
      %dma_wait3A_394 = tpu.memref_slice %arg5[%arg0, %multiple_of3A, %dma_wait3A_393] : memref<2x10112x128xf32, #tpu.memory_space<hbm>> -> memref<1x632x128xf32, #tpu.memory_space<hbm>>
      %dma_wait3A_395 = tpu.memref_squeeze %dma_wait3A_394 : memref<1x632x128xf32, #tpu.memory_space<hbm>> -> memref<632x128xf32, #tpu.memory_space<hbm>>
      %dma_wait3A_396 = arith.constant 0 : i32
      %dma_wait3A_397 = tpu.memref_slice %arg6[%multiple_of3A, %dma_wait3A_396] : memref<10112x128xf32, #tpu.memory_space<vmem_shared>> -> memref<632x128xf32, #tpu.memory_space<vmem_shared>>
      tpu.wait_dma2 semaphore(%run_scoped3A : memref<!tpu.dma_semaphore, #tpu.memory_space<semaphore_mem>>) src(%dma_wait3A_397 : memref<632x128xf32, #tpu.memory_space<vmem_shared>>) dst(%dma_wait3A_395 : memref<632x128xf32, #tpu.memory_space<hbm>>)
      tpu.yield
    }) : () -> ()
    return
  }
}

#map = affine_map<(d0, d1) -> (0)>
#map1 = affine_map<(d0, d1) -> (0, 0)>
module attributes {stable_mosaic.version = 14 : i64} {
  func.func @_deg_body(%arg0: i32, %arg1: i32, %arg2: memref<640000xi32, #tpu.memory_space<hbm>>, %arg3: memref<32x10112xf32, #tpu.memory_space<hbm>>, %arg4: memref<10112xf32, #tpu.memory_space<vmem>>, %arg5: memref<10000xi32, #tpu.memory_space<vmem>>, %arg6: memref<!tpu.dma_semaphore, #tpu.memory_space<semaphore_mem>>) attributes {dimension_semantics = [#tpu.dimension_semantics<core_parallel>, #tpu.dimension_semantics<subcore_parallel>], iteration_bounds = array<i64: 2, 16>, scalar_prefetch = 0 : i64, scratch_operands = 3 : i64, tpu.core_type = #tpu.core_type<sc_vector_subcore>, window_params = [{transform_indices = #map}, {transform_indices = #map1}]} {
    %mul3A = arith.constant 16 : i32
    %mul3A_0 = arith.muli %arg0, %mul3A : i32
    %add3A = arith.addi %mul3A_0, %arg1 : i32
    %broadcast_in_dim3A = arith.constant 1.000000e+00 : f32
    %broadcast_in_dim3A_1 = vector.broadcast %broadcast_in_dim3A : f32 to vector<16xf32>
    %mul3A_2 = arith.constant 10000 : i32
    %mul3A_3 = arith.muli %add3A, %mul3A_2 : i32
    %add3A_4 = arith.constant 320000 : i32
    %add3A_5 = arith.addi %add3A_4, %mul3A_3 : i32
    %multiple_of3A = tpu.assume_multiple %add3A_5, 8 : i32
    %dma_start3A = tpu.memref_slice %arg2[%multiple_of3A] : memref<640000xi32, #tpu.memory_space<hbm>> -> memref<10000xi32, #tpu.memory_space<hbm>>
    %dma_start3A_6 = tpu.memref_slice %arg2[%multiple_of3A] : memref<640000xi32, #tpu.memory_space<hbm>> -> memref<10000xi32, #tpu.memory_space<hbm>>
    tpu.enqueue_dma source(%dma_start3A_6 : memref<10000xi32, #tpu.memory_space<hbm>>) target(%arg5 : memref<10000xi32, #tpu.memory_space<vmem>>) target_semaphore(%arg6 : memref<!tpu.dma_semaphore, #tpu.memory_space<semaphore_mem>>)
    %scan3A = arith.constant 0 : i32
    %scan3A_7 = arith.constant 632 : i32
    %scan3A_8 = arith.addi %scan3A, %scan3A_7 : i32
    %scan3A_9 = arith.constant 1 : i32
    scf.for %scan3A_17 = %scan3A to %scan3A_8 step %scan3A_9  : i32 {
      %broadcast_in_dim3A_18 = arith.constant 0.000000e+00 : f32
      %broadcast_in_dim3A_19 = vector.broadcast %broadcast_in_dim3A_18 : f32 to vector<16xf32>
      %mul3A_20 = arith.constant 16 : i32
      %mul3A_21 = arith.muli %scan3A_17, %mul3A_20 : i32
      %swap3A = arith.index_cast %mul3A_21 : i32 to index
      %swap3A_22 = tpu.vector_load %arg4[%swap3A] {strides = array<i32>} : memref<10112xf32, #tpu.memory_space<vmem>>, vector<16xf32>,
      tpu.vector_store %arg4[%swap3A], %broadcast_in_dim3A_19 {strides = array<i32>} : memref<10112xf32, #tpu.memory_space<vmem>>, vector<16xf32>,
    }
    %scan3A_10 = arith.constant 632 : i32
    %dma_wait3A = tpu.memref_slice %arg2[%multiple_of3A] : memref<640000xi32, #tpu.memory_space<hbm>> -> memref<10000xi32, #tpu.memory_space<hbm>>
    %dma_wait3A_11 = tpu.memref_slice %arg2[%multiple_of3A] : memref<640000xi32, #tpu.memory_space<hbm>> -> memref<10000xi32, #tpu.memory_space<hbm>>
    tpu.wait_dma2 semaphore(%arg6 : memref<!tpu.dma_semaphore, #tpu.memory_space<semaphore_mem>>) src(%dma_wait3A_11 : memref<10000xi32, #tpu.memory_space<hbm>>) dst(%arg5 : memref<10000xi32, #tpu.memory_space<vmem>>)
    %scan3A_12 = arith.constant 0 : i32
    %scan3A_13 = arith.constant 625 : i32
    %scan3A_14 = arith.addi %scan3A_12, %scan3A_13 : i32
    %scan3A_15 = arith.constant 1 : i32
    scf.for %scan3A_17 = %scan3A_12 to %scan3A_14 step %scan3A_15  : i32 {
      %mul3A_18 = arith.constant 16 : i32
      %mul3A_19 = arith.muli %scan3A_17, %mul3A_18 : i32
      %get3A = arith.index_cast %mul3A_19 : i32 to index
      %get3A_20 = tpu.vector_load %arg5[%get3A] {strides = array<i32>} : memref<10000xi32, #tpu.memory_space<vmem>>, vector<16xi32>,
      tpu.vector_store_idx %arg4[%get3A_20], %broadcast_in_dim3A_1 {add = true} : memref<10112xf32, #tpu.memory_space<vmem>>[vector<16xi32>], vector<16xf32>,
    }
    %scan3A_16 = arith.constant 625 : i32
    "tpu.region"() ({
      %run_scoped3A = tpu.sem_alloc : memref<!tpu.dma_semaphore, #tpu.memory_space<semaphore_mem>>
      %dma_start3A_17 = arith.constant 0 : i32
      %dma_start3A_18 = tpu.memref_slice %arg3[%add3A, %dma_start3A_17] : memref<32x10112xf32, #tpu.memory_space<hbm>> -> memref<1x10112xf32, #tpu.memory_space<hbm>>
      %dma_start3A_19 = tpu.memref_squeeze %dma_start3A_18 : memref<1x10112xf32, #tpu.memory_space<hbm>> -> memref<10112xf32, #tpu.memory_space<hbm>>
      %dma_start3A_20 = arith.constant 0 : i32
      %dma_start3A_21 = tpu.memref_slice %arg3[%add3A, %dma_start3A_20] : memref<32x10112xf32, #tpu.memory_space<hbm>> -> memref<1x10112xf32, #tpu.memory_space<hbm>>
      %dma_start3A_22 = tpu.memref_squeeze %dma_start3A_21 : memref<1x10112xf32, #tpu.memory_space<hbm>> -> memref<10112xf32, #tpu.memory_space<hbm>>
      tpu.enqueue_dma source(%arg4 : memref<10112xf32, #tpu.memory_space<vmem>>) target(%dma_start3A_22 : memref<10112xf32, #tpu.memory_space<hbm>>) target_semaphore(%run_scoped3A : memref<!tpu.dma_semaphore, #tpu.memory_space<semaphore_mem>>)
      %dma_wait3A_23 = arith.constant 0 : i32
      %dma_wait3A_24 = tpu.memref_slice %arg3[%add3A, %dma_wait3A_23] : memref<32x10112xf32, #tpu.memory_space<hbm>> -> memref<1x10112xf32, #tpu.memory_space<hbm>>
      %dma_wait3A_25 = tpu.memref_squeeze %dma_wait3A_24 : memref<1x10112xf32, #tpu.memory_space<hbm>> -> memref<10112xf32, #tpu.memory_space<hbm>>
      %dma_wait3A_26 = arith.constant 0 : i32
      %dma_wait3A_27 = tpu.memref_slice %arg3[%add3A, %dma_wait3A_26] : memref<32x10112xf32, #tpu.memory_space<hbm>> -> memref<1x10112xf32, #tpu.memory_space<hbm>>
      %dma_wait3A_28 = tpu.memref_squeeze %dma_wait3A_27 : memref<1x10112xf32, #tpu.memory_space<hbm>> -> memref<10112xf32, #tpu.memory_space<hbm>>
      tpu.wait_dma2 semaphore(%run_scoped3A : memref<!tpu.dma_semaphore, #tpu.memory_space<semaphore_mem>>) src(%arg4 : memref<10112xf32, #tpu.memory_space<vmem>>) dst(%dma_wait3A_28 : memref<10112xf32, #tpu.memory_space<hbm>>)
      tpu.yield
    }) : () -> ()
    return
  }
}

#map = affine_map<(d0, d1) -> (0, 0)>
#map1 = affine_map<(d0, d1) -> (0, 0, 0)>
module attributes {stable_mosaic.version = 14 : i64} {
  func.func @_scatter_body(%arg0: i32, %arg1: i32, %arg2: memref<10112x128xf32, #tpu.memory_space<hbm>>, %arg3: memref<2x320000xi32, #tpu.memory_space<hbm>>, %arg4: memref<10112x128xf32, #tpu.memory_space<hbm>>, %arg5: memref<2x10112x128xf32, #tpu.memory_space<hbm>>, %arg6: memref<10112x128xf32, #tpu.memory_space<vmem_shared>>, %arg7: memref<12x64xi32, #tpu.memory_space<vmem>>, %arg8: memref<5x64x128xf32, #tpu.memory_space<vmem>>, %arg9: memref<12x!tpu.dma_semaphore, #tpu.memory_space<semaphore_mem>>, %arg10: memref<5x!tpu.dma_semaphore, #tpu.memory_space<semaphore_mem>>, %arg11: memref<!tpu.dma_semaphore, #tpu.memory_space<semaphore_mem>>) attributes {dimension_semantics = [#tpu.dimension_semantics<core_parallel>, #tpu.dimension_semantics<subcore_parallel>], iteration_bounds = array<i64: 2, 16>, scalar_prefetch = 0 : i64, scratch_operands = 6 : i64, tpu.core_type = #tpu.core_type<sc_vector_subcore>, window_params = [{transform_indices = #map}, {transform_indices = #map}, {transform_indices = #map}, {transform_indices = #map1}]} {
    %mul3A = arith.constant 16 : i32
    %mul3A_0 = arith.muli %arg0, %mul3A : i32
    %add3A = arith.addi %mul3A_0, %arg1 : i32
    %lt3A = arith.constant 8 : i32
    %lt3A_1 = arith.cmpi slt, %add3A, %lt3A : i32
    %jit3A = arith.constant 1 : i32
    %jit3A_2 = arith.constant 0 : i32
    %select_n3A = arith.select %lt3A_1, %jit3A, %jit3A_2 : i32
    %add3A_3 = arith.constant 156 : i32
    %add3A_4 = arith.addi %add3A_3, %select_n3A : i32
    %mul3A_5 = arith.constant 632 : i32
    %mul3A_6 = arith.muli %arg1, %mul3A_5 : i32
    %multiple_of3A = tpu.assume_multiple %mul3A_6, 8 : i32
    %dma_start3A = arith.constant 0 : i32
    %dma_start3A_7 = tpu.memref_slice %arg6[%multiple_of3A, %dma_start3A] : memref<10112x128xf32, #tpu.memory_space<vmem_shared>> -> memref<632x128xf32, #tpu.memory_space<vmem_shared>>
    %dma_start3A_8 = arith.constant 0 : i32
    %dma_start3A_9 = tpu.memref_slice %arg4[%multiple_of3A, %dma_start3A_8] : memref<10112x128xf32, #tpu.memory_space<hbm>> -> memref<632x128xf32, #tpu.memory_space<hbm>>
    tpu.enqueue_dma source(%dma_start3A_9 : memref<632x128xf32, #tpu.memory_space<hbm>>) target(%dma_start3A_7 : memref<632x128xf32, #tpu.memory_space<vmem_shared>>) target_semaphore(%arg11 : memref<!tpu.dma_semaphore, #tpu.memory_space<semaphore_mem>>)
    %add3A_10 = arith.constant 0 : i32
    %add3A_11 = arith.addi %add3A, %add3A_10 : i32
    %mul3A_12 = arith.constant 64 : i32
    %mul3A_13 = arith.muli %add3A_11, %mul3A_12 : i32
    %dma_start3A_14 = arith.constant 0 : i32
    %dma_start3A_15 = arith.constant 0 : i32
    %dma_start3A_16 = arith.constant 0 : i32
    %dma_start3A_17 = arith.constant 0 : i32
    %dma_start3A_18 = tpu.memref_slice %arg7[%dma_start3A_15, %dma_start3A_17] : memref<12x64xi32, #tpu.memory_space<vmem>> -> memref<1x64xi32, #tpu.memory_space<vmem>>
    %dma_start3A_19 = tpu.memref_squeeze %dma_start3A_18 : memref<1x64xi32, #tpu.memory_space<vmem>> -> memref<64xi32, #tpu.memory_space<vmem>>
    %dma_start3A_20 = tpu.memref_slice %arg3[%dma_start3A_14, %mul3A_13] : memref<2x320000xi32, #tpu.memory_space<hbm>> -> memref<1x64xi32, #tpu.memory_space<hbm>>
    %dma_start3A_21 = tpu.memref_squeeze %dma_start3A_20 : memref<1x64xi32, #tpu.memory_space<hbm>> -> memref<64xi32, #tpu.memory_space<hbm>>
    %dma_start3A_22 = tpu.memref_slice %arg9[%dma_start3A_16] : memref<12x!tpu.dma_semaphore, #tpu.memory_space<semaphore_mem>> -> memref<1x!tpu.dma_semaphore, #tpu.memory_space<semaphore_mem>>
    %dma_start3A_23 = tpu.memref_squeeze %dma_start3A_22 : memref<1x!tpu.dma_semaphore, #tpu.memory_space<semaphore_mem>> -> memref<!tpu.dma_semaphore, #tpu.memory_space<semaphore_mem>>
    %dma_start3A_24 = arith.constant 0 : i32
    %dma_start3A_25 = tpu.memref_slice %arg7[%dma_start3A_15, %dma_start3A_24] : memref<12x64xi32, #tpu.memory_space<vmem>> -> memref<1x64xi32, #tpu.memory_space<vmem>>
    %dma_start3A_26 = tpu.memref_squeeze %dma_start3A_25 : memref<1x64xi32, #tpu.memory_space<vmem>> -> memref<64xi32, #tpu.memory_space<vmem>>
    %dma_start3A_27 = tpu.memref_slice %arg3[%dma_start3A_14, %mul3A_13] : memref<2x320000xi32, #tpu.memory_space<hbm>> -> memref<1x64xi32, #tpu.memory_space<hbm>>
    %dma_start3A_28 = tpu.memref_squeeze %dma_start3A_27 : memref<1x64xi32, #tpu.memory_space<hbm>> -> memref<64xi32, #tpu.memory_space<hbm>>
    tpu.enqueue_dma source(%dma_start3A_28 : memref<64xi32, #tpu.memory_space<hbm>>) target(%dma_start3A_26 : memref<64xi32, #tpu.memory_space<vmem>>) target_semaphore(%dma_start3A_23 : memref<!tpu.dma_semaphore, #tpu.memory_space<semaphore_mem>>)
    %dma_start3A_29 = arith.constant 1 : i32
    %dma_start3A_30 = arith.constant 1 : i32
    %dma_start3A_31 = arith.constant 1 : i32
    %dma_start3A_32 = arith.constant 0 : i32
    %dma_start3A_33 = tpu.memref_slice %arg7[%dma_start3A_30, %dma_start3A_32] : memref<12x64xi32, #tpu.memory_space<vmem>> -> memref<1x64xi32, #tpu.memory_space<vmem>>
    %dma_start3A_34 = tpu.memref_squeeze %dma_start3A_33 : memref<1x64xi32, #tpu.memory_space<vmem>> -> memref<64xi32, #tpu.memory_space<vmem>>
    %dma_start3A_35 = tpu.memref_slice %arg3[%dma_start3A_29, %mul3A_13] : memref<2x320000xi32, #tpu.memory_space<hbm>> -> memref<1x64xi32, #tpu.memory_space<hbm>>
    %dma_start3A_36 = tpu.memref_squeeze %dma_start3A_35 : memref<1x64xi32, #tpu.memory_space<hbm>> -> memref<64xi32, #tpu.memory_space<hbm>>
    %dma_start3A_37 = tpu.memref_slice %arg9[%dma_start3A_31] : memref<12x!tpu.dma_semaphore, #tpu.memory_space<semaphore_mem>> -> memref<1x!tpu.dma_semaphore, #tpu.memory_space<semaphore_mem>>
    %dma_start3A_38 = tpu.memref_squeeze %dma_start3A_37 : memref<1x!tpu.dma_semaphore, #tpu.memory_space<semaphore_mem>> -> memref<!tpu.dma_semaphore, #tpu.memory_space<semaphore_mem>>
    %dma_start3A_39 = arith.constant 0 : i32
    %dma_start3A_40 = tpu.memref_slice %arg7[%dma_start3A_30, %dma_start3A_39] : memref<12x64xi32, #tpu.memory_space<vmem>> -> memref<1x64xi32, #tpu.memory_space<vmem>>
    %dma_start3A_41 = tpu.memref_squeeze %dma_start3A_40 : memref<1x64xi32, #tpu.memory_space<vmem>> -> memref<64xi32, #tpu.memory_space<vmem>>
    %dma_start3A_42 = tpu.memref_slice %arg3[%dma_start3A_29, %mul3A_13] : memref<2x320000xi32, #tpu.memory_space<hbm>> -> memref<1x64xi32, #tpu.memory_space<hbm>>
    %dma_start3A_43 = tpu.memref_squeeze %dma_start3A_42 : memref<1x64xi32, #tpu.memory_space<hbm>> -> memref<64xi32, #tpu.memory_space<hbm>>
    tpu.enqueue_dma source(%dma_start3A_43 : memref<64xi32, #tpu.memory_space<hbm>>) target(%dma_start3A_41 : memref<64xi32, #tpu.memory_space<vmem>>) target_semaphore(%dma_start3A_38 : memref<!tpu.dma_semaphore, #tpu.memory_space<semaphore_mem>>)
    %add3A_44 = arith.constant 32 : i32
    %add3A_45 = arith.addi %add3A, %add3A_44 : i32
    %mul3A_46 = arith.constant 64 : i32
    %mul3A_47 = arith.muli %add3A_45, %mul3A_46 : i32
    %dma_start3A_48 = arith.constant 0 : i32
    %dma_start3A_49 = arith.constant 2 : i32
    %dma_start3A_50 = arith.constant 2 : i32
    %dma_start3A_51 = arith.constant 0 : i32
    %dma_start3A_52 = tpu.memref_slice %arg7[%dma_start3A_49, %dma_start3A_51] : memref<12x64xi32, #tpu.memory_space<vmem>> -> memref<1x64xi32, #tpu.memory_space<vmem>>
    %dma_start3A_53 = tpu.memref_squeeze %dma_start3A_52 : memref<1x64xi32, #tpu.memory_space<vmem>> -> memref<64xi32, #tpu.memory_space<vmem>>
    %dma_start3A_54 = tpu.memref_slice %arg3[%dma_start3A_48, %mul3A_47] : memref<2x320000xi32, #tpu.memory_space<hbm>> -> memref<1x64xi32, #tpu.memory_space<hbm>>
    %dma_start3A_55 = tpu.memref_squeeze %dma_start3A_54 : memref<1x64xi32, #tpu.memory_space<hbm>> -> memref<64xi32, #tpu.memory_space<hbm>>
    %dma_start3A_56 = tpu.memref_slice %arg9[%dma_start3A_50] : memref<12x!tpu.dma_semaphore, #tpu.memory_space<semaphore_mem>> -> memref<1x!tpu.dma_semaphore, #tpu.memory_space<semaphore_mem>>
    %dma_start3A_57 = tpu.memref_squeeze %dma_start3A_56 : memref<1x!tpu.dma_semaphore, #tpu.memory_space<semaphore_mem>> -> memref<!tpu.dma_semaphore, #tpu.memory_space<semaphore_mem>>
    %dma_start3A_58 = arith.constant 0 : i32
    %dma_start3A_59 = tpu.memref_slice %arg7[%dma_start3A_49, %dma_start3A_58] : memref<12x64xi32, #tpu.memory_space<vmem>> -> memref<1x64xi32, #tpu.memory_space<vmem>>
    %dma_start3A_60 = tpu.memref_squeeze %dma_start3A_59 : memref<1x64xi32, #tpu.memory_space<vmem>> -> memref<64xi32, #tpu.memory_space<vmem>>
    %dma_start3A_61 = tpu.memref_slice %arg3[%dma_start3A_48, %mul3A_47] : memref<2x320000xi32, #tpu.memory_space<hbm>> -> memref<1x64xi32, #tpu.memory_space<hbm>>
    %dma_start3A_62 = tpu.memref_squeeze %dma_start3A_61 : memref<1x64xi32, #tpu.memory_space<hbm>> -> memref<64xi32, #tpu.memory_space<hbm>>
    tpu.enqueue_dma source(%dma_start3A_62 : memref<64xi32, #tpu.memory_space<hbm>>) target(%dma_start3A_60 : memref<64xi32, #tpu.memory_space<vmem>>) target_semaphore(%dma_start3A_57 : memref<!tpu.dma_semaphore, #tpu.memory_space<semaphore_mem>>)
    %dma_start3A_63 = arith.constant 1 : i32
    %dma_start3A_64 = arith.constant 3 : i32
    %dma_start3A_65 = arith.constant 3 : i32
    %dma_start3A_66 = arith.constant 0 : i32
    %dma_start3A_67 = tpu.memref_slice %arg7[%dma_start3A_64, %dma_start3A_66] : memref<12x64xi32, #tpu.memory_space<vmem>> -> memref<1x64xi32, #tpu.memory_space<vmem>>
    %dma_start3A_68 = tpu.memref_squeeze %dma_start3A_67 : memref<1x64xi32, #tpu.memory_space<vmem>> -> memref<64xi32, #tpu.memory_space<vmem>>
    %dma_start3A_69 = tpu.memref_slice %arg3[%dma_start3A_63, %mul3A_47] : memref<2x320000xi32, #tpu.memory_space<hbm>> -> memref<1x64xi32, #tpu.memory_space<hbm>>
    %dma_start3A_70 = tpu.memref_squeeze %dma_start3A_69 : memref<1x64xi32, #tpu.memory_space<hbm>> -> memref<64xi32, #tpu.memory_space<hbm>>
    %dma_start3A_71 = tpu.memref_slice %arg9[%dma_start3A_65] : memref<12x!tpu.dma_semaphore, #tpu.memory_space<semaphore_mem>> -> memref<1x!tpu.dma_semaphore, #tpu.memory_space<semaphore_mem>>
    %dma_start3A_72 = tpu.memref_squeeze %dma_start3A_71 : memref<1x!tpu.dma_semaphore, #tpu.memory_space<semaphore_mem>> -> memref<!tpu.dma_semaphore, #tpu.memory_space<semaphore_mem>>
    %dma_start3A_73 = arith.constant 0 : i32
    %dma_start3A_74 = tpu.memref_slice %arg7[%dma_start3A_64, %dma_start3A_73] : memref<12x64xi32, #tpu.memory_space<vmem>> -> memref<1x64xi32, #tpu.memory_space<vmem>>
    %dma_start3A_75 = tpu.memref_squeeze %dma_start3A_74 : memref<1x64xi32, #tpu.memory_space<vmem>> -> memref<64xi32, #tpu.memory_space<vmem>>
    %dma_start3A_76 = tpu.memref_slice %arg3[%dma_start3A_63, %mul3A_47] : memref<2x320000xi32, #tpu.memory_space<hbm>> -> memref<1x64xi32, #tpu.memory_space<hbm>>
    %dma_start3A_77 = tpu.memref_squeeze %dma_start3A_76 : memref<1x64xi32, #tpu.memory_space<hbm>> -> memref<64xi32, #tpu.memory_space<hbm>>
    tpu.enqueue_dma source(%dma_start3A_77 : memref<64xi32, #tpu.memory_space<hbm>>) target(%dma_start3A_75 : memref<64xi32, #tpu.memory_space<vmem>>) target_semaphore(%dma_start3A_72 : memref<!tpu.dma_semaphore, #tpu.memory_space<semaphore_mem>>)
    %add3A_78 = arith.constant 64 : i32
    %add3A_79 = arith.addi %add3A, %add3A_78 : i32
    %mul3A_80 = arith.constant 64 : i32
    %mul3A_81 = arith.muli %add3A_79, %mul3A_80 : i32
    %dma_start3A_82 = arith.constant 0 : i32
    %dma_start3A_83 = arith.constant 4 : i32
    %dma_start3A_84 = arith.constant 4 : i32
    %dma_start3A_85 = arith.constant 0 : i32
    %dma_start3A_86 = tpu.memref_slice %arg7[%dma_start3A_83, %dma_start3A_85] : memref<12x64xi32, #tpu.memory_space<vmem>> -> memref<1x64xi32, #tpu.memory_space<vmem>>
    %dma_start3A_87 = tpu.memref_squeeze %dma_start3A_86 : memref<1x64xi32, #tpu.memory_space<vmem>> -> memref<64xi32, #tpu.memory_space<vmem>>
    %dma_start3A_88 = tpu.memref_slice %arg3[%dma_start3A_82, %mul3A_81] : memref<2x320000xi32, #tpu.memory_space<hbm>> -> memref<1x64xi32, #tpu.memory_space<hbm>>
    %dma_start3A_89 = tpu.memref_squeeze %dma_start3A_88 : memref<1x64xi32, #tpu.memory_space<hbm>> -> memref<64xi32, #tpu.memory_space<hbm>>
    %dma_start3A_90 = tpu.memref_slice %arg9[%dma_start3A_84] : memref<12x!tpu.dma_semaphore, #tpu.memory_space<semaphore_mem>> -> memref<1x!tpu.dma_semaphore, #tpu.memory_space<semaphore_mem>>
    %dma_start3A_91 = tpu.memref_squeeze %dma_start3A_90 : memref<1x!tpu.dma_semaphore, #tpu.memory_space<semaphore_mem>> -> memref<!tpu.dma_semaphore, #tpu.memory_space<semaphore_mem>>
    %dma_start3A_92 = arith.constant 0 : i32
    %dma_start3A_93 = tpu.memref_slice %arg7[%dma_start3A_83, %dma_start3A_92] : memref<12x64xi32, #tpu.memory_space<vmem>> -> memref<1x64xi32, #tpu.memory_space<vmem>>
    %dma_start3A_94 = tpu.memref_squeeze %dma_start3A_93 : memref<1x64xi32, #tpu.memory_space<vmem>> -> memref<64xi32, #tpu.memory_space<vmem>>
    %dma_start3A_95 = tpu.memref_slice %arg3[%dma_start3A_82, %mul3A_81] : memref<2x320000xi32, #tpu.memory_space<hbm>> -> memref<1x64xi32, #tpu.memory_space<hbm>>
    %dma_start3A_96 = tpu.memref_squeeze %dma_start3A_95 : memref<1x64xi32, #tpu.memory_space<hbm>> -> memref<64xi32, #tpu.memory_space<hbm>>
    tpu.enqueue_dma source(%dma_start3A_96 : memref<64xi32, #tpu.memory_space<hbm>>) target(%dma_start3A_94 : memref<64xi32, #tpu.memory_space<vmem>>) target_semaphore(%dma_start3A_91 : memref<!tpu.dma_semaphore, #tpu.memory_space<semaphore_mem>>)
    %dma_start3A_97 = arith.constant 1 : i32
    %dma_start3A_98 = arith.constant 5 : i32
    %dma_start3A_99 = arith.constant 5 : i32
    %dma_start3A_100 = arith.constant 0 : i32
    %dma_start3A_101 = tpu.memref_slice %arg7[%dma_start3A_98, %dma_start3A_100] : memref<12x64xi32, #tpu.memory_space<vmem>> -> memref<1x64xi32, #tpu.memory_space<vmem>>
    %dma_start3A_102 = tpu.memref_squeeze %dma_start3A_101 : memref<1x64xi32, #tpu.memory_space<vmem>> -> memref<64xi32, #tpu.memory_space<vmem>>
    %dma_start3A_103 = tpu.memref_slice %arg3[%dma_start3A_97, %mul3A_81] : memref<2x320000xi32, #tpu.memory_space<hbm>> -> memref<1x64xi32, #tpu.memory_space<hbm>>
    %dma_start3A_104 = tpu.memref_squeeze %dma_start3A_103 : memref<1x64xi32, #tpu.memory_space<hbm>> -> memref<64xi32, #tpu.memory_space<hbm>>
    %dma_start3A_105 = tpu.memref_slice %arg9[%dma_start3A_99] : memref<12x!tpu.dma_semaphore, #tpu.memory_space<semaphore_mem>> -> memref<1x!tpu.dma_semaphore, #tpu.memory_space<semaphore_mem>>
    %dma_start3A_106 = tpu.memref_squeeze %dma_start3A_105 : memref<1x!tpu.dma_semaphore, #tpu.memory_space<semaphore_mem>> -> memref<!tpu.dma_semaphore, #tpu.memory_space<semaphore_mem>>
    %dma_start3A_107 = arith.constant 0 : i32
    %dma_start3A_108 = tpu.memref_slice %arg7[%dma_start3A_98, %dma_start3A_107] : memref<12x64xi32, #tpu.memory_space<vmem>> -> memref<1x64xi32, #tpu.memory_space<vmem>>
    %dma_start3A_109 = tpu.memref_squeeze %dma_start3A_108 : memref<1x64xi32, #tpu.memory_space<vmem>> -> memref<64xi32, #tpu.memory_space<vmem>>
    %dma_start3A_110 = tpu.memref_slice %arg3[%dma_start3A_97, %mul3A_81] : memref<2x320000xi32, #tpu.memory_space<hbm>> -> memref<1x64xi32, #tpu.memory_space<hbm>>
    %dma_start3A_111 = tpu.memref_squeeze %dma_start3A_110 : memref<1x64xi32, #tpu.memory_space<hbm>> -> memref<64xi32, #tpu.memory_space<hbm>>
    tpu.enqueue_dma source(%dma_start3A_111 : memref<64xi32, #tpu.memory_space<hbm>>) target(%dma_start3A_109 : memref<64xi32, #tpu.memory_space<vmem>>) target_semaphore(%dma_start3A_106 : memref<!tpu.dma_semaphore, #tpu.memory_space<semaphore_mem>>)
    %add3A_112 = arith.constant 96 : i32
    %add3A_113 = arith.addi %add3A, %add3A_112 : i32
    %mul3A_114 = arith.constant 64 : i32
    %mul3A_115 = arith.muli %add3A_113, %mul3A_114 : i32
    %dma_start3A_116 = arith.constant 0 : i32
    %dma_start3A_117 = arith.constant 6 : i32
    %dma_start3A_118 = arith.constant 6 : i32
    %dma_start3A_119 = arith.constant 0 : i32
    %dma_start3A_120 = tpu.memref_slice %arg7[%dma_start3A_117, %dma_start3A_119] : memref<12x64xi32, #tpu.memory_space<vmem>> -> memref<1x64xi32, #tpu.memory_space<vmem>>
    %dma_start3A_121 = tpu.memref_squeeze %dma_start3A_120 : memref<1x64xi32, #tpu.memory_space<vmem>> -> memref<64xi32, #tpu.memory_space<vmem>>
    %dma_start3A_122 = tpu.memref_slice %arg3[%dma_start3A_116, %mul3A_115] : memref<2x320000xi32, #tpu.memory_space<hbm>> -> memref<1x64xi32, #tpu.memory_space<hbm>>
    %dma_start3A_123 = tpu.memref_squeeze %dma_start3A_122 : memref<1x64xi32, #tpu.memory_space<hbm>> -> memref<64xi32, #tpu.memory_space<hbm>>
    %dma_start3A_124 = tpu.memref_slice %arg9[%dma_start3A_118] : memref<12x!tpu.dma_semaphore, #tpu.memory_space<semaphore_mem>> -> memref<1x!tpu.dma_semaphore, #tpu.memory_space<semaphore_mem>>
    %dma_start3A_125 = tpu.memref_squeeze %dma_start3A_124 : memref<1x!tpu.dma_semaphore, #tpu.memory_space<semaphore_mem>> -> memref<!tpu.dma_semaphore, #tpu.memory_space<semaphore_mem>>
    %dma_start3A_126 = arith.constant 0 : i32
    %dma_start3A_127 = tpu.memref_slice %arg7[%dma_start3A_117, %dma_start3A_126] : memref<12x64xi32, #tpu.memory_space<vmem>> -> memref<1x64xi32, #tpu.memory_space<vmem>>
    %dma_start3A_128 = tpu.memref_squeeze %dma_start3A_127 : memref<1x64xi32, #tpu.memory_space<vmem>> -> memref<64xi32, #tpu.memory_space<vmem>>
    %dma_start3A_129 = tpu.memref_slice %arg3[%dma_start3A_116, %mul3A_115] : memref<2x320000xi32, #tpu.memory_space<hbm>> -> memref<1x64xi32, #tpu.memory_space<hbm>>
    %dma_start3A_130 = tpu.memref_squeeze %dma_start3A_129 : memref<1x64xi32, #tpu.memory_space<hbm>> -> memref<64xi32, #tpu.memory_space<hbm>>
    tpu.enqueue_dma source(%dma_start3A_130 : memref<64xi32, #tpu.memory_space<hbm>>) target(%dma_start3A_128 : memref<64xi32, #tpu.memory_space<vmem>>) target_semaphore(%dma_start3A_125 : memref<!tpu.dma_semaphore, #tpu.memory_space<semaphore_mem>>)
    %dma_start3A_131 = arith.constant 1 : i32
    %dma_start3A_132 = arith.constant 7 : i32
    %dma_start3A_133 = arith.constant 7 : i32
    %dma_start3A_134 = arith.constant 0 : i32
    %dma_start3A_135 = tpu.memref_slice %arg7[%dma_start3A_132, %dma_start3A_134] : memref<12x64xi32, #tpu.memory_space<vmem>> -> memref<1x64xi32, #tpu.memory_space<vmem>>
    %dma_start3A_136 = tpu.memref_squeeze %dma_start3A_135 : memref<1x64xi32, #tpu.memory_space<vmem>> -> memref<64xi32, #tpu.memory_space<vmem>>
    %dma_start3A_137 = tpu.memref_slice %arg3[%dma_start3A_131, %mul3A_115] : memref<2x320000xi32, #tpu.memory_space<hbm>> -> memref<1x64xi32, #tpu.memory_space<hbm>>
    %dma_start3A_138 = tpu.memref_squeeze %dma_start3A_137 : memref<1x64xi32, #tpu.memory_space<hbm>> -> memref<64xi32, #tpu.memory_space<hbm>>
    %dma_start3A_139 = tpu.memref_slice %arg9[%dma_start3A_133] : memref<12x!tpu.dma_semaphore, #tpu.memory_space<semaphore_mem>> -> memref<1x!tpu.dma_semaphore, #tpu.memory_space<semaphore_mem>>
    %dma_start3A_140 = tpu.memref_squeeze %dma_start3A_139 : memref<1x!tpu.dma_semaphore, #tpu.memory_space<semaphore_mem>> -> memref<!tpu.dma_semaphore, #tpu.memory_space<semaphore_mem>>
    %dma_start3A_141 = arith.constant 0 : i32
    %dma_start3A_142 = tpu.memref_slice %arg7[%dma_start3A_132, %dma_start3A_141] : memref<12x64xi32, #tpu.memory_space<vmem>> -> memref<1x64xi32, #tpu.memory_space<vmem>>
    %dma_start3A_143 = tpu.memref_squeeze %dma_start3A_142 : memref<1x64xi32, #tpu.memory_space<vmem>> -> memref<64xi32, #tpu.memory_space<vmem>>
    %dma_start3A_144 = tpu.memref_slice %arg3[%dma_start3A_131, %mul3A_115] : memref<2x320000xi32, #tpu.memory_space<hbm>> -> memref<1x64xi32, #tpu.memory_space<hbm>>
    %dma_start3A_145 = tpu.memref_squeeze %dma_start3A_144 : memref<1x64xi32, #tpu.memory_space<hbm>> -> memref<64xi32, #tpu.memory_space<hbm>>
    tpu.enqueue_dma source(%dma_start3A_145 : memref<64xi32, #tpu.memory_space<hbm>>) target(%dma_start3A_143 : memref<64xi32, #tpu.memory_space<vmem>>) target_semaphore(%dma_start3A_140 : memref<!tpu.dma_semaphore, #tpu.memory_space<semaphore_mem>>)
    %add3A_146 = arith.constant 128 : i32
    %add3A_147 = arith.addi %add3A, %add3A_146 : i32
    %mul3A_148 = arith.constant 64 : i32
    %mul3A_149 = arith.muli %add3A_147, %mul3A_148 : i32
    %dma_start3A_150 = arith.constant 0 : i32
    %dma_start3A_151 = arith.constant 8 : i32
    %dma_start3A_152 = arith.constant 8 : i32
    %dma_start3A_153 = arith.constant 0 : i32
    %dma_start3A_154 = tpu.memref_slice %arg7[%dma_start3A_151, %dma_start3A_153] : memref<12x64xi32, #tpu.memory_space<vmem>> -> memref<1x64xi32, #tpu.memory_space<vmem>>
    %dma_start3A_155 = tpu.memref_squeeze %dma_start3A_154 : memref<1x64xi32, #tpu.memory_space<vmem>> -> memref<64xi32, #tpu.memory_space<vmem>>
    %dma_start3A_156 = tpu.memref_slice %arg3[%dma_start3A_150, %mul3A_149] : memref<2x320000xi32, #tpu.memory_space<hbm>> -> memref<1x64xi32, #tpu.memory_space<hbm>>
    %dma_start3A_157 = tpu.memref_squeeze %dma_start3A_156 : memref<1x64xi32, #tpu.memory_space<hbm>> -> memref<64xi32, #tpu.memory_space<hbm>>
    %dma_start3A_158 = tpu.memref_slice %arg9[%dma_start3A_152] : memref<12x!tpu.dma_semaphore, #tpu.memory_space<semaphore_mem>> -> memref<1x!tpu.dma_semaphore, #tpu.memory_space<semaphore_mem>>
    %dma_start3A_159 = tpu.memref_squeeze %dma_start3A_158 : memref<1x!tpu.dma_semaphore, #tpu.memory_space<semaphore_mem>> -> memref<!tpu.dma_semaphore, #tpu.memory_space<semaphore_mem>>
    %dma_start3A_160 = arith.constant 0 : i32
    %dma_start3A_161 = tpu.memref_slice %arg7[%dma_start3A_151, %dma_start3A_160] : memref<12x64xi32, #tpu.memory_space<vmem>> -> memref<1x64xi32, #tpu.memory_space<vmem>>
    %dma_start3A_162 = tpu.memref_squeeze %dma_start3A_161 : memref<1x64xi32, #tpu.memory_space<vmem>> -> memref<64xi32, #tpu.memory_space<vmem>>
    %dma_start3A_163 = tpu.memref_slice %arg3[%dma_start3A_150, %mul3A_149] : memref<2x320000xi32, #tpu.memory_space<hbm>> -> memref<1x64xi32, #tpu.memory_space<hbm>>
    %dma_start3A_164 = tpu.memref_squeeze %dma_start3A_163 : memref<1x64xi32, #tpu.memory_space<hbm>> -> memref<64xi32, #tpu.memory_space<hbm>>
    tpu.enqueue_dma source(%dma_start3A_164 : memref<64xi32, #tpu.memory_space<hbm>>) target(%dma_start3A_162 : memref<64xi32, #tpu.memory_space<vmem>>) target_semaphore(%dma_start3A_159 : memref<!tpu.dma_semaphore, #tpu.memory_space<semaphore_mem>>)
    %dma_start3A_165 = arith.constant 1 : i32
    %dma_start3A_166 = arith.constant 9 : i32
    %dma_start3A_167 = arith.constant 9 : i32
    %dma_start3A_168 = arith.constant 0 : i32
    %dma_start3A_169 = tpu.memref_slice %arg7[%dma_start3A_166, %dma_start3A_168] : memref<12x64xi32, #tpu.memory_space<vmem>> -> memref<1x64xi32, #tpu.memory_space<vmem>>
    %dma_start3A_170 = tpu.memref_squeeze %dma_start3A_169 : memref<1x64xi32, #tpu.memory_space<vmem>> -> memref<64xi32, #tpu.memory_space<vmem>>
    %dma_start3A_171 = tpu.memref_slice %arg3[%dma_start3A_165, %mul3A_149] : memref<2x320000xi32, #tpu.memory_space<hbm>> -> memref<1x64xi32, #tpu.memory_space<hbm>>
    %dma_start3A_172 = tpu.memref_squeeze %dma_start3A_171 : memref<1x64xi32, #tpu.memory_space<hbm>> -> memref<64xi32, #tpu.memory_space<hbm>>
    %dma_start3A_173 = tpu.memref_slice %arg9[%dma_start3A_167] : memref<12x!tpu.dma_semaphore, #tpu.memory_space<semaphore_mem>> -> memref<1x!tpu.dma_semaphore, #tpu.memory_space<semaphore_mem>>
    %dma_start3A_174 = tpu.memref_squeeze %dma_start3A_173 : memref<1x!tpu.dma_semaphore, #tpu.memory_space<semaphore_mem>> -> memref<!tpu.dma_semaphore, #tpu.memory_space<semaphore_mem>>
    %dma_start3A_175 = arith.constant 0 : i32
    %dma_start3A_176 = tpu.memref_slice %arg7[%dma_start3A_166, %dma_start3A_175] : memref<12x64xi32, #tpu.memory_space<vmem>> -> memref<1x64xi32, #tpu.memory_space<vmem>>
    %dma_start3A_177 = tpu.memref_squeeze %dma_start3A_176 : memref<1x64xi32, #tpu.memory_space<vmem>> -> memref<64xi32, #tpu.memory_space<vmem>>
    %dma_start3A_178 = tpu.memref_slice %arg3[%dma_start3A_165, %mul3A_149] : memref<2x320000xi32, #tpu.memory_space<hbm>> -> memref<1x64xi32, #tpu.memory_space<hbm>>
    %dma_start3A_179 = tpu.memref_squeeze %dma_start3A_178 : memref<1x64xi32, #tpu.memory_space<hbm>> -> memref<64xi32, #tpu.memory_space<hbm>>
    tpu.enqueue_dma source(%dma_start3A_179 : memref<64xi32, #tpu.memory_space<hbm>>) target(%dma_start3A_177 : memref<64xi32, #tpu.memory_space<vmem>>) target_semaphore(%dma_start3A_174 : memref<!tpu.dma_semaphore, #tpu.memory_space<semaphore_mem>>)
    %add3A_180 = arith.constant 0 : i32
    %add3A_181 = arith.addi %add3A, %add3A_180 : i32
    %mul3A_182 = arith.constant 64 : i32
    %mul3A_183 = arith.muli %add3A_181, %mul3A_182 : i32
    %dma_wait3A = arith.constant 0 : i32
    %dma_wait3A_184 = arith.constant 0 : i32
    %dma_wait3A_185 = arith.constant 0 : i32
    %dma_wait3A_186 = arith.constant 0 : i32
    %dma_wait3A_187 = tpu.memref_slice %arg7[%dma_wait3A_184, %dma_wait3A_186] : memref<12x64xi32, #tpu.memory_space<vmem>> -> memref<1x64xi32, #tpu.memory_space<vmem>>
    %dma_wait3A_188 = tpu.memref_squeeze %dma_wait3A_187 : memref<1x64xi32, #tpu.memory_space<vmem>> -> memref<64xi32, #tpu.memory_space<vmem>>
    %dma_wait3A_189 = tpu.memref_slice %arg3[%dma_wait3A, %mul3A_183] : memref<2x320000xi32, #tpu.memory_space<hbm>> -> memref<1x64xi32, #tpu.memory_space<hbm>>
    %dma_wait3A_190 = tpu.memref_squeeze %dma_wait3A_189 : memref<1x64xi32, #tpu.memory_space<hbm>> -> memref<64xi32, #tpu.memory_space<hbm>>
    %dma_wait3A_191 = tpu.memref_slice %arg9[%dma_wait3A_185] : memref<12x!tpu.dma_semaphore, #tpu.memory_space<semaphore_mem>> -> memref<1x!tpu.dma_semaphore, #tpu.memory_space<semaphore_mem>>
    %dma_wait3A_192 = tpu.memref_squeeze %dma_wait3A_191 : memref<1x!tpu.dma_semaphore, #tpu.memory_space<semaphore_mem>> -> memref<!tpu.dma_semaphore, #tpu.memory_space<semaphore_mem>>
    %dma_wait3A_193 = arith.constant 0 : i32
    %dma_wait3A_194 = tpu.memref_slice %arg7[%dma_wait3A_184, %dma_wait3A_193] : memref<12x64xi32, #tpu.memory_space<vmem>> -> memref<1x64xi32, #tpu.memory_space<vmem>>
    %dma_wait3A_195 = tpu.memref_squeeze %dma_wait3A_194 : memref<1x64xi32, #tpu.memory_space<vmem>> -> memref<64xi32, #tpu.memory_space<vmem>>
    %dma_wait3A_196 = tpu.memref_slice %arg3[%dma_wait3A, %mul3A_183] : memref<2x320000xi32, #tpu.memory_space<hbm>> -> memref<1x64xi32, #tpu.memory_space<hbm>>
    %dma_wait3A_197 = tpu.memref_squeeze %dma_wait3A_196 : memref<1x64xi32, #tpu.memory_space<hbm>> -> memref<64xi32, #tpu.memory_space<hbm>>
    tpu.wait_dma2 semaphore(%dma_wait3A_192 : memref<!tpu.dma_semaphore, #tpu.memory_space<semaphore_mem>>) src(%dma_wait3A_197 : memref<64xi32, #tpu.memory_space<hbm>>) dst(%dma_wait3A_195 : memref<64xi32, #tpu.memory_space<vmem>>)
    %dma_wait3A_198 = arith.constant 1 : i32
    %dma_wait3A_199 = arith.constant 1 : i32
    %dma_wait3A_200 = arith.constant 1 : i32
    %dma_wait3A_201 = arith.constant 0 : i32
    %dma_wait3A_202 = tpu.memref_slice %arg7[%dma_wait3A_199, %dma_wait3A_201] : memref<12x64xi32, #tpu.memory_space<vmem>> -> memref<1x64xi32, #tpu.memory_space<vmem>>
    %dma_wait3A_203 = tpu.memref_squeeze %dma_wait3A_202 : memref<1x64xi32, #tpu.memory_space<vmem>> -> memref<64xi32, #tpu.memory_space<vmem>>
    %dma_wait3A_204 = tpu.memref_slice %arg3[%dma_wait3A_198, %mul3A_183] : memref<2x320000xi32, #tpu.memory_space<hbm>> -> memref<1x64xi32, #tpu.memory_space<hbm>>
    %dma_wait3A_205 = tpu.memref_squeeze %dma_wait3A_204 : memref<1x64xi32, #tpu.memory_space<hbm>> -> memref<64xi32, #tpu.memory_space<hbm>>
    %dma_wait3A_206 = tpu.memref_slice %arg9[%dma_wait3A_200] : memref<12x!tpu.dma_semaphore, #tpu.memory_space<semaphore_mem>> -> memref<1x!tpu.dma_semaphore, #tpu.memory_space<semaphore_mem>>
    %dma_wait3A_207 = tpu.memref_squeeze %dma_wait3A_206 : memref<1x!tpu.dma_semaphore, #tpu.memory_space<semaphore_mem>> -> memref<!tpu.dma_semaphore, #tpu.memory_space<semaphore_mem>>
    %dma_wait3A_208 = arith.constant 0 : i32
    %dma_wait3A_209 = tpu.memref_slice %arg7[%dma_wait3A_199, %dma_wait3A_208] : memref<12x64xi32, #tpu.memory_space<vmem>> -> memref<1x64xi32, #tpu.memory_space<vmem>>
    %dma_wait3A_210 = tpu.memref_squeeze %dma_wait3A_209 : memref<1x64xi32, #tpu.memory_space<vmem>> -> memref<64xi32, #tpu.memory_space<vmem>>
    %dma_wait3A_211 = tpu.memref_slice %arg3[%dma_wait3A_198, %mul3A_183] : memref<2x320000xi32, #tpu.memory_space<hbm>> -> memref<1x64xi32, #tpu.memory_space<hbm>>
    %dma_wait3A_212 = tpu.memref_squeeze %dma_wait3A_211 : memref<1x64xi32, #tpu.memory_space<hbm>> -> memref<64xi32, #tpu.memory_space<hbm>>
    tpu.wait_dma2 semaphore(%dma_wait3A_207 : memref<!tpu.dma_semaphore, #tpu.memory_space<semaphore_mem>>) src(%dma_wait3A_212 : memref<64xi32, #tpu.memory_space<hbm>>) dst(%dma_wait3A_210 : memref<64xi32, #tpu.memory_space<vmem>>)
    %dma_start3A_213 = arith.constant 0 : i32
    %dma_start3A_214 = arith.constant 0 : i32
    %dma_start3A_215 = arith.constant 0 : i32
    %dma_start3A_216 = arith.constant 0 : i32
    %dma_start3A_217 = arith.constant 0 : i32
    %dma_start3A_218 = tpu.memref_slice %arg8[%dma_start3A_214, %dma_start3A_216, %dma_start3A_217] : memref<5x64x128xf32, #tpu.memory_space<vmem>> -> memref<1x64x128xf32, #tpu.memory_space<vmem>>
    %dma_start3A_219 = tpu.memref_squeeze %dma_start3A_218 : memref<1x64x128xf32, #tpu.memory_space<vmem>> -> memref<64x128xf32, #tpu.memory_space<vmem>>
    %dma_start3A_220 = arith.constant 0 : i32
    %dma_start3A_221 = tpu.memref_slice %arg7[%dma_start3A_213, %dma_start3A_220] : memref<12x64xi32, #tpu.memory_space<vmem>> -> memref<1x64xi32, #tpu.memory_space<vmem>>
    %dma_start3A_222 = tpu.memref_squeeze %dma_start3A_221 : memref<1x64xi32, #tpu.memory_space<vmem>> -> memref<64xi32, #tpu.memory_space<vmem>>
    %dma_start3A_223 = arith.constant 0 : i32
    %dma_start3A_224 = arith.constant 0 : i32
    %dma_start3A_225 = tpu.memref_slice %arg2[%dma_start3A_223, %dma_start3A_224] : memref<10112x128xf32, #tpu.memory_space<hbm>> -> memref<10112x128xf32, #tpu.memory_space<hbm>>
    %dma_start3A_226 = tpu.memref_slice %arg10[%dma_start3A_215] : memref<5x!tpu.dma_semaphore, #tpu.memory_space<semaphore_mem>> -> memref<1x!tpu.dma_semaphore, #tpu.memory_space<semaphore_mem>>
    %dma_start3A_227 = tpu.memref_squeeze %dma_start3A_226 : memref<1x!tpu.dma_semaphore, #tpu.memory_space<semaphore_mem>> -> memref<!tpu.dma_semaphore, #tpu.memory_space<semaphore_mem>>
    tpu.enqueue_indirect_dma source(%dma_start3A_225 : memref<10112x128xf32, #tpu.memory_space<hbm>>) target(%dma_start3A_219 : memref<64x128xf32, #tpu.memory_space<vmem>>) offsets(%dma_start3A_222 : memref<64xi32, #tpu.memory_space<vmem>>) semaphore(%dma_start3A_227 : memref<!tpu.dma_semaphore, #tpu.memory_space<semaphore_mem>>)
    %add3A_228 = arith.constant 32 : i32
    %add3A_229 = arith.addi %add3A, %add3A_228 : i32
    %mul3A_230 = arith.constant 64 : i32
    %mul3A_231 = arith.muli %add3A_229, %mul3A_230 : i32
    %dma_wait3A_232 = arith.constant 0 : i32
    %dma_wait3A_233 = arith.constant 2 : i32
    %dma_wait3A_234 = arith.constant 2 : i32
    %dma_wait3A_235 = arith.constant 0 : i32
    %dma_wait3A_236 = tpu.memref_slice %arg7[%dma_wait3A_233, %dma_wait3A_235] : memref<12x64xi32, #tpu.memory_space<vmem>> -> memref<1x64xi32, #tpu.memory_space<vmem>>
    %dma_wait3A_237 = tpu.memref_squeeze %dma_wait3A_236 : memref<1x64xi32, #tpu.memory_space<vmem>> -> memref<64xi32, #tpu.memory_space<vmem>>
    %dma_wait3A_238 = tpu.memref_slice %arg3[%dma_wait3A_232, %mul3A_231] : memref<2x320000xi32, #tpu.memory_space<hbm>> -> memref<1x64xi32, #tpu.memory_space<hbm>>
    %dma_wait3A_239 = tpu.memref_squeeze %dma_wait3A_238 : memref<1x64xi32, #tpu.memory_space<hbm>> -> memref<64xi32, #tpu.memory_space<hbm>>
    %dma_wait3A_240 = tpu.memref_slice %arg9[%dma_wait3A_234] : memref<12x!tpu.dma_semaphore, #tpu.memory_space<semaphore_mem>> -> memref<1x!tpu.dma_semaphore, #tpu.memory_space<semaphore_mem>>
    %dma_wait3A_241 = tpu.memref_squeeze %dma_wait3A_240 : memref<1x!tpu.dma_semaphore, #tpu.memory_space<semaphore_mem>> -> memref<!tpu.dma_semaphore, #tpu.memory_space<semaphore_mem>>
    %dma_wait3A_242 = arith.constant 0 : i32
    %dma_wait3A_243 = tpu.memref_slice %arg7[%dma_wait3A_233, %dma_wait3A_242] : memref<12x64xi32, #tpu.memory_space<vmem>> -> memref<1x64xi32, #tpu.memory_space<vmem>>
    %dma_wait3A_244 = tpu.memref_squeeze %dma_wait3A_243 : memref<1x64xi32, #tpu.memory_space<vmem>> -> memref<64xi32, #tpu.memory_space<vmem>>
    %dma_wait3A_245 = tpu.memref_slice %arg3[%dma_wait3A_232, %mul3A_231] : memref<2x320000xi32, #tpu.memory_space<hbm>> -> memref<1x64xi32, #tpu.memory_space<hbm>>
    %dma_wait3A_246 = tpu.memref_squeeze %dma_wait3A_245 : memref<1x64xi32, #tpu.memory_space<hbm>> -> memref<64xi32, #tpu.memory_space<hbm>>
    tpu.wait_dma2 semaphore(%dma_wait3A_241 : memref<!tpu.dma_semaphore, #tpu.memory_space<semaphore_mem>>) src(%dma_wait3A_246 : memref<64xi32, #tpu.memory_space<hbm>>) dst(%dma_wait3A_244 : memref<64xi32, #tpu.memory_space<vmem>>)
    %dma_wait3A_247 = arith.constant 1 : i32
    %dma_wait3A_248 = arith.constant 3 : i32
    %dma_wait3A_249 = arith.constant 3 : i32
    %dma_wait3A_250 = arith.constant 0 : i32
    %dma_wait3A_251 = tpu.memref_slice %arg7[%dma_wait3A_248, %dma_wait3A_250] : memref<12x64xi32, #tpu.memory_space<vmem>> -> memref<1x64xi32, #tpu.memory_space<vmem>>
    %dma_wait3A_252 = tpu.memref_squeeze %dma_wait3A_251 : memref<1x64xi32, #tpu.memory_space<vmem>> -> memref<64xi32, #tpu.memory_space<vmem>>
    %dma_wait3A_253 = tpu.memref_slice %arg3[%dma_wait3A_247, %mul3A_231] : memref<2x320000xi32, #tpu.memory_space<hbm>> -> memref<1x64xi32, #tpu.memory_space<hbm>>
    %dma_wait3A_254 = tpu.memref_squeeze %dma_wait3A_253 : memref<1x64xi32, #tpu.memory_space<hbm>> -> memref<64xi32, #tpu.memory_space<hbm>>
    %dma_wait3A_255 = tpu.memref_slice %arg9[%dma_wait3A_249] : memref<12x!tpu.dma_semaphore, #tpu.memory_space<semaphore_mem>> -> memref<1x!tpu.dma_semaphore, #tpu.memory_space<semaphore_mem>>
    %dma_wait3A_256 = tpu.memref_squeeze %dma_wait3A_255 : memref<1x!tpu.dma_semaphore, #tpu.memory_space<semaphore_mem>> -> memref<!tpu.dma_semaphore, #tpu.memory_space<semaphore_mem>>
    %dma_wait3A_257 = arith.constant 0 : i32
    %dma_wait3A_258 = tpu.memref_slice %arg7[%dma_wait3A_248, %dma_wait3A_257] : memref<12x64xi32, #tpu.memory_space<vmem>> -> memref<1x64xi32, #tpu.memory_space<vmem>>
    %dma_wait3A_259 = tpu.memref_squeeze %dma_wait3A_258 : memref<1x64xi32, #tpu.memory_space<vmem>> -> memref<64xi32, #tpu.memory_space<vmem>>
    %dma_wait3A_260 = tpu.memref_slice %arg3[%dma_wait3A_247, %mul3A_231] : memref<2x320000xi32, #tpu.memory_space<hbm>> -> memref<1x64xi32, #tpu.memory_space<hbm>>
    %dma_wait3A_261 = tpu.memref_squeeze %dma_wait3A_260 : memref<1x64xi32, #tpu.memory_space<hbm>> -> memref<64xi32, #tpu.memory_space<hbm>>
    tpu.wait_dma2 semaphore(%dma_wait3A_256 : memref<!tpu.dma_semaphore, #tpu.memory_space<semaphore_mem>>) src(%dma_wait3A_261 : memref<64xi32, #tpu.memory_space<hbm>>) dst(%dma_wait3A_259 : memref<64xi32, #tpu.memory_space<vmem>>)
    %dma_start3A_262 = arith.constant 2 : i32
    %dma_start3A_263 = arith.constant 1 : i32
    %dma_start3A_264 = arith.constant 1 : i32
    %dma_start3A_265 = arith.constant 0 : i32
    %dma_start3A_266 = arith.constant 0 : i32
    %dma_start3A_267 = tpu.memref_slice %arg8[%dma_start3A_263, %dma_start3A_265, %dma_start3A_266] : memref<5x64x128xf32, #tpu.memory_space<vmem>> -> memref<1x64x128xf32, #tpu.memory_space<vmem>>
    %dma_start3A_268 = tpu.memref_squeeze %dma_start3A_267 : memref<1x64x128xf32, #tpu.memory_space<vmem>> -> memref<64x128xf32, #tpu.memory_space<vmem>>
    %dma_start3A_269 = arith.constant 0 : i32
    %dma_start3A_270 = tpu.memref_slice %arg7[%dma_start3A_262, %dma_start3A_269] : memref<12x64xi32, #tpu.memory_space<vmem>> -> memref<1x64xi32, #tpu.memory_space<vmem>>
    %dma_start3A_271 = tpu.memref_squeeze %dma_start3A_270 : memref<1x64xi32, #tpu.memory_space<vmem>> -> memref<64xi32, #tpu.memory_space<vmem>>
    %dma_start3A_272 = arith.constant 0 : i32
    %dma_start3A_273 = arith.constant 0 : i32
    %dma_start3A_274 = tpu.memref_slice %arg2[%dma_start3A_272, %dma_start3A_273] : memref<10112x128xf32, #tpu.memory_space<hbm>> -> memref<10112x128xf32, #tpu.memory_space<hbm>>
    %dma_start3A_275 = tpu.memref_slice %arg10[%dma_start3A_264] : memref<5x!tpu.dma_semaphore, #tpu.memory_space<semaphore_mem>> -> memref<1x!tpu.dma_semaphore, #tpu.memory_space<semaphore_mem>>
    %dma_start3A_276 = tpu.memref_squeeze %dma_start3A_275 : memref<1x!tpu.dma_semaphore, #tpu.memory_space<semaphore_mem>> -> memref<!tpu.dma_semaphore, #tpu.memory_space<semaphore_mem>>
    tpu.enqueue_indirect_dma source(%dma_start3A_274 : memref<10112x128xf32, #tpu.memory_space<hbm>>) target(%dma_start3A_268 : memref<64x128xf32, #tpu.memory_space<vmem>>) offsets(%dma_start3A_271 : memref<64xi32, #tpu.memory_space<vmem>>) semaphore(%dma_start3A_276 : memref<!tpu.dma_semaphore, #tpu.memory_space<semaphore_mem>>)
    %add3A_277 = arith.constant 64 : i32
    %add3A_278 = arith.addi %add3A, %add3A_277 : i32
    %mul3A_279 = arith.constant 64 : i32
    %mul3A_280 = arith.muli %add3A_278, %mul3A_279 : i32
    %dma_wait3A_281 = arith.constant 0 : i32
    %dma_wait3A_282 = arith.constant 4 : i32
    %dma_wait3A_283 = arith.constant 4 : i32
    %dma_wait3A_284 = arith.constant 0 : i32
    %dma_wait3A_285 = tpu.memref_slice %arg7[%dma_wait3A_282, %dma_wait3A_284] : memref<12x64xi32, #tpu.memory_space<vmem>> -> memref<1x64xi32, #tpu.memory_space<vmem>>
    %dma_wait3A_286 = tpu.memref_squeeze %dma_wait3A_285 : memref<1x64xi32, #tpu.memory_space<vmem>> -> memref<64xi32, #tpu.memory_space<vmem>>
    %dma_wait3A_287 = tpu.memref_slice %arg3[%dma_wait3A_281, %mul3A_280] : memref<2x320000xi32, #tpu.memory_space<hbm>> -> memref<1x64xi32, #tpu.memory_space<hbm>>
    %dma_wait3A_288 = tpu.memref_squeeze %dma_wait3A_287 : memref<1x64xi32, #tpu.memory_space<hbm>> -> memref<64xi32, #tpu.memory_space<hbm>>
    %dma_wait3A_289 = tpu.memref_slice %arg9[%dma_wait3A_283] : memref<12x!tpu.dma_semaphore, #tpu.memory_space<semaphore_mem>> -> memref<1x!tpu.dma_semaphore, #tpu.memory_space<semaphore_mem>>
    %dma_wait3A_290 = tpu.memref_squeeze %dma_wait3A_289 : memref<1x!tpu.dma_semaphore, #tpu.memory_space<semaphore_mem>> -> memref<!tpu.dma_semaphore, #tpu.memory_space<semaphore_mem>>
    %dma_wait3A_291 = arith.constant 0 : i32
    %dma_wait3A_292 = tpu.memref_slice %arg7[%dma_wait3A_282, %dma_wait3A_291] : memref<12x64xi32, #tpu.memory_space<vmem>> -> memref<1x64xi32, #tpu.memory_space<vmem>>
    %dma_wait3A_293 = tpu.memref_squeeze %dma_wait3A_292 : memref<1x64xi32, #tpu.memory_space<vmem>> -> memref<64xi32, #tpu.memory_space<vmem>>
    %dma_wait3A_294 = tpu.memref_slice %arg3[%dma_wait3A_281, %mul3A_280] : memref<2x320000xi32, #tpu.memory_space<hbm>> -> memref<1x64xi32, #tpu.memory_space<hbm>>
    %dma_wait3A_295 = tpu.memref_squeeze %dma_wait3A_294 : memref<1x64xi32, #tpu.memory_space<hbm>> -> memref<64xi32, #tpu.memory_space<hbm>>
    tpu.wait_dma2 semaphore(%dma_wait3A_290 : memref<!tpu.dma_semaphore, #tpu.memory_space<semaphore_mem>>) src(%dma_wait3A_295 : memref<64xi32, #tpu.memory_space<hbm>>) dst(%dma_wait3A_293 : memref<64xi32, #tpu.memory_space<vmem>>)
    %dma_wait3A_296 = arith.constant 1 : i32
    %dma_wait3A_297 = arith.constant 5 : i32
    %dma_wait3A_298 = arith.constant 5 : i32
    %dma_wait3A_299 = arith.constant 0 : i32
    %dma_wait3A_300 = tpu.memref_slice %arg7[%dma_wait3A_297, %dma_wait3A_299] : memref<12x64xi32, #tpu.memory_space<vmem>> -> memref<1x64xi32, #tpu.memory_space<vmem>>
    %dma_wait3A_301 = tpu.memref_squeeze %dma_wait3A_300 : memref<1x64xi32, #tpu.memory_space<vmem>> -> memref<64xi32, #tpu.memory_space<vmem>>
    %dma_wait3A_302 = tpu.memref_slice %arg3[%dma_wait3A_296, %mul3A_280] : memref<2x320000xi32, #tpu.memory_space<hbm>> -> memref<1x64xi32, #tpu.memory_space<hbm>>
    %dma_wait3A_303 = tpu.memref_squeeze %dma_wait3A_302 : memref<1x64xi32, #tpu.memory_space<hbm>> -> memref<64xi32, #tpu.memory_space<hbm>>
    %dma_wait3A_304 = tpu.memref_slice %arg9[%dma_wait3A_298] : memref<12x!tpu.dma_semaphore, #tpu.memory_space<semaphore_mem>> -> memref<1x!tpu.dma_semaphore, #tpu.memory_space<semaphore_mem>>
    %dma_wait3A_305 = tpu.memref_squeeze %dma_wait3A_304 : memref<1x!tpu.dma_semaphore, #tpu.memory_space<semaphore_mem>> -> memref<!tpu.dma_semaphore, #tpu.memory_space<semaphore_mem>>
    %dma_wait3A_306 = arith.constant 0 : i32
    %dma_wait3A_307 = tpu.memref_slice %arg7[%dma_wait3A_297, %dma_wait3A_306] : memref<12x64xi32, #tpu.memory_space<vmem>> -> memref<1x64xi32, #tpu.memory_space<vmem>>
    %dma_wait3A_308 = tpu.memref_squeeze %dma_wait3A_307 : memref<1x64xi32, #tpu.memory_space<vmem>> -> memref<64xi32, #tpu.memory_space<vmem>>
    %dma_wait3A_309 = tpu.memref_slice %arg3[%dma_wait3A_296, %mul3A_280] : memref<2x320000xi32, #tpu.memory_space<hbm>> -> memref<1x64xi32, #tpu.memory_space<hbm>>
    %dma_wait3A_310 = tpu.memref_squeeze %dma_wait3A_309 : memref<1x64xi32, #tpu.memory_space<hbm>> -> memref<64xi32, #tpu.memory_space<hbm>>
    tpu.wait_dma2 semaphore(%dma_wait3A_305 : memref<!tpu.dma_semaphore, #tpu.memory_space<semaphore_mem>>) src(%dma_wait3A_310 : memref<64xi32, #tpu.memory_space<hbm>>) dst(%dma_wait3A_308 : memref<64xi32, #tpu.memory_space<vmem>>)
    %dma_start3A_311 = arith.constant 4 : i32
    %dma_start3A_312 = arith.constant 2 : i32
    %dma_start3A_313 = arith.constant 2 : i32
    %dma_start3A_314 = arith.constant 0 : i32
    %dma_start3A_315 = arith.constant 0 : i32
    %dma_start3A_316 = tpu.memref_slice %arg8[%dma_start3A_312, %dma_start3A_314, %dma_start3A_315] : memref<5x64x128xf32, #tpu.memory_space<vmem>> -> memref<1x64x128xf32, #tpu.memory_space<vmem>>
    %dma_start3A_317 = tpu.memref_squeeze %dma_start3A_316 : memref<1x64x128xf32, #tpu.memory_space<vmem>> -> memref<64x128xf32, #tpu.memory_space<vmem>>
    %dma_start3A_318 = arith.constant 0 : i32
    %dma_start3A_319 = tpu.memref_slice %arg7[%dma_start3A_311, %dma_start3A_318] : memref<12x64xi32, #tpu.memory_space<vmem>> -> memref<1x64xi32, #tpu.memory_space<vmem>>
    %dma_start3A_320 = tpu.memref_squeeze %dma_start3A_319 : memref<1x64xi32, #tpu.memory_space<vmem>> -> memref<64xi32, #tpu.memory_space<vmem>>
    %dma_start3A_321 = arith.constant 0 : i32
    %dma_start3A_322 = arith.constant 0 : i32
    %dma_start3A_323 = tpu.memref_slice %arg2[%dma_start3A_321, %dma_start3A_322] : memref<10112x128xf32, #tpu.memory_space<hbm>> -> memref<10112x128xf32, #tpu.memory_space<hbm>>
    %dma_start3A_324 = tpu.memref_slice %arg10[%dma_start3A_313] : memref<5x!tpu.dma_semaphore, #tpu.memory_space<semaphore_mem>> -> memref<1x!tpu.dma_semaphore, #tpu.memory_space<semaphore_mem>>
    %dma_start3A_325 = tpu.memref_squeeze %dma_start3A_324 : memref<1x!tpu.dma_semaphore, #tpu.memory_space<semaphore_mem>> -> memref<!tpu.dma_semaphore, #tpu.memory_space<semaphore_mem>>
    tpu.enqueue_indirect_dma source(%dma_start3A_323 : memref<10112x128xf32, #tpu.memory_space<hbm>>) target(%dma_start3A_317 : memref<64x128xf32, #tpu.memory_space<vmem>>) offsets(%dma_start3A_320 : memref<64xi32, #tpu.memory_space<vmem>>) semaphore(%dma_start3A_325 : memref<!tpu.dma_semaphore, #tpu.memory_space<semaphore_mem>>)
    %add3A_326 = arith.constant 96 : i32
    %add3A_327 = arith.addi %add3A, %add3A_326 : i32
    %mul3A_328 = arith.constant 64 : i32
    %mul3A_329 = arith.muli %add3A_327, %mul3A_328 : i32
    %dma_wait3A_330 = arith.constant 0 : i32
    %dma_wait3A_331 = arith.constant 6 : i32
    %dma_wait3A_332 = arith.constant 6 : i32
    %dma_wait3A_333 = arith.constant 0 : i32
    %dma_wait3A_334 = tpu.memref_slice %arg7[%dma_wait3A_331, %dma_wait3A_333] : memref<12x64xi32, #tpu.memory_space<vmem>> -> memref<1x64xi32, #tpu.memory_space<vmem>>
    %dma_wait3A_335 = tpu.memref_squeeze %dma_wait3A_334 : memref<1x64xi32, #tpu.memory_space<vmem>> -> memref<64xi32, #tpu.memory_space<vmem>>
    %dma_wait3A_336 = tpu.memref_slice %arg3[%dma_wait3A_330, %mul3A_329] : memref<2x320000xi32, #tpu.memory_space<hbm>> -> memref<1x64xi32, #tpu.memory_space<hbm>>
    %dma_wait3A_337 = tpu.memref_squeeze %dma_wait3A_336 : memref<1x64xi32, #tpu.memory_space<hbm>> -> memref<64xi32, #tpu.memory_space<hbm>>
    %dma_wait3A_338 = tpu.memref_slice %arg9[%dma_wait3A_332] : memref<12x!tpu.dma_semaphore, #tpu.memory_space<semaphore_mem>> -> memref<1x!tpu.dma_semaphore, #tpu.memory_space<semaphore_mem>>
    %dma_wait3A_339 = tpu.memref_squeeze %dma_wait3A_338 : memref<1x!tpu.dma_semaphore, #tpu.memory_space<semaphore_mem>> -> memref<!tpu.dma_semaphore, #tpu.memory_space<semaphore_mem>>
    %dma_wait3A_340 = arith.constant 0 : i32
    %dma_wait3A_341 = tpu.memref_slice %arg7[%dma_wait3A_331, %dma_wait3A_340] : memref<12x64xi32, #tpu.memory_space<vmem>> -> memref<1x64xi32, #tpu.memory_space<vmem>>
    %dma_wait3A_342 = tpu.memref_squeeze %dma_wait3A_341 : memref<1x64xi32, #tpu.memory_space<vmem>> -> memref<64xi32, #tpu.memory_space<vmem>>
    %dma_wait3A_343 = tpu.memref_slice %arg3[%dma_wait3A_330, %mul3A_329] : memref<2x320000xi32, #tpu.memory_space<hbm>> -> memref<1x64xi32, #tpu.memory_space<hbm>>
    %dma_wait3A_344 = tpu.memref_squeeze %dma_wait3A_343 : memref<1x64xi32, #tpu.memory_space<hbm>> -> memref<64xi32, #tpu.memory_space<hbm>>
    tpu.wait_dma2 semaphore(%dma_wait3A_339 : memref<!tpu.dma_semaphore, #tpu.memory_space<semaphore_mem>>) src(%dma_wait3A_344 : memref<64xi32, #tpu.memory_space<hbm>>) dst(%dma_wait3A_342 : memref<64xi32, #tpu.memory_space<vmem>>)
    %dma_wait3A_345 = arith.constant 1 : i32
    %dma_wait3A_346 = arith.constant 7 : i32
    %dma_wait3A_347 = arith.constant 7 : i32
    %dma_wait3A_348 = arith.constant 0 : i32
    %dma_wait3A_349 = tpu.memref_slice %arg7[%dma_wait3A_346, %dma_wait3A_348] : memref<12x64xi32, #tpu.memory_space<vmem>> -> memref<1x64xi32, #tpu.memory_space<vmem>>
    %dma_wait3A_350 = tpu.memref_squeeze %dma_wait3A_349 : memref<1x64xi32, #tpu.memory_space<vmem>> -> memref<64xi32, #tpu.memory_space<vmem>>
    %dma_wait3A_351 = tpu.memref_slice %arg3[%dma_wait3A_345, %mul3A_329] : memref<2x320000xi32, #tpu.memory_space<hbm>> -> memref<1x64xi32, #tpu.memory_space<hbm>>
    %dma_wait3A_352 = tpu.memref_squeeze %dma_wait3A_351 : memref<1x64xi32, #tpu.memory_space<hbm>> -> memref<64xi32, #tpu.memory_space<hbm>>
    %dma_wait3A_353 = tpu.memref_slice %arg9[%dma_wait3A_347] : memref<12x!tpu.dma_semaphore, #tpu.memory_space<semaphore_mem>> -> memref<1x!tpu.dma_semaphore, #tpu.memory_space<semaphore_mem>>
    %dma_wait3A_354 = tpu.memref_squeeze %dma_wait3A_353 : memref<1x!tpu.dma_semaphore, #tpu.memory_space<semaphore_mem>> -> memref<!tpu.dma_semaphore, #tpu.memory_space<semaphore_mem>>
    %dma_wait3A_355 = arith.constant 0 : i32
    %dma_wait3A_356 = tpu.memref_slice %arg7[%dma_wait3A_346, %dma_wait3A_355] : memref<12x64xi32, #tpu.memory_space<vmem>> -> memref<1x64xi32, #tpu.memory_space<vmem>>
    %dma_wait3A_357 = tpu.memref_squeeze %dma_wait3A_356 : memref<1x64xi32, #tpu.memory_space<vmem>> -> memref<64xi32, #tpu.memory_space<vmem>>
    %dma_wait3A_358 = tpu.memref_slice %arg3[%dma_wait3A_345, %mul3A_329] : memref<2x320000xi32, #tpu.memory_space<hbm>> -> memref<1x64xi32, #tpu.memory_space<hbm>>
    %dma_wait3A_359 = tpu.memref_squeeze %dma_wait3A_358 : memref<1x64xi32, #tpu.memory_space<hbm>> -> memref<64xi32, #tpu.memory_space<hbm>>
    tpu.wait_dma2 semaphore(%dma_wait3A_354 : memref<!tpu.dma_semaphore, #tpu.memory_space<semaphore_mem>>) src(%dma_wait3A_359 : memref<64xi32, #tpu.memory_space<hbm>>) dst(%dma_wait3A_357 : memref<64xi32, #tpu.memory_space<vmem>>)
    %dma_start3A_360 = arith.constant 6 : i32
    %dma_start3A_361 = arith.constant 3 : i32
    %dma_start3A_362 = arith.constant 3 : i32
    %dma_start3A_363 = arith.constant 0 : i32
    %dma_start3A_364 = arith.constant 0 : i32
    %dma_start3A_365 = tpu.memref_slice %arg8[%dma_start3A_361, %dma_start3A_363, %dma_start3A_364] : memref<5x64x128xf32, #tpu.memory_space<vmem>> -> memref<1x64x128xf32, #tpu.memory_space<vmem>>
    %dma_start3A_366 = tpu.memref_squeeze %dma_start3A_365 : memref<1x64x128xf32, #tpu.memory_space<vmem>> -> memref<64x128xf32, #tpu.memory_space<vmem>>
    %dma_start3A_367 = arith.constant 0 : i32
    %dma_start3A_368 = tpu.memref_slice %arg7[%dma_start3A_360, %dma_start3A_367] : memref<12x64xi32, #tpu.memory_space<vmem>> -> memref<1x64xi32, #tpu.memory_space<vmem>>
    %dma_start3A_369 = tpu.memref_squeeze %dma_start3A_368 : memref<1x64xi32, #tpu.memory_space<vmem>> -> memref<64xi32, #tpu.memory_space<vmem>>
    %dma_start3A_370 = arith.constant 0 : i32
    %dma_start3A_371 = arith.constant 0 : i32
    %dma_start3A_372 = tpu.memref_slice %arg2[%dma_start3A_370, %dma_start3A_371] : memref<10112x128xf32, #tpu.memory_space<hbm>> -> memref<10112x128xf32, #tpu.memory_space<hbm>>
    %dma_start3A_373 = tpu.memref_slice %arg10[%dma_start3A_362] : memref<5x!tpu.dma_semaphore, #tpu.memory_space<semaphore_mem>> -> memref<1x!tpu.dma_semaphore, #tpu.memory_space<semaphore_mem>>
    %dma_start3A_374 = tpu.memref_squeeze %dma_start3A_373 : memref<1x!tpu.dma_semaphore, #tpu.memory_space<semaphore_mem>> -> memref<!tpu.dma_semaphore, #tpu.memory_space<semaphore_mem>>
    tpu.enqueue_indirect_dma source(%dma_start3A_372 : memref<10112x128xf32, #tpu.memory_space<hbm>>) target(%dma_start3A_366 : memref<64x128xf32, #tpu.memory_space<vmem>>) offsets(%dma_start3A_369 : memref<64xi32, #tpu.memory_space<vmem>>) semaphore(%dma_start3A_374 : memref<!tpu.dma_semaphore, #tpu.memory_space<semaphore_mem>>)
    %dma_wait3A_375 = arith.constant 0 : i32
    %dma_wait3A_376 = tpu.memref_slice %arg6[%multiple_of3A, %dma_wait3A_375] : memref<10112x128xf32, #tpu.memory_space<vmem_shared>> -> memref<632x128xf32, #tpu.memory_space<vmem_shared>>
    %dma_wait3A_377 = arith.constant 0 : i32
    %dma_wait3A_378 = tpu.memref_slice %arg4[%multiple_of3A, %dma_wait3A_377] : memref<10112x128xf32, #tpu.memory_space<hbm>> -> memref<632x128xf32, #tpu.memory_space<hbm>>
    tpu.wait_dma2 semaphore(%arg11 : memref<!tpu.dma_semaphore, #tpu.memory_space<semaphore_mem>>) src(%dma_wait3A_378 : memref<632x128xf32, #tpu.memory_space<hbm>>) dst(%dma_wait3A_376 : memref<632x128xf32, #tpu.memory_space<vmem_shared>>)
    %barrier3A = arith.constant 0 : index
    tpu.barrier barrier_id(%barrier3A)
    %while3A = arith.constant 0 : i32
    %while3A_379 = arith.subi %add3A_4, %while3A : i32
    %while3A_380 = arith.addi %while3A, %while3A_379 : i32
    %while3A_381 = arith.constant 1 : i32
    %while3A_382 = arith.divsi %while3A_379, %while3A_381 : i32
    %while3A_383 = arith.muli %while3A_382, %while3A_381 : i32
    %while3A_384 = arith.addi %while3A, %while3A_383 : i32
    %while3A_385 = arith.constant 1 : i32
    scf.for %while3A_388 = %while3A to %while3A_384 step %while3A_385  : i32 {
      %add3A_389 = arith.constant 5 : i32
      %add3A_390 = arith.addi %while3A_388, %add3A_389 : i32
      %lt3A_391 = arith.cmpi slt, %add3A_390, %add3A_4 : i32
      %convert_element_type3A = arith.extui %lt3A_391 : i1 to i32
      %cond3A = arith.constant 0 : i32
      %cond3A_392 = arith.cmpi ne, %convert_element_type3A, %cond3A : i32
      scf.if %cond3A_392 {
        %add3A_493 = arith.constant 5 : i32
        %add3A_494 = arith.addi %while3A_388, %add3A_493 : i32
        %jit3A_495 = arith.constant 6 : i32
        %eq3A_496 = arith.constant 0 : i32
        %eq3A_497 = arith.cmpi eq, %jit3A_495, %eq3A_496 : i32
        %jit3A_498 = arith.constant 1 : i32
        %select_n3A_499 = arith.select %eq3A_497, %jit3A_498, %jit3A_495 : i32
        %rem3A_500 = arith.remsi %add3A_494, %select_n3A_499 : i32
        %ne3A_501 = arith.constant 0 : i32
        %ne3A_502 = arith.cmpi ne, %rem3A_500, %ne3A_501 : i32
        %lt3A_503 = arith.constant 0 : i32
        %lt3A_504 = arith.cmpi slt, %rem3A_500, %lt3A_503 : i32
        %lt3A_505 = arith.constant 0 : i32
        %lt3A_506 = arith.cmpi slt, %select_n3A_499, %lt3A_505 : i32
        %ne3A_507 = arith.xori %lt3A_504, %lt3A_506 : i1
        %and3A_508 = arith.andi %ne3A_507, %ne3A_502 : i1
        %add3A_509 = arith.addi %rem3A_500, %select_n3A_499 : i32
        %select_n3A_510 = arith.select %and3A_508, %add3A_509, %rem3A_500 : i32
        %mul3A_511 = arith.constant 32 : i32
        %mul3A_512 = arith.muli %add3A_494, %mul3A_511 : i32
        %add3A_513 = arith.addi %add3A, %mul3A_512 : i32
        %mul3A_514 = arith.constant 64 : i32
        %mul3A_515 = arith.muli %add3A_513, %mul3A_514 : i32
        %mul3A_516 = arith.constant 2 : i32
        %mul3A_517 = arith.muli %mul3A_516, %select_n3A_510 : i32
        %mul3A_518 = arith.constant 2 : i32
        %mul3A_519 = arith.muli %mul3A_518, %select_n3A_510 : i32
        %dma_start3A_520 = arith.constant 0 : i32
        %dma_start3A_521 = arith.constant 0 : i32
        %dma_start3A_522 = tpu.memref_slice %arg7[%mul3A_517, %dma_start3A_521] : memref<12x64xi32, #tpu.memory_space<vmem>> -> memref<1x64xi32, #tpu.memory_space<vmem>>
        %dma_start3A_523 = tpu.memref_squeeze %dma_start3A_522 : memref<1x64xi32, #tpu.memory_space<vmem>> -> memref<64xi32, #tpu.memory_space<vmem>>
        %dma_start3A_524 = tpu.memref_slice %arg3[%dma_start3A_520, %mul3A_515] : memref<2x320000xi32, #tpu.memory_space<hbm>> -> memref<1x64xi32, #tpu.memory_space<hbm>>
        %dma_start3A_525 = tpu.memref_squeeze %dma_start3A_524 : memref<1x64xi32, #tpu.memory_space<hbm>> -> memref<64xi32, #tpu.memory_space<hbm>>
        %dma_start3A_526 = tpu.memref_slice %arg9[%mul3A_519] : memref<12x!tpu.dma_semaphore, #tpu.memory_space<semaphore_mem>> -> memref<1x!tpu.dma_semaphore, #tpu.memory_space<semaphore_mem>>
        %dma_start3A_527 = tpu.memref_squeeze %dma_start3A_526 : memref<1x!tpu.dma_semaphore, #tpu.memory_space<semaphore_mem>> -> memref<!tpu.dma_semaphore, #tpu.memory_space<semaphore_mem>>
        %dma_start3A_528 = arith.constant 0 : i32
        %dma_start3A_529 = tpu.memref_slice %arg7[%mul3A_517, %dma_start3A_528] : memref<12x64xi32, #tpu.memory_space<vmem>> -> memref<1x64xi32, #tpu.memory_space<vmem>>
        %dma_start3A_530 = tpu.memref_squeeze %dma_start3A_529 : memref<1x64xi32, #tpu.memory_space<vmem>> -> memref<64xi32, #tpu.memory_space<vmem>>
        %dma_start3A_531 = tpu.memref_slice %arg3[%dma_start3A_520, %mul3A_515] : memref<2x320000xi32, #tpu.memory_space<hbm>> -> memref<1x64xi32, #tpu.memory_space<hbm>>
        %dma_start3A_532 = tpu.memref_squeeze %dma_start3A_531 : memref<1x64xi32, #tpu.memory_space<hbm>> -> memref<64xi32, #tpu.memory_space<hbm>>
        tpu.enqueue_dma source(%dma_start3A_532 : memref<64xi32, #tpu.memory_space<hbm>>) target(%dma_start3A_530 : memref<64xi32, #tpu.memory_space<vmem>>) target_semaphore(%dma_start3A_527 : memref<!tpu.dma_semaphore, #tpu.memory_space<semaphore_mem>>)
        %mul3A_533 = arith.constant 2 : i32
        %mul3A_534 = arith.muli %mul3A_533, %select_n3A_510 : i32
        %add3A_535 = arith.constant 1 : i32
        %add3A_536 = arith.addi %mul3A_534, %add3A_535 : i32
        %mul3A_537 = arith.constant 2 : i32
        %mul3A_538 = arith.muli %mul3A_537, %select_n3A_510 : i32
        %add3A_539 = arith.constant 1 : i32
        %add3A_540 = arith.addi %mul3A_538, %add3A_539 : i32
        %dma_start3A_541 = arith.constant 1 : i32
        %dma_start3A_542 = arith.constant 0 : i32
        %dma_start3A_543 = tpu.memref_slice %arg7[%add3A_536, %dma_start3A_542] : memref<12x64xi32, #tpu.memory_space<vmem>> -> memref<1x64xi32, #tpu.memory_space<vmem>>
        %dma_start3A_544 = tpu.memref_squeeze %dma_start3A_543 : memref<1x64xi32, #tpu.memory_space<vmem>> -> memref<64xi32, #tpu.memory_space<vmem>>
        %dma_start3A_545 = tpu.memref_slice %arg3[%dma_start3A_541, %mul3A_515] : memref<2x320000xi32, #tpu.memory_space<hbm>> -> memref<1x64xi32, #tpu.memory_space<hbm>>
        %dma_start3A_546 = tpu.memref_squeeze %dma_start3A_545 : memref<1x64xi32, #tpu.memory_space<hbm>> -> memref<64xi32, #tpu.memory_space<hbm>>
        %dma_start3A_547 = tpu.memref_slice %arg9[%add3A_540] : memref<12x!tpu.dma_semaphore, #tpu.memory_space<semaphore_mem>> -> memref<1x!tpu.dma_semaphore, #tpu.memory_space<semaphore_mem>>
        %dma_start3A_548 = tpu.memref_squeeze %dma_start3A_547 : memref<1x!tpu.dma_semaphore, #tpu.memory_space<semaphore_mem>> -> memref<!tpu.dma_semaphore, #tpu.memory_space<semaphore_mem>>
        %dma_start3A_549 = arith.constant 0 : i32
        %dma_start3A_550 = tpu.memref_slice %arg7[%add3A_536, %dma_start3A_549] : memref<12x64xi32, #tpu.memory_space<vmem>> -> memref<1x64xi32, #tpu.memory_space<vmem>>
        %dma_start3A_551 = tpu.memref_squeeze %dma_start3A_550 : memref<1x64xi32, #tpu.memory_space<vmem>> -> memref<64xi32, #tpu.memory_space<vmem>>
        %dma_start3A_552 = tpu.memref_slice %arg3[%dma_start3A_541, %mul3A_515] : memref<2x320000xi32, #tpu.memory_space<hbm>> -> memref<1x64xi32, #tpu.memory_space<hbm>>
        %dma_start3A_553 = tpu.memref_squeeze %dma_start3A_552 : memref<1x64xi32, #tpu.memory_space<hbm>> -> memref<64xi32, #tpu.memory_space<hbm>>
        tpu.enqueue_dma source(%dma_start3A_553 : memref<64xi32, #tpu.memory_space<hbm>>) target(%dma_start3A_551 : memref<64xi32, #tpu.memory_space<vmem>>) target_semaphore(%dma_start3A_548 : memref<!tpu.dma_semaphore, #tpu.memory_space<semaphore_mem>>)
      } else {
      }
      %add3A_393 = arith.constant 4 : i32
      %add3A_394 = arith.addi %while3A_388, %add3A_393 : i32
      %lt3A_395 = arith.cmpi slt, %add3A_394, %add3A_4 : i32
      %convert_element_type3A_396 = arith.extui %lt3A_395 : i1 to i32
      %cond3A_397 = arith.constant 0 : i32
      %cond3A_398 = arith.cmpi ne, %convert_element_type3A_396, %cond3A_397 : i32
      scf.if %cond3A_398 {
        %add3A_493 = arith.constant 4 : i32
        %add3A_494 = arith.addi %while3A_388, %add3A_493 : i32
        %jit3A_495 = arith.constant 6 : i32
        %eq3A_496 = arith.constant 0 : i32
        %eq3A_497 = arith.cmpi eq, %jit3A_495, %eq3A_496 : i32
        %jit3A_498 = arith.constant 1 : i32
        %select_n3A_499 = arith.select %eq3A_497, %jit3A_498, %jit3A_495 : i32
        %rem3A_500 = arith.remsi %add3A_494, %select_n3A_499 : i32
        %ne3A_501 = arith.constant 0 : i32
        %ne3A_502 = arith.cmpi ne, %rem3A_500, %ne3A_501 : i32
        %lt3A_503 = arith.constant 0 : i32
        %lt3A_504 = arith.cmpi slt, %rem3A_500, %lt3A_503 : i32
        %lt3A_505 = arith.constant 0 : i32
        %lt3A_506 = arith.cmpi slt, %select_n3A_499, %lt3A_505 : i32
        %ne3A_507 = arith.xori %lt3A_504, %lt3A_506 : i1
        %and3A_508 = arith.andi %ne3A_507, %ne3A_502 : i1
        %add3A_509 = arith.addi %rem3A_500, %select_n3A_499 : i32
        %select_n3A_510 = arith.select %and3A_508, %add3A_509, %rem3A_500 : i32
        %mul3A_511 = arith.constant 32 : i32
        %mul3A_512 = arith.muli %add3A_494, %mul3A_511 : i32
        %add3A_513 = arith.addi %add3A, %mul3A_512 : i32
        %mul3A_514 = arith.constant 64 : i32
        %mul3A_515 = arith.muli %add3A_513, %mul3A_514 : i32
        %mul3A_516 = arith.constant 2 : i32
        %mul3A_517 = arith.muli %mul3A_516, %select_n3A_510 : i32
        %mul3A_518 = arith.constant 2 : i32
        %mul3A_519 = arith.muli %mul3A_518, %select_n3A_510 : i32
        %dma_wait3A_520 = arith.constant 0 : i32
        %dma_wait3A_521 = arith.constant 0 : i32
        %dma_wait3A_522 = tpu.memref_slice %arg7[%mul3A_517, %dma_wait3A_521] : memref<12x64xi32, #tpu.memory_space<vmem>> -> memref<1x64xi32, #tpu.memory_space<vmem>>
        %dma_wait3A_523 = tpu.memref_squeeze %dma_wait3A_522 : memref<1x64xi32, #tpu.memory_space<vmem>> -> memref<64xi32, #tpu.memory_space<vmem>>
        %dma_wait3A_524 = tpu.memref_slice %arg3[%dma_wait3A_520, %mul3A_515] : memref<2x320000xi32, #tpu.memory_space<hbm>> -> memref<1x64xi32, #tpu.memory_space<hbm>>
        %dma_wait3A_525 = tpu.memref_squeeze %dma_wait3A_524 : memref<1x64xi32, #tpu.memory_space<hbm>> -> memref<64xi32, #tpu.memory_space<hbm>>
        %dma_wait3A_526 = tpu.memref_slice %arg9[%mul3A_519] : memref<12x!tpu.dma_semaphore, #tpu.memory_space<semaphore_mem>> -> memref<1x!tpu.dma_semaphore, #tpu.memory_space<semaphore_mem>>
        %dma_wait3A_527 = tpu.memref_squeeze %dma_wait3A_526 : memref<1x!tpu.dma_semaphore, #tpu.memory_space<semaphore_mem>> -> memref<!tpu.dma_semaphore, #tpu.memory_space<semaphore_mem>>
        %dma_wait3A_528 = arith.constant 0 : i32
        %dma_wait3A_529 = tpu.memref_slice %arg7[%mul3A_517, %dma_wait3A_528] : memref<12x64xi32, #tpu.memory_space<vmem>> -> memref<1x64xi32, #tpu.memory_space<vmem>>
        %dma_wait3A_530 = tpu.memref_squeeze %dma_wait3A_529 : memref<1x64xi32, #tpu.memory_space<vmem>> -> memref<64xi32, #tpu.memory_space<vmem>>
        %dma_wait3A_531 = tpu.memref_slice %arg3[%dma_wait3A_520, %mul3A_515] : memref<2x320000xi32, #tpu.memory_space<hbm>> -> memref<1x64xi32, #tpu.memory_space<hbm>>
        %dma_wait3A_532 = tpu.memref_squeeze %dma_wait3A_531 : memref<1x64xi32, #tpu.memory_space<hbm>> -> memref<64xi32, #tpu.memory_space<hbm>>
        tpu.wait_dma2 semaphore(%dma_wait3A_527 : memref<!tpu.dma_semaphore, #tpu.memory_space<semaphore_mem>>) src(%dma_wait3A_532 : memref<64xi32, #tpu.memory_space<hbm>>) dst(%dma_wait3A_530 : memref<64xi32, #tpu.memory_space<vmem>>)
        %mul3A_533 = arith.constant 2 : i32
        %mul3A_534 = arith.muli %mul3A_533, %select_n3A_510 : i32
        %add3A_535 = arith.constant 1 : i32
        %add3A_536 = arith.addi %mul3A_534, %add3A_535 : i32
        %mul3A_537 = arith.constant 2 : i32
        %mul3A_538 = arith.muli %mul3A_537, %select_n3A_510 : i32
        %add3A_539 = arith.constant 1 : i32
        %add3A_540 = arith.addi %mul3A_538, %add3A_539 : i32
        %dma_wait3A_541 = arith.constant 1 : i32
        %dma_wait3A_542 = arith.constant 0 : i32
        %dma_wait3A_543 = tpu.memref_slice %arg7[%add3A_536, %dma_wait3A_542] : memref<12x64xi32, #tpu.memory_space<vmem>> -> memref<1x64xi32, #tpu.memory_space<vmem>>
        %dma_wait3A_544 = tpu.memref_squeeze %dma_wait3A_543 : memref<1x64xi32, #tpu.memory_space<vmem>> -> memref<64xi32, #tpu.memory_space<vmem>>
        %dma_wait3A_545 = tpu.memref_slice %arg3[%dma_wait3A_541, %mul3A_515] : memref<2x320000xi32, #tpu.memory_space<hbm>> -> memref<1x64xi32, #tpu.memory_space<hbm>>
        %dma_wait3A_546 = tpu.memref_squeeze %dma_wait3A_545 : memref<1x64xi32, #tpu.memory_space<hbm>> -> memref<64xi32, #tpu.memory_space<hbm>>
        %dma_wait3A_547 = tpu.memref_slice %arg9[%add3A_540] : memref<12x!tpu.dma_semaphore, #tpu.memory_space<semaphore_mem>> -> memref<1x!tpu.dma_semaphore, #tpu.memory_space<semaphore_mem>>
        %dma_wait3A_548 = tpu.memref_squeeze %dma_wait3A_547 : memref<1x!tpu.dma_semaphore, #tpu.memory_space<semaphore_mem>> -> memref<!tpu.dma_semaphore, #tpu.memory_space<semaphore_mem>>
        %dma_wait3A_549 = arith.constant 0 : i32
        %dma_wait3A_550 = tpu.memref_slice %arg7[%add3A_536, %dma_wait3A_549] : memref<12x64xi32, #tpu.memory_space<vmem>> -> memref<1x64xi32, #tpu.memory_space<vmem>>
        %dma_wait3A_551 = tpu.memref_squeeze %dma_wait3A_550 : memref<1x64xi32, #tpu.memory_space<vmem>> -> memref<64xi32, #tpu.memory_space<vmem>>
        %dma_wait3A_552 = tpu.memref_slice %arg3[%dma_wait3A_541, %mul3A_515] : memref<2x320000xi32, #tpu.memory_space<hbm>> -> memref<1x64xi32, #tpu.memory_space<hbm>>
        %dma_wait3A_553 = tpu.memref_squeeze %dma_wait3A_552 : memref<1x64xi32, #tpu.memory_space<hbm>> -> memref<64xi32, #tpu.memory_space<hbm>>
        tpu.wait_dma2 semaphore(%dma_wait3A_548 : memref<!tpu.dma_semaphore, #tpu.memory_space<semaphore_mem>>) src(%dma_wait3A_553 : memref<64xi32, #tpu.memory_space<hbm>>) dst(%dma_wait3A_551 : memref<64xi32, #tpu.memory_space<vmem>>)
        %add3A_554 = arith.constant 4 : i32
        %add3A_555 = arith.addi %while3A_388, %add3A_554 : i32
        %jit3A_556 = arith.constant 6 : i32
        %eq3A_557 = arith.constant 0 : i32
        %eq3A_558 = arith.cmpi eq, %jit3A_556, %eq3A_557 : i32
        %jit3A_559 = arith.constant 1 : i32
        %select_n3A_560 = arith.select %eq3A_558, %jit3A_559, %jit3A_556 : i32
        %rem3A_561 = arith.remsi %add3A_555, %select_n3A_560 : i32
        %ne3A_562 = arith.constant 0 : i32
        %ne3A_563 = arith.cmpi ne, %rem3A_561, %ne3A_562 : i32
        %lt3A_564 = arith.constant 0 : i32
        %lt3A_565 = arith.cmpi slt, %rem3A_561, %lt3A_564 : i32
        %lt3A_566 = arith.constant 0 : i32
        %lt3A_567 = arith.cmpi slt, %select_n3A_560, %lt3A_566 : i32
        %ne3A_568 = arith.xori %lt3A_565, %lt3A_567 : i1
        %and3A_569 = arith.andi %ne3A_568, %ne3A_563 : i1
        %add3A_570 = arith.addi %rem3A_561, %select_n3A_560 : i32
        %select_n3A_571 = arith.select %and3A_569, %add3A_570, %rem3A_561 : i32
        %mul3A_572 = arith.constant 2 : i32
        %mul3A_573 = arith.muli %mul3A_572, %select_n3A_571 : i32
        %jit3A_574 = arith.constant 5 : i32
        %eq3A_575 = arith.constant 0 : i32
        %eq3A_576 = arith.cmpi eq, %jit3A_574, %eq3A_575 : i32
        %jit3A_577 = arith.constant 1 : i32
        %select_n3A_578 = arith.select %eq3A_576, %jit3A_577, %jit3A_574 : i32
        %rem3A_579 = arith.remsi %add3A_555, %select_n3A_578 : i32
        %ne3A_580 = arith.constant 0 : i32
        %ne3A_581 = arith.cmpi ne, %rem3A_579, %ne3A_580 : i32
        %lt3A_582 = arith.constant 0 : i32
        %lt3A_583 = arith.cmpi slt, %rem3A_579, %lt3A_582 : i32
        %lt3A_584 = arith.constant 0 : i32
        %lt3A_585 = arith.cmpi slt, %select_n3A_578, %lt3A_584 : i32
        %ne3A_586 = arith.xori %lt3A_583, %lt3A_585 : i1
        %and3A_587 = arith.andi %ne3A_586, %ne3A_581 : i1
        %add3A_588 = arith.addi %rem3A_579, %select_n3A_578 : i32
        %select_n3A_589 = arith.select %and3A_587, %add3A_588, %rem3A_579 : i32
        %jit3A_590 = arith.constant 5 : i32
        %eq3A_591 = arith.constant 0 : i32
        %eq3A_592 = arith.cmpi eq, %jit3A_590, %eq3A_591 : i32
        %jit3A_593 = arith.constant 1 : i32
        %select_n3A_594 = arith.select %eq3A_592, %jit3A_593, %jit3A_590 : i32
        %rem3A_595 = arith.remsi %add3A_555, %select_n3A_594 : i32
        %ne3A_596 = arith.constant 0 : i32
        %ne3A_597 = arith.cmpi ne, %rem3A_595, %ne3A_596 : i32
        %lt3A_598 = arith.constant 0 : i32
        %lt3A_599 = arith.cmpi slt, %rem3A_595, %lt3A_598 : i32
        %lt3A_600 = arith.constant 0 : i32
        %lt3A_601 = arith.cmpi slt, %select_n3A_594, %lt3A_600 : i32
        %ne3A_602 = arith.xori %lt3A_599, %lt3A_601 : i1
        %and3A_603 = arith.andi %ne3A_602, %ne3A_597 : i1
        %add3A_604 = arith.addi %rem3A_595, %select_n3A_594 : i32
        %select_n3A_605 = arith.select %and3A_603, %add3A_604, %rem3A_595 : i32
        %dma_start3A_606 = arith.constant 0 : i32
        %dma_start3A_607 = arith.constant 0 : i32
        %dma_start3A_608 = tpu.memref_slice %arg8[%select_n3A_589, %dma_start3A_606, %dma_start3A_607] : memref<5x64x128xf32, #tpu.memory_space<vmem>> -> memref<1x64x128xf32, #tpu.memory_space<vmem>>
        %dma_start3A_609 = tpu.memref_squeeze %dma_start3A_608 : memref<1x64x128xf32, #tpu.memory_space<vmem>> -> memref<64x128xf32, #tpu.memory_space<vmem>>
        %dma_start3A_610 = arith.constant 0 : i32
        %dma_start3A_611 = tpu.memref_slice %arg7[%mul3A_573, %dma_start3A_610] : memref<12x64xi32, #tpu.memory_space<vmem>> -> memref<1x64xi32, #tpu.memory_space<vmem>>
        %dma_start3A_612 = tpu.memref_squeeze %dma_start3A_611 : memref<1x64xi32, #tpu.memory_space<vmem>> -> memref<64xi32, #tpu.memory_space<vmem>>
        %dma_start3A_613 = arith.constant 0 : i32
        %dma_start3A_614 = arith.constant 0 : i32
        %dma_start3A_615 = tpu.memref_slice %arg2[%dma_start3A_613, %dma_start3A_614] : memref<10112x128xf32, #tpu.memory_space<hbm>> -> memref<10112x128xf32, #tpu.memory_space<hbm>>
        %dma_start3A_616 = tpu.memref_slice %arg10[%select_n3A_605] : memref<5x!tpu.dma_semaphore, #tpu.memory_space<semaphore_mem>> -> memref<1x!tpu.dma_semaphore, #tpu.memory_space<semaphore_mem>>
        %dma_start3A_617 = tpu.memref_squeeze %dma_start3A_616 : memref<1x!tpu.dma_semaphore, #tpu.memory_space<semaphore_mem>> -> memref<!tpu.dma_semaphore, #tpu.memory_space<semaphore_mem>>
        tpu.enqueue_indirect_dma source(%dma_start3A_615 : memref<10112x128xf32, #tpu.memory_space<hbm>>) target(%dma_start3A_609 : memref<64x128xf32, #tpu.memory_space<vmem>>) offsets(%dma_start3A_612 : memref<64xi32, #tpu.memory_space<vmem>>) semaphore(%dma_start3A_617 : memref<!tpu.dma_semaphore, #tpu.memory_space<semaphore_mem>>)
      } else {
      }
      %jit3A_399 = arith.constant 6 : i32
      %eq3A = arith.constant 0 : i32
      %eq3A_400 = arith.cmpi eq, %jit3A_399, %eq3A : i32
      %jit3A_401 = arith.constant 1 : i32
      %select_n3A_402 = arith.select %eq3A_400, %jit3A_401, %jit3A_399 : i32
      %rem3A = arith.remsi %while3A_388, %select_n3A_402 : i32
      %ne3A = arith.constant 0 : i32
      %ne3A_403 = arith.cmpi ne, %rem3A, %ne3A : i32
      %lt3A_404 = arith.constant 0 : i32
      %lt3A_405 = arith.cmpi slt, %rem3A, %lt3A_404 : i32
      %lt3A_406 = arith.constant 0 : i32
      %lt3A_407 = arith.cmpi slt, %select_n3A_402, %lt3A_406 : i32
      %ne3A_408 = arith.xori %lt3A_405, %lt3A_407 : i1
      %and3A = arith.andi %ne3A_408, %ne3A_403 : i1
      %add3A_409 = arith.addi %rem3A, %select_n3A_402 : i32
      %select_n3A_410 = arith.select %and3A, %add3A_409, %rem3A : i32
      %mul3A_411 = arith.constant 2 : i32
      %mul3A_412 = arith.muli %mul3A_411, %select_n3A_410 : i32
      %jit3A_413 = arith.constant 5 : i32
      %eq3A_414 = arith.constant 0 : i32
      %eq3A_415 = arith.cmpi eq, %jit3A_413, %eq3A_414 : i32
      %jit3A_416 = arith.constant 1 : i32
      %select_n3A_417 = arith.select %eq3A_415, %jit3A_416, %jit3A_413 : i32
      %rem3A_418 = arith.remsi %while3A_388, %select_n3A_417 : i32
      %ne3A_419 = arith.constant 0 : i32
      %ne3A_420 = arith.cmpi ne, %rem3A_418, %ne3A_419 : i32
      %lt3A_421 = arith.constant 0 : i32
      %lt3A_422 = arith.cmpi slt, %rem3A_418, %lt3A_421 : i32
      %lt3A_423 = arith.constant 0 : i32
      %lt3A_424 = arith.cmpi slt, %select_n3A_417, %lt3A_423 : i32
      %ne3A_425 = arith.xori %lt3A_422, %lt3A_424 : i1
      %and3A_426 = arith.andi %ne3A_425, %ne3A_420 : i1
      %add3A_427 = arith.addi %rem3A_418, %select_n3A_417 : i32
      %select_n3A_428 = arith.select %and3A_426, %add3A_427, %rem3A_418 : i32
      %jit3A_429 = arith.constant 5 : i32
      %eq3A_430 = arith.constant 0 : i32
      %eq3A_431 = arith.cmpi eq, %jit3A_429, %eq3A_430 : i32
      %jit3A_432 = arith.constant 1 : i32
      %select_n3A_433 = arith.select %eq3A_431, %jit3A_432, %jit3A_429 : i32
      %rem3A_434 = arith.remsi %while3A_388, %select_n3A_433 : i32
      %ne3A_435 = arith.constant 0 : i32
      %ne3A_436 = arith.cmpi ne, %rem3A_434, %ne3A_435 : i32
      %lt3A_437 = arith.constant 0 : i32
      %lt3A_438 = arith.cmpi slt, %rem3A_434, %lt3A_437 : i32
      %lt3A_439 = arith.constant 0 : i32
      %lt3A_440 = arith.cmpi slt, %select_n3A_433, %lt3A_439 : i32
      %ne3A_441 = arith.xori %lt3A_438, %lt3A_440 : i1
      %and3A_442 = arith.andi %ne3A_441, %ne3A_436 : i1
      %add3A_443 = arith.addi %rem3A_434, %select_n3A_433 : i32
      %select_n3A_444 = arith.select %and3A_442, %add3A_443, %rem3A_434 : i32
      %dma_wait3A_445 = arith.constant 0 : i32
      %dma_wait3A_446 = arith.constant 0 : i32
      %dma_wait3A_447 = tpu.memref_slice %arg8[%select_n3A_428, %dma_wait3A_445, %dma_wait3A_446] : memref<5x64x128xf32, #tpu.memory_space<vmem>> -> memref<1x64x128xf32, #tpu.memory_space<vmem>>
      %dma_wait3A_448 = tpu.memref_squeeze %dma_wait3A_447 : memref<1x64x128xf32, #tpu.memory_space<vmem>> -> memref<64x128xf32, #tpu.memory_space<vmem>>
      %dma_wait3A_449 = arith.constant 0 : i32
      %dma_wait3A_450 = tpu.memref_slice %arg7[%mul3A_412, %dma_wait3A_449] : memref<12x64xi32, #tpu.memory_space<vmem>> -> memref<1x64xi32, #tpu.memory_space<vmem>>
      %dma_wait3A_451 = tpu.memref_squeeze %dma_wait3A_450 : memref<1x64xi32, #tpu.memory_space<vmem>> -> memref<64xi32, #tpu.memory_space<vmem>>
      %dma_wait3A_452 = arith.constant 0 : i32
      %dma_wait3A_453 = arith.constant 0 : i32
      %dma_wait3A_454 = tpu.memref_slice %arg2[%dma_wait3A_452, %dma_wait3A_453] : memref<10112x128xf32, #tpu.memory_space<hbm>> -> memref<10112x128xf32, #tpu.memory_space<hbm>>
      %dma_wait3A_455 = tpu.memref_slice %arg10[%select_n3A_444] : memref<5x!tpu.dma_semaphore, #tpu.memory_space<semaphore_mem>> -> memref<1x!tpu.dma_semaphore, #tpu.memory_space<semaphore_mem>>
      %dma_wait3A_456 = tpu.memref_squeeze %dma_wait3A_455 : memref<1x!tpu.dma_semaphore, #tpu.memory_space<semaphore_mem>> -> memref<!tpu.dma_semaphore, #tpu.memory_space<semaphore_mem>>
      tpu.wait_indirect_dma semaphore(%dma_wait3A_456 : memref<!tpu.dma_semaphore, #tpu.memory_space<semaphore_mem>>) src(%dma_wait3A_454 : memref<10112x128xf32, #tpu.memory_space<hbm>>) dst(%dma_wait3A_448 : memref<64x128xf32, #tpu.memory_space<vmem>>)
      %jit3A_457 = arith.constant 5 : i32
      %eq3A_458 = arith.constant 0 : i32
      %eq3A_459 = arith.cmpi eq, %jit3A_457, %eq3A_458 : i32
      %jit3A_460 = arith.constant 1 : i32
      %select_n3A_461 = arith.select %eq3A_459, %jit3A_460, %jit3A_457 : i32
      %rem3A_462 = arith.remsi %while3A_388, %select_n3A_461 : i32
      %ne3A_463 = arith.constant 0 : i32
      %ne3A_464 = arith.cmpi ne, %rem3A_462, %ne3A_463 : i32
      %lt3A_465 = arith.constant 0 : i32
      %lt3A_466 = arith.cmpi slt, %rem3A_462, %lt3A_465 : i32
      %lt3A_467 = arith.constant 0 : i32
      %lt3A_468 = arith.cmpi slt, %select_n3A_461, %lt3A_467 : i32
      %ne3A_469 = arith.xori %lt3A_466, %lt3A_468 : i1
      %and3A_470 = arith.andi %ne3A_469, %ne3A_464 : i1
      %add3A_471 = arith.addi %rem3A_462, %select_n3A_461 : i32
      %select_n3A_472 = arith.select %and3A_470, %add3A_471, %rem3A_462 : i32
      %jit3A_473 = arith.constant 6 : i32
      %eq3A_474 = arith.constant 0 : i32
      %eq3A_475 = arith.cmpi eq, %jit3A_473, %eq3A_474 : i32
      %jit3A_476 = arith.constant 1 : i32
      %select_n3A_477 = arith.select %eq3A_475, %jit3A_476, %jit3A_473 : i32
      %rem3A_478 = arith.remsi %while3A_388, %select_n3A_477 : i32
      %ne3A_479 = arith.constant 0 : i32
      %ne3A_480 = arith.cmpi ne, %rem3A_478, %ne3A_479 : i32
      %lt3A_481 = arith.constant 0 : i32
      %lt3A_482 = arith.cmpi slt, %rem3A_478, %lt3A_481 : i32
      %lt3A_483 = arith.constant 0 : i32
      %lt3A_484 = arith.cmpi slt, %select_n3A_477, %lt3A_483 : i32
      %ne3A_485 = arith.xori %lt3A_482, %lt3A_484 : i1
      %and3A_486 = arith.andi %ne3A_485, %ne3A_480 : i1
      %add3A_487 = arith.addi %rem3A_478, %select_n3A_477 : i32
      %select_n3A_488 = arith.select %and3A_486, %add3A_487, %rem3A_478 : i32
      %mul3A_489 = arith.constant 2 : i32
      %mul3A_490 = arith.muli %mul3A_489, %select_n3A_488 : i32
      %add3A_491 = arith.constant 1 : i32
      %add3A_492 = arith.addi %mul3A_490, %add3A_491 : i32
      "tpu.region"() ({
        %run_scoped3A = tpu.sem_alloc : memref<!tpu.dma_semaphore, #tpu.memory_space<semaphore_mem>>
        %dma_start3A_493 = arith.constant 0 : i32
        %dma_start3A_494 = arith.constant 0 : i32
        %dma_start3A_495 = tpu.memref_slice %arg8[%select_n3A_472, %dma_start3A_493, %dma_start3A_494] : memref<5x64x128xf32, #tpu.memory_space<vmem>> -> memref<1x64x128xf32, #tpu.memory_space<vmem>>
        %dma_start3A_496 = tpu.memref_squeeze %dma_start3A_495 : memref<1x64x128xf32, #tpu.memory_space<vmem>> -> memref<64x128xf32, #tpu.memory_space<vmem>>
        %dma_start3A_497 = arith.constant 0 : i32
        %dma_start3A_498 = tpu.memref_slice %arg7[%add3A_492, %dma_start3A_497] : memref<12x64xi32, #tpu.memory_space<vmem>> -> memref<1x64xi32, #tpu.memory_space<vmem>>
        %dma_start3A_499 = tpu.memref_squeeze %dma_start3A_498 : memref<1x64xi32, #tpu.memory_space<vmem>> -> memref<64xi32, #tpu.memory_space<vmem>>
        %dma_start3A_500 = arith.constant 0 : i32
        %dma_start3A_501 = arith.constant 0 : i32
        %dma_start3A_502 = tpu.memref_slice %arg6[%dma_start3A_500, %dma_start3A_501] : memref<10112x128xf32, #tpu.memory_space<vmem_shared>> -> memref<10112x128xf32, #tpu.memory_space<vmem_shared>>
        tpu.enqueue_indirect_dma source(%dma_start3A_496 : memref<64x128xf32, #tpu.memory_space<vmem>>) target(%dma_start3A_502 : memref<10112x128xf32, #tpu.memory_space<vmem_shared>>) offsets(%dma_start3A_499 : memref<64xi32, #tpu.memory_space<vmem>>) semaphore(%run_scoped3A : memref<!tpu.dma_semaphore, #tpu.memory_space<semaphore_mem>>) {add = true}
        %dma_wait3A_503 = arith.constant 0 : i32
        %dma_wait3A_504 = arith.constant 0 : i32
        %dma_wait3A_505 = tpu.memref_slice %arg8[%select_n3A_472, %dma_wait3A_503, %dma_wait3A_504] : memref<5x64x128xf32, #tpu.memory_space<vmem>> -> memref<1x64x128xf32, #tpu.memory_space<vmem>>
        %dma_wait3A_506 = tpu.memref_squeeze %dma_wait3A_505 : memref<1x64x128xf32, #tpu.memory_space<vmem>> -> memref<64x128xf32, #tpu.memory_space<vmem>>
        %dma_wait3A_507 = arith.constant 0 : i32
        %dma_wait3A_508 = tpu.memref_slice %arg7[%add3A_492, %dma_wait3A_507] : memref<12x64xi32, #tpu.memory_space<vmem>> -> memref<1x64xi32, #tpu.memory_space<vmem>>
        %dma_wait3A_509 = tpu.memref_squeeze %dma_wait3A_508 : memref<1x64xi32, #tpu.memory_space<vmem>> -> memref<64xi32, #tpu.memory_space<vmem>>
        %dma_wait3A_510 = arith.constant 0 : i32
        %dma_wait3A_511 = arith.constant 0 : i32
        %dma_wait3A_512 = tpu.memref_slice %arg6[%dma_wait3A_510, %dma_wait3A_511] : memref<10112x128xf32, #tpu.memory_space<vmem_shared>> -> memref<10112x128xf32, #tpu.memory_space<vmem_shared>>
        tpu.wait_indirect_dma semaphore(%run_scoped3A : memref<!tpu.dma_semaphore, #tpu.memory_space<semaphore_mem>>) src(%dma_wait3A_506 : memref<64x128xf32, #tpu.memory_space<vmem>>) dst(%dma_wait3A_512 : memref<10112x128xf32, #tpu.memory_space<vmem_shared>>)
        tpu.yield
      }) : () -> ()
    }
    %while3A_386 = arith.constant 1 : i32
    scf.for %while3A_388 = %while3A_384 to %while3A_380 step %while3A_386  : i32 {
      %add3A_389 = arith.constant 5 : i32
      %add3A_390 = arith.addi %while3A_388, %add3A_389 : i32
      %lt3A_391 = arith.cmpi slt, %add3A_390, %add3A_4 : i32
      %convert_element_type3A = arith.extui %lt3A_391 : i1 to i32
      %cond3A = arith.constant 0 : i32
      %cond3A_392 = arith.cmpi ne, %convert_element_type3A, %cond3A : i32
      scf.if %cond3A_392 {
        %add3A_493 = arith.constant 5 : i32
        %add3A_494 = arith.addi %while3A_388, %add3A_493 : i32
        %jit3A_495 = arith.constant 6 : i32
        %eq3A_496 = arith.constant 0 : i32
        %eq3A_497 = arith.cmpi eq, %jit3A_495, %eq3A_496 : i32
        %jit3A_498 = arith.constant 1 : i32
        %select_n3A_499 = arith.select %eq3A_497, %jit3A_498, %jit3A_495 : i32
        %rem3A_500 = arith.remsi %add3A_494, %select_n3A_499 : i32
        %ne3A_501 = arith.constant 0 : i32
        %ne3A_502 = arith.cmpi ne, %rem3A_500, %ne3A_501 : i32
        %lt3A_503 = arith.constant 0 : i32
        %lt3A_504 = arith.cmpi slt, %rem3A_500, %lt3A_503 : i32
        %lt3A_505 = arith.constant 0 : i32
        %lt3A_506 = arith.cmpi slt, %select_n3A_499, %lt3A_505 : i32
        %ne3A_507 = arith.xori %lt3A_504, %lt3A_506 : i1
        %and3A_508 = arith.andi %ne3A_507, %ne3A_502 : i1
        %add3A_509 = arith.addi %rem3A_500, %select_n3A_499 : i32
        %select_n3A_510 = arith.select %and3A_508, %add3A_509, %rem3A_500 : i32
        %mul3A_511 = arith.constant 32 : i32
        %mul3A_512 = arith.muli %add3A_494, %mul3A_511 : i32
        %add3A_513 = arith.addi %add3A, %mul3A_512 : i32
        %mul3A_514 = arith.constant 64 : i32
        %mul3A_515 = arith.muli %add3A_513, %mul3A_514 : i32
        %mul3A_516 = arith.constant 2 : i32
        %mul3A_517 = arith.muli %mul3A_516, %select_n3A_510 : i32
        %mul3A_518 = arith.constant 2 : i32
        %mul3A_519 = arith.muli %mul3A_518, %select_n3A_510 : i32
        %dma_start3A_520 = arith.constant 0 : i32
        %dma_start3A_521 = arith.constant 0 : i32
        %dma_start3A_522 = tpu.memref_slice %arg7[%mul3A_517, %dma_start3A_521] : memref<12x64xi32, #tpu.memory_space<vmem>> -> memref<1x64xi32, #tpu.memory_space<vmem>>
        %dma_start3A_523 = tpu.memref_squeeze %dma_start3A_522 : memref<1x64xi32, #tpu.memory_space<vmem>> -> memref<64xi32, #tpu.memory_space<vmem>>
        %dma_start3A_524 = tpu.memref_slice %arg3[%dma_start3A_520, %mul3A_515] : memref<2x320000xi32, #tpu.memory_space<hbm>> -> memref<1x64xi32, #tpu.memory_space<hbm>>
        %dma_start3A_525 = tpu.memref_squeeze %dma_start3A_524 : memref<1x64xi32, #tpu.memory_space<hbm>> -> memref<64xi32, #tpu.memory_space<hbm>>
        %dma_start3A_526 = tpu.memref_slice %arg9[%mul3A_519] : memref<12x!tpu.dma_semaphore, #tpu.memory_space<semaphore_mem>> -> memref<1x!tpu.dma_semaphore, #tpu.memory_space<semaphore_mem>>
        %dma_start3A_527 = tpu.memref_squeeze %dma_start3A_526 : memref<1x!tpu.dma_semaphore, #tpu.memory_space<semaphore_mem>> -> memref<!tpu.dma_semaphore, #tpu.memory_space<semaphore_mem>>
        %dma_start3A_528 = arith.constant 0 : i32
        %dma_start3A_529 = tpu.memref_slice %arg7[%mul3A_517, %dma_start3A_528] : memref<12x64xi32, #tpu.memory_space<vmem>> -> memref<1x64xi32, #tpu.memory_space<vmem>>
        %dma_start3A_530 = tpu.memref_squeeze %dma_start3A_529 : memref<1x64xi32, #tpu.memory_space<vmem>> -> memref<64xi32, #tpu.memory_space<vmem>>
        %dma_start3A_531 = tpu.memref_slice %arg3[%dma_start3A_520, %mul3A_515] : memref<2x320000xi32, #tpu.memory_space<hbm>> -> memref<1x64xi32, #tpu.memory_space<hbm>>
        %dma_start3A_532 = tpu.memref_squeeze %dma_start3A_531 : memref<1x64xi32, #tpu.memory_space<hbm>> -> memref<64xi32, #tpu.memory_space<hbm>>
        tpu.enqueue_dma source(%dma_start3A_532 : memref<64xi32, #tpu.memory_space<hbm>>) target(%dma_start3A_530 : memref<64xi32, #tpu.memory_space<vmem>>) target_semaphore(%dma_start3A_527 : memref<!tpu.dma_semaphore, #tpu.memory_space<semaphore_mem>>)
        %mul3A_533 = arith.constant 2 : i32
        %mul3A_534 = arith.muli %mul3A_533, %select_n3A_510 : i32
        %add3A_535 = arith.constant 1 : i32
        %add3A_536 = arith.addi %mul3A_534, %add3A_535 : i32
        %mul3A_537 = arith.constant 2 : i32
        %mul3A_538 = arith.muli %mul3A_537, %select_n3A_510 : i32
        %add3A_539 = arith.constant 1 : i32
        %add3A_540 = arith.addi %mul3A_538, %add3A_539 : i32
        %dma_start3A_541 = arith.constant 1 : i32
        %dma_start3A_542 = arith.constant 0 : i32
        %dma_start3A_543 = tpu.memref_slice %arg7[%add3A_536, %dma_start3A_542] : memref<12x64xi32, #tpu.memory_space<vmem>> -> memref<1x64xi32, #tpu.memory_space<vmem>>
        %dma_start3A_544 = tpu.memref_squeeze %dma_start3A_543 : memref<1x64xi32, #tpu.memory_space<vmem>> -> memref<64xi32, #tpu.memory_space<vmem>>
        %dma_start3A_545 = tpu.memref_slice %arg3[%dma_start3A_541, %mul3A_515] : memref<2x320000xi32, #tpu.memory_space<hbm>> -> memref<1x64xi32, #tpu.memory_space<hbm>>
        %dma_start3A_546 = tpu.memref_squeeze %dma_start3A_545 : memref<1x64xi32, #tpu.memory_space<hbm>> -> memref<64xi32, #tpu.memory_space<hbm>>
        %dma_start3A_547 = tpu.memref_slice %arg9[%add3A_540] : memref<12x!tpu.dma_semaphore, #tpu.memory_space<semaphore_mem>> -> memref<1x!tpu.dma_semaphore, #tpu.memory_space<semaphore_mem>>
        %dma_start3A_548 = tpu.memref_squeeze %dma_start3A_547 : memref<1x!tpu.dma_semaphore, #tpu.memory_space<semaphore_mem>> -> memref<!tpu.dma_semaphore, #tpu.memory_space<semaphore_mem>>
        %dma_start3A_549 = arith.constant 0 : i32
        %dma_start3A_550 = tpu.memref_slice %arg7[%add3A_536, %dma_start3A_549] : memref<12x64xi32, #tpu.memory_space<vmem>> -> memref<1x64xi32, #tpu.memory_space<vmem>>
        %dma_start3A_551 = tpu.memref_squeeze %dma_start3A_550 : memref<1x64xi32, #tpu.memory_space<vmem>> -> memref<64xi32, #tpu.memory_space<vmem>>
        %dma_start3A_552 = tpu.memref_slice %arg3[%dma_start3A_541, %mul3A_515] : memref<2x320000xi32, #tpu.memory_space<hbm>> -> memref<1x64xi32, #tpu.memory_space<hbm>>
        %dma_start3A_553 = tpu.memref_squeeze %dma_start3A_552 : memref<1x64xi32, #tpu.memory_space<hbm>> -> memref<64xi32, #tpu.memory_space<hbm>>
        tpu.enqueue_dma source(%dma_start3A_553 : memref<64xi32, #tpu.memory_space<hbm>>) target(%dma_start3A_551 : memref<64xi32, #tpu.memory_space<vmem>>) target_semaphore(%dma_start3A_548 : memref<!tpu.dma_semaphore, #tpu.memory_space<semaphore_mem>>)
      } else {
      }
      %add3A_393 = arith.constant 4 : i32
      %add3A_394 = arith.addi %while3A_388, %add3A_393 : i32
      %lt3A_395 = arith.cmpi slt, %add3A_394, %add3A_4 : i32
      %convert_element_type3A_396 = arith.extui %lt3A_395 : i1 to i32
      %cond3A_397 = arith.constant 0 : i32
      %cond3A_398 = arith.cmpi ne, %convert_element_type3A_396, %cond3A_397 : i32
      scf.if %cond3A_398 {
        %add3A_493 = arith.constant 4 : i32
        %add3A_494 = arith.addi %while3A_388, %add3A_493 : i32
        %jit3A_495 = arith.constant 6 : i32
        %eq3A_496 = arith.constant 0 : i32
        %eq3A_497 = arith.cmpi eq, %jit3A_495, %eq3A_496 : i32
        %jit3A_498 = arith.constant 1 : i32
        %select_n3A_499 = arith.select %eq3A_497, %jit3A_498, %jit3A_495 : i32
        %rem3A_500 = arith.remsi %add3A_494, %select_n3A_499 : i32
        %ne3A_501 = arith.constant 0 : i32
        %ne3A_502 = arith.cmpi ne, %rem3A_500, %ne3A_501 : i32
        %lt3A_503 = arith.constant 0 : i32
        %lt3A_504 = arith.cmpi slt, %rem3A_500, %lt3A_503 : i32
        %lt3A_505 = arith.constant 0 : i32
        %lt3A_506 = arith.cmpi slt, %select_n3A_499, %lt3A_505 : i32
        %ne3A_507 = arith.xori %lt3A_504, %lt3A_506 : i1
        %and3A_508 = arith.andi %ne3A_507, %ne3A_502 : i1
        %add3A_509 = arith.addi %rem3A_500, %select_n3A_499 : i32
        %select_n3A_510 = arith.select %and3A_508, %add3A_509, %rem3A_500 : i32
        %mul3A_511 = arith.constant 32 : i32
        %mul3A_512 = arith.muli %add3A_494, %mul3A_511 : i32
        %add3A_513 = arith.addi %add3A, %mul3A_512 : i32
        %mul3A_514 = arith.constant 64 : i32
        %mul3A_515 = arith.muli %add3A_513, %mul3A_514 : i32
        %mul3A_516 = arith.constant 2 : i32
        %mul3A_517 = arith.muli %mul3A_516, %select_n3A_510 : i32
        %mul3A_518 = arith.constant 2 : i32
        %mul3A_519 = arith.muli %mul3A_518, %select_n3A_510 : i32
        %dma_wait3A_520 = arith.constant 0 : i32
        %dma_wait3A_521 = arith.constant 0 : i32
        %dma_wait3A_522 = tpu.memref_slice %arg7[%mul3A_517, %dma_wait3A_521] : memref<12x64xi32, #tpu.memory_space<vmem>> -> memref<1x64xi32, #tpu.memory_space<vmem>>
        %dma_wait3A_523 = tpu.memref_squeeze %dma_wait3A_522 : memref<1x64xi32, #tpu.memory_space<vmem>> -> memref<64xi32, #tpu.memory_space<vmem>>
        %dma_wait3A_524 = tpu.memref_slice %arg3[%dma_wait3A_520, %mul3A_515] : memref<2x320000xi32, #tpu.memory_space<hbm>> -> memref<1x64xi32, #tpu.memory_space<hbm>>
        %dma_wait3A_525 = tpu.memref_squeeze %dma_wait3A_524 : memref<1x64xi32, #tpu.memory_space<hbm>> -> memref<64xi32, #tpu.memory_space<hbm>>
        %dma_wait3A_526 = tpu.memref_slice %arg9[%mul3A_519] : memref<12x!tpu.dma_semaphore, #tpu.memory_space<semaphore_mem>> -> memref<1x!tpu.dma_semaphore, #tpu.memory_space<semaphore_mem>>
        %dma_wait3A_527 = tpu.memref_squeeze %dma_wait3A_526 : memref<1x!tpu.dma_semaphore, #tpu.memory_space<semaphore_mem>> -> memref<!tpu.dma_semaphore, #tpu.memory_space<semaphore_mem>>
        %dma_wait3A_528 = arith.constant 0 : i32
        %dma_wait3A_529 = tpu.memref_slice %arg7[%mul3A_517, %dma_wait3A_528] : memref<12x64xi32, #tpu.memory_space<vmem>> -> memref<1x64xi32, #tpu.memory_space<vmem>>
        %dma_wait3A_530 = tpu.memref_squeeze %dma_wait3A_529 : memref<1x64xi32, #tpu.memory_space<vmem>> -> memref<64xi32, #tpu.memory_space<vmem>>
        %dma_wait3A_531 = tpu.memref_slice %arg3[%dma_wait3A_520, %mul3A_515] : memref<2x320000xi32, #tpu.memory_space<hbm>> -> memref<1x64xi32, #tpu.memory_space<hbm>>
        %dma_wait3A_532 = tpu.memref_squeeze %dma_wait3A_531 : memref<1x64xi32, #tpu.memory_space<hbm>> -> memref<64xi32, #tpu.memory_space<hbm>>
        tpu.wait_dma2 semaphore(%dma_wait3A_527 : memref<!tpu.dma_semaphore, #tpu.memory_space<semaphore_mem>>) src(%dma_wait3A_532 : memref<64xi32, #tpu.memory_space<hbm>>) dst(%dma_wait3A_530 : memref<64xi32, #tpu.memory_space<vmem>>)
        %mul3A_533 = arith.constant 2 : i32
        %mul3A_534 = arith.muli %mul3A_533, %select_n3A_510 : i32
        %add3A_535 = arith.constant 1 : i32
        %add3A_536 = arith.addi %mul3A_534, %add3A_535 : i32
        %mul3A_537 = arith.constant 2 : i32
        %mul3A_538 = arith.muli %mul3A_537, %select_n3A_510 : i32
        %add3A_539 = arith.constant 1 : i32
        %add3A_540 = arith.addi %mul3A_538, %add3A_539 : i32
        %dma_wait3A_541 = arith.constant 1 : i32
        %dma_wait3A_542 = arith.constant 0 : i32
        %dma_wait3A_543 = tpu.memref_slice %arg7[%add3A_536, %dma_wait3A_542] : memref<12x64xi32, #tpu.memory_space<vmem>> -> memref<1x64xi32, #tpu.memory_space<vmem>>
        %dma_wait3A_544 = tpu.memref_squeeze %dma_wait3A_543 : memref<1x64xi32, #tpu.memory_space<vmem>> -> memref<64xi32, #tpu.memory_space<vmem>>
        %dma_wait3A_545 = tpu.memref_slice %arg3[%dma_wait3A_541, %mul3A_515] : memref<2x320000xi32, #tpu.memory_space<hbm>> -> memref<1x64xi32, #tpu.memory_space<hbm>>
        %dma_wait3A_546 = tpu.memref_squeeze %dma_wait3A_545 : memref<1x64xi32, #tpu.memory_space<hbm>> -> memref<64xi32, #tpu.memory_space<hbm>>
        %dma_wait3A_547 = tpu.memref_slice %arg9[%add3A_540] : memref<12x!tpu.dma_semaphore, #tpu.memory_space<semaphore_mem>> -> memref<1x!tpu.dma_semaphore, #tpu.memory_space<semaphore_mem>>
        %dma_wait3A_548 = tpu.memref_squeeze %dma_wait3A_547 : memref<1x!tpu.dma_semaphore, #tpu.memory_space<semaphore_mem>> -> memref<!tpu.dma_semaphore, #tpu.memory_space<semaphore_mem>>
        %dma_wait3A_549 = arith.constant 0 : i32
        %dma_wait3A_550 = tpu.memref_slice %arg7[%add3A_536, %dma_wait3A_549] : memref<12x64xi32, #tpu.memory_space<vmem>> -> memref<1x64xi32, #tpu.memory_space<vmem>>
        %dma_wait3A_551 = tpu.memref_squeeze %dma_wait3A_550 : memref<1x64xi32, #tpu.memory_space<vmem>> -> memref<64xi32, #tpu.memory_space<vmem>>
        %dma_wait3A_552 = tpu.memref_slice %arg3[%dma_wait3A_541, %mul3A_515] : memref<2x320000xi32, #tpu.memory_space<hbm>> -> memref<1x64xi32, #tpu.memory_space<hbm>>
        %dma_wait3A_553 = tpu.memref_squeeze %dma_wait3A_552 : memref<1x64xi32, #tpu.memory_space<hbm>> -> memref<64xi32, #tpu.memory_space<hbm>>
        tpu.wait_dma2 semaphore(%dma_wait3A_548 : memref<!tpu.dma_semaphore, #tpu.memory_space<semaphore_mem>>) src(%dma_wait3A_553 : memref<64xi32, #tpu.memory_space<hbm>>) dst(%dma_wait3A_551 : memref<64xi32, #tpu.memory_space<vmem>>)
        %add3A_554 = arith.constant 4 : i32
        %add3A_555 = arith.addi %while3A_388, %add3A_554 : i32
        %jit3A_556 = arith.constant 6 : i32
        %eq3A_557 = arith.constant 0 : i32
        %eq3A_558 = arith.cmpi eq, %jit3A_556, %eq3A_557 : i32
        %jit3A_559 = arith.constant 1 : i32
        %select_n3A_560 = arith.select %eq3A_558, %jit3A_559, %jit3A_556 : i32
        %rem3A_561 = arith.remsi %add3A_555, %select_n3A_560 : i32
        %ne3A_562 = arith.constant 0 : i32
        %ne3A_563 = arith.cmpi ne, %rem3A_561, %ne3A_562 : i32
        %lt3A_564 = arith.constant 0 : i32
        %lt3A_565 = arith.cmpi slt, %rem3A_561, %lt3A_564 : i32
        %lt3A_566 = arith.constant 0 : i32
        %lt3A_567 = arith.cmpi slt, %select_n3A_560, %lt3A_566 : i32
        %ne3A_568 = arith.xori %lt3A_565, %lt3A_567 : i1
        %and3A_569 = arith.andi %ne3A_568, %ne3A_563 : i1
        %add3A_570 = arith.addi %rem3A_561, %select_n3A_560 : i32
        %select_n3A_571 = arith.select %and3A_569, %add3A_570, %rem3A_561 : i32
        %mul3A_572 = arith.constant 2 : i32
        %mul3A_573 = arith.muli %mul3A_572, %select_n3A_571 : i32
        %jit3A_574 = arith.constant 5 : i32
        %eq3A_575 = arith.constant 0 : i32
        %eq3A_576 = arith.cmpi eq, %jit3A_574, %eq3A_575 : i32
        %jit3A_577 = arith.constant 1 : i32
        %select_n3A_578 = arith.select %eq3A_576, %jit3A_577, %jit3A_574 : i32
        %rem3A_579 = arith.remsi %add3A_555, %select_n3A_578 : i32
        %ne3A_580 = arith.constant 0 : i32
        %ne3A_581 = arith.cmpi ne, %rem3A_579, %ne3A_580 : i32
        %lt3A_582 = arith.constant 0 : i32
        %lt3A_583 = arith.cmpi slt, %rem3A_579, %lt3A_582 : i32
        %lt3A_584 = arith.constant 0 : i32
        %lt3A_585 = arith.cmpi slt, %select_n3A_578, %lt3A_584 : i32
        %ne3A_586 = arith.xori %lt3A_583, %lt3A_585 : i1
        %and3A_587 = arith.andi %ne3A_586, %ne3A_581 : i1
        %add3A_588 = arith.addi %rem3A_579, %select_n3A_578 : i32
        %select_n3A_589 = arith.select %and3A_587, %add3A_588, %rem3A_579 : i32
        %jit3A_590 = arith.constant 5 : i32
        %eq3A_591 = arith.constant 0 : i32
        %eq3A_592 = arith.cmpi eq, %jit3A_590, %eq3A_591 : i32
        %jit3A_593 = arith.constant 1 : i32
        %select_n3A_594 = arith.select %eq3A_592, %jit3A_593, %jit3A_590 : i32
        %rem3A_595 = arith.remsi %add3A_555, %select_n3A_594 : i32
        %ne3A_596 = arith.constant 0 : i32
        %ne3A_597 = arith.cmpi ne, %rem3A_595, %ne3A_596 : i32
        %lt3A_598 = arith.constant 0 : i32
        %lt3A_599 = arith.cmpi slt, %rem3A_595, %lt3A_598 : i32
        %lt3A_600 = arith.constant 0 : i32
        %lt3A_601 = arith.cmpi slt, %select_n3A_594, %lt3A_600 : i32
        %ne3A_602 = arith.xori %lt3A_599, %lt3A_601 : i1
        %and3A_603 = arith.andi %ne3A_602, %ne3A_597 : i1
        %add3A_604 = arith.addi %rem3A_595, %select_n3A_594 : i32
        %select_n3A_605 = arith.select %and3A_603, %add3A_604, %rem3A_595 : i32
        %dma_start3A_606 = arith.constant 0 : i32
        %dma_start3A_607 = arith.constant 0 : i32
        %dma_start3A_608 = tpu.memref_slice %arg8[%select_n3A_589, %dma_start3A_606, %dma_start3A_607] : memref<5x64x128xf32, #tpu.memory_space<vmem>> -> memref<1x64x128xf32, #tpu.memory_space<vmem>>
        %dma_start3A_609 = tpu.memref_squeeze %dma_start3A_608 : memref<1x64x128xf32, #tpu.memory_space<vmem>> -> memref<64x128xf32, #tpu.memory_space<vmem>>
        %dma_start3A_610 = arith.constant 0 : i32
        %dma_start3A_611 = tpu.memref_slice %arg7[%mul3A_573, %dma_start3A_610] : memref<12x64xi32, #tpu.memory_space<vmem>> -> memref<1x64xi32, #tpu.memory_space<vmem>>
        %dma_start3A_612 = tpu.memref_squeeze %dma_start3A_611 : memref<1x64xi32, #tpu.memory_space<vmem>> -> memref<64xi32, #tpu.memory_space<vmem>>
        %dma_start3A_613 = arith.constant 0 : i32
        %dma_start3A_614 = arith.constant 0 : i32
        %dma_start3A_615 = tpu.memref_slice %arg2[%dma_start3A_613, %dma_start3A_614] : memref<10112x128xf32, #tpu.memory_space<hbm>> -> memref<10112x128xf32, #tpu.memory_space<hbm>>
        %dma_start3A_616 = tpu.memref_slice %arg10[%select_n3A_605] : memref<5x!tpu.dma_semaphore, #tpu.memory_space<semaphore_mem>> -> memref<1x!tpu.dma_semaphore, #tpu.memory_space<semaphore_mem>>
        %dma_start3A_617 = tpu.memref_squeeze %dma_start3A_616 : memref<1x!tpu.dma_semaphore, #tpu.memory_space<semaphore_mem>> -> memref<!tpu.dma_semaphore, #tpu.memory_space<semaphore_mem>>
        tpu.enqueue_indirect_dma source(%dma_start3A_615 : memref<10112x128xf32, #tpu.memory_space<hbm>>) target(%dma_start3A_609 : memref<64x128xf32, #tpu.memory_space<vmem>>) offsets(%dma_start3A_612 : memref<64xi32, #tpu.memory_space<vmem>>) semaphore(%dma_start3A_617 : memref<!tpu.dma_semaphore, #tpu.memory_space<semaphore_mem>>)
      } else {
      }
      %jit3A_399 = arith.constant 6 : i32
      %eq3A = arith.constant 0 : i32
      %eq3A_400 = arith.cmpi eq, %jit3A_399, %eq3A : i32
      %jit3A_401 = arith.constant 1 : i32
      %select_n3A_402 = arith.select %eq3A_400, %jit3A_401, %jit3A_399 : i32
      %rem3A = arith.remsi %while3A_388, %select_n3A_402 : i32
      %ne3A = arith.constant 0 : i32
      %ne3A_403 = arith.cmpi ne, %rem3A, %ne3A : i32
      %lt3A_404 = arith.constant 0 : i32
      %lt3A_405 = arith.cmpi slt, %rem3A, %lt3A_404 : i32
      %lt3A_406 = arith.constant 0 : i32
      %lt3A_407 = arith.cmpi slt, %select_n3A_402, %lt3A_406 : i32
      %ne3A_408 = arith.xori %lt3A_405, %lt3A_407 : i1
      %and3A = arith.andi %ne3A_408, %ne3A_403 : i1
      %add3A_409 = arith.addi %rem3A, %select_n3A_402 : i32
      %select_n3A_410 = arith.select %and3A, %add3A_409, %rem3A : i32
      %mul3A_411 = arith.constant 2 : i32
      %mul3A_412 = arith.muli %mul3A_411, %select_n3A_410 : i32
      %jit3A_413 = arith.constant 5 : i32
      %eq3A_414 = arith.constant 0 : i32
      %eq3A_415 = arith.cmpi eq, %jit3A_413, %eq3A_414 : i32
      %jit3A_416 = arith.constant 1 : i32
      %select_n3A_417 = arith.select %eq3A_415, %jit3A_416, %jit3A_413 : i32
      %rem3A_418 = arith.remsi %while3A_388, %select_n3A_417 : i32
      %ne3A_419 = arith.constant 0 : i32
      %ne3A_420 = arith.cmpi ne, %rem3A_418, %ne3A_419 : i32
      %lt3A_421 = arith.constant 0 : i32
      %lt3A_422 = arith.cmpi slt, %rem3A_418, %lt3A_421 : i32
      %lt3A_423 = arith.constant 0 : i32
      %lt3A_424 = arith.cmpi slt, %select_n3A_417, %lt3A_423 : i32
      %ne3A_425 = arith.xori %lt3A_422, %lt3A_424 : i1
      %and3A_426 = arith.andi %ne3A_425, %ne3A_420 : i1
      %add3A_427 = arith.addi %rem3A_418, %select_n3A_417 : i32
      %select_n3A_428 = arith.select %and3A_426, %add3A_427, %rem3A_418 : i32
      %jit3A_429 = arith.constant 5 : i32
      %eq3A_430 = arith.constant 0 : i32
      %eq3A_431 = arith.cmpi eq, %jit3A_429, %eq3A_430 : i32
      %jit3A_432 = arith.constant 1 : i32
      %select_n3A_433 = arith.select %eq3A_431, %jit3A_432, %jit3A_429 : i32
      %rem3A_434 = arith.remsi %while3A_388, %select_n3A_433 : i32
      %ne3A_435 = arith.constant 0 : i32
      %ne3A_436 = arith.cmpi ne, %rem3A_434, %ne3A_435 : i32
      %lt3A_437 = arith.constant 0 : i32
      %lt3A_438 = arith.cmpi slt, %rem3A_434, %lt3A_437 : i32
      %lt3A_439 = arith.constant 0 : i32
      %lt3A_440 = arith.cmpi slt, %select_n3A_433, %lt3A_439 : i32
      %ne3A_441 = arith.xori %lt3A_438, %lt3A_440 : i1
      %and3A_442 = arith.andi %ne3A_441, %ne3A_436 : i1
      %add3A_443 = arith.addi %rem3A_434, %select_n3A_433 : i32
      %select_n3A_444 = arith.select %and3A_442, %add3A_443, %rem3A_434 : i32
      %dma_wait3A_445 = arith.constant 0 : i32
      %dma_wait3A_446 = arith.constant 0 : i32
      %dma_wait3A_447 = tpu.memref_slice %arg8[%select_n3A_428, %dma_wait3A_445, %dma_wait3A_446] : memref<5x64x128xf32, #tpu.memory_space<vmem>> -> memref<1x64x128xf32, #tpu.memory_space<vmem>>
      %dma_wait3A_448 = tpu.memref_squeeze %dma_wait3A_447 : memref<1x64x128xf32, #tpu.memory_space<vmem>> -> memref<64x128xf32, #tpu.memory_space<vmem>>
      %dma_wait3A_449 = arith.constant 0 : i32
      %dma_wait3A_450 = tpu.memref_slice %arg7[%mul3A_412, %dma_wait3A_449] : memref<12x64xi32, #tpu.memory_space<vmem>> -> memref<1x64xi32, #tpu.memory_space<vmem>>
      %dma_wait3A_451 = tpu.memref_squeeze %dma_wait3A_450 : memref<1x64xi32, #tpu.memory_space<vmem>> -> memref<64xi32, #tpu.memory_space<vmem>>
      %dma_wait3A_452 = arith.constant 0 : i32
      %dma_wait3A_453 = arith.constant 0 : i32
      %dma_wait3A_454 = tpu.memref_slice %arg2[%dma_wait3A_452, %dma_wait3A_453] : memref<10112x128xf32, #tpu.memory_space<hbm>> -> memref<10112x128xf32, #tpu.memory_space<hbm>>
      %dma_wait3A_455 = tpu.memref_slice %arg10[%select_n3A_444] : memref<5x!tpu.dma_semaphore, #tpu.memory_space<semaphore_mem>> -> memref<1x!tpu.dma_semaphore, #tpu.memory_space<semaphore_mem>>
      %dma_wait3A_456 = tpu.memref_squeeze %dma_wait3A_455 : memref<1x!tpu.dma_semaphore, #tpu.memory_space<semaphore_mem>> -> memref<!tpu.dma_semaphore, #tpu.memory_space<semaphore_mem>>
      tpu.wait_indirect_dma semaphore(%dma_wait3A_456 : memref<!tpu.dma_semaphore, #tpu.memory_space<semaphore_mem>>) src(%dma_wait3A_454 : memref<10112x128xf32, #tpu.memory_space<hbm>>) dst(%dma_wait3A_448 : memref<64x128xf32, #tpu.memory_space<vmem>>)
      %jit3A_457 = arith.constant 5 : i32
      %eq3A_458 = arith.constant 0 : i32
      %eq3A_459 = arith.cmpi eq, %jit3A_457, %eq3A_458 : i32
      %jit3A_460 = arith.constant 1 : i32
      %select_n3A_461 = arith.select %eq3A_459, %jit3A_460, %jit3A_457 : i32
      %rem3A_462 = arith.remsi %while3A_388, %select_n3A_461 : i32
      %ne3A_463 = arith.constant 0 : i32
      %ne3A_464 = arith.cmpi ne, %rem3A_462, %ne3A_463 : i32
      %lt3A_465 = arith.constant 0 : i32
      %lt3A_466 = arith.cmpi slt, %rem3A_462, %lt3A_465 : i32
      %lt3A_467 = arith.constant 0 : i32
      %lt3A_468 = arith.cmpi slt, %select_n3A_461, %lt3A_467 : i32
      %ne3A_469 = arith.xori %lt3A_466, %lt3A_468 : i1
      %and3A_470 = arith.andi %ne3A_469, %ne3A_464 : i1
      %add3A_471 = arith.addi %rem3A_462, %select_n3A_461 : i32
      %select_n3A_472 = arith.select %and3A_470, %add3A_471, %rem3A_462 : i32
      %jit3A_473 = arith.constant 6 : i32
      %eq3A_474 = arith.constant 0 : i32
      %eq3A_475 = arith.cmpi eq, %jit3A_473, %eq3A_474 : i32
      %jit3A_476 = arith.constant 1 : i32
      %select_n3A_477 = arith.select %eq3A_475, %jit3A_476, %jit3A_473 : i32
      %rem3A_478 = arith.remsi %while3A_388, %select_n3A_477 : i32
      %ne3A_479 = arith.constant 0 : i32
      %ne3A_480 = arith.cmpi ne, %rem3A_478, %ne3A_479 : i32
      %lt3A_481 = arith.constant 0 : i32
      %lt3A_482 = arith.cmpi slt, %rem3A_478, %lt3A_481 : i32
      %lt3A_483 = arith.constant 0 : i32
      %lt3A_484 = arith.cmpi slt, %select_n3A_477, %lt3A_483 : i32
      %ne3A_485 = arith.xori %lt3A_482, %lt3A_484 : i1
      %and3A_486 = arith.andi %ne3A_485, %ne3A_480 : i1
      %add3A_487 = arith.addi %rem3A_478, %select_n3A_477 : i32
      %select_n3A_488 = arith.select %and3A_486, %add3A_487, %rem3A_478 : i32
      %mul3A_489 = arith.constant 2 : i32
      %mul3A_490 = arith.muli %mul3A_489, %select_n3A_488 : i32
      %add3A_491 = arith.constant 1 : i32
      %add3A_492 = arith.addi %mul3A_490, %add3A_491 : i32
      "tpu.region"() ({
        %run_scoped3A = tpu.sem_alloc : memref<!tpu.dma_semaphore, #tpu.memory_space<semaphore_mem>>
        %dma_start3A_493 = arith.constant 0 : i32
        %dma_start3A_494 = arith.constant 0 : i32
        %dma_start3A_495 = tpu.memref_slice %arg8[%select_n3A_472, %dma_start3A_493, %dma_start3A_494] : memref<5x64x128xf32, #tpu.memory_space<vmem>> -> memref<1x64x128xf32, #tpu.memory_space<vmem>>
        %dma_start3A_496 = tpu.memref_squeeze %dma_start3A_495 : memref<1x64x128xf32, #tpu.memory_space<vmem>> -> memref<64x128xf32, #tpu.memory_space<vmem>>
        %dma_start3A_497 = arith.constant 0 : i32
        %dma_start3A_498 = tpu.memref_slice %arg7[%add3A_492, %dma_start3A_497] : memref<12x64xi32, #tpu.memory_space<vmem>> -> memref<1x64xi32, #tpu.memory_space<vmem>>
        %dma_start3A_499 = tpu.memref_squeeze %dma_start3A_498 : memref<1x64xi32, #tpu.memory_space<vmem>> -> memref<64xi32, #tpu.memory_space<vmem>>
        %dma_start3A_500 = arith.constant 0 : i32
        %dma_start3A_501 = arith.constant 0 : i32
        %dma_start3A_502 = tpu.memref_slice %arg6[%dma_start3A_500, %dma_start3A_501] : memref<10112x128xf32, #tpu.memory_space<vmem_shared>> -> memref<10112x128xf32, #tpu.memory_space<vmem_shared>>
        tpu.enqueue_indirect_dma source(%dma_start3A_496 : memref<64x128xf32, #tpu.memory_space<vmem>>) target(%dma_start3A_502 : memref<10112x128xf32, #tpu.memory_space<vmem_shared>>) offsets(%dma_start3A_499 : memref<64xi32, #tpu.memory_space<vmem>>) semaphore(%run_scoped3A : memref<!tpu.dma_semaphore, #tpu.memory_space<semaphore_mem>>) {add = true}
        %dma_wait3A_503 = arith.constant 0 : i32
        %dma_wait3A_504 = arith.constant 0 : i32
        %dma_wait3A_505 = tpu.memref_slice %arg8[%select_n3A_472, %dma_wait3A_503, %dma_wait3A_504] : memref<5x64x128xf32, #tpu.memory_space<vmem>> -> memref<1x64x128xf32, #tpu.memory_space<vmem>>
        %dma_wait3A_506 = tpu.memref_squeeze %dma_wait3A_505 : memref<1x64x128xf32, #tpu.memory_space<vmem>> -> memref<64x128xf32, #tpu.memory_space<vmem>>
        %dma_wait3A_507 = arith.constant 0 : i32
        %dma_wait3A_508 = tpu.memref_slice %arg7[%add3A_492, %dma_wait3A_507] : memref<12x64xi32, #tpu.memory_space<vmem>> -> memref<1x64xi32, #tpu.memory_space<vmem>>
        %dma_wait3A_509 = tpu.memref_squeeze %dma_wait3A_508 : memref<1x64xi32, #tpu.memory_space<vmem>> -> memref<64xi32, #tpu.memory_space<vmem>>
        %dma_wait3A_510 = arith.constant 0 : i32
        %dma_wait3A_511 = arith.constant 0 : i32
        %dma_wait3A_512 = tpu.memref_slice %arg6[%dma_wait3A_510, %dma_wait3A_511] : memref<10112x128xf32, #tpu.memory_space<vmem_shared>> -> memref<10112x128xf32, #tpu.memory_space<vmem_shared>>
        tpu.wait_indirect_dma semaphore(%run_scoped3A : memref<!tpu.dma_semaphore, #tpu.memory_space<semaphore_mem>>) src(%dma_wait3A_506 : memref<64x128xf32, #tpu.memory_space<vmem>>) dst(%dma_wait3A_512 : memref<10112x128xf32, #tpu.memory_space<vmem_shared>>)
        tpu.yield
      }) : () -> ()
    }
    %barrier3A_387 = arith.constant 0 : index
    tpu.barrier barrier_id(%barrier3A_387)
    "tpu.region"() ({
      %run_scoped3A = tpu.sem_alloc : memref<!tpu.dma_semaphore, #tpu.memory_space<semaphore_mem>>
      %dma_start3A_388 = arith.constant 0 : i32
      %dma_start3A_389 = tpu.memref_slice %arg5[%arg0, %multiple_of3A, %dma_start3A_388] : memref<2x10112x128xf32, #tpu.memory_space<hbm>> -> memref<1x632x128xf32, #tpu.memory_space<hbm>>
      %dma_start3A_390 = tpu.memref_squeeze %dma_start3A_389 : memref<1x632x128xf32, #tpu.memory_space<hbm>> -> memref<632x128xf32, #tpu.memory_space<hbm>>
      %dma_start3A_391 = arith.constant 0 : i32
      %dma_start3A_392 = tpu.memref_slice %arg6[%multiple_of3A, %dma_start3A_391] : memref<10112x128xf32, #tpu.memory_space<vmem_shared>> -> memref<632x128xf32, #tpu.memory_space<vmem_shared>>
      tpu.enqueue_dma source(%dma_start3A_392 : memref<632x128xf32, #tpu.memory_space<vmem_shared>>) target(%dma_start3A_390 : memref<632x128xf32, #tpu.memory_space<hbm>>) target_semaphore(%run_scoped3A : memref<!tpu.dma_semaphore, #tpu.memory_space<semaphore_mem>>)
      %dma_wait3A_393 = arith.constant 0 : i32
      %dma_wait3A_394 = tpu.memref_slice %arg5[%arg0, %multiple_of3A, %dma_wait3A_393] : memref<2x10112x128xf32, #tpu.memory_space<hbm>> -> memref<1x632x128xf32, #tpu.memory_space<hbm>>
      %dma_wait3A_395 = tpu.memref_squeeze %dma_wait3A_394 : memref<1x632x128xf32, #tpu.memory_space<hbm>> -> memref<632x128xf32, #tpu.memory_space<hbm>>
      %dma_wait3A_396 = arith.constant 0 : i32
      %dma_wait3A_397 = tpu.memref_slice %arg6[%multiple_of3A, %dma_wait3A_396] : memref<10112x128xf32, #tpu.memory_space<vmem_shared>> -> memref<632x128xf32, #tpu.memory_space<vmem_shared>>
      tpu.wait_dma2 semaphore(%run_scoped3A : memref<!tpu.dma_semaphore, #tpu.memory_space<semaphore_mem>>) src(%dma_wait3A_397 : memref<632x128xf32, #tpu.memory_space<vmem_shared>>) dst(%dma_wait3A_395 : memref<632x128xf32, #tpu.memory_space<hbm>>)
      tpu.yield
    }) : () -> ()
    return
  }
}

module attributes {stable_mosaic.version = 14 : i64} {
  func.func @_tc1_body(%arg0: memref<32x10112xf32, #tpu.memory_space<vmem>>, %arg1: memref<10112x128xf32, #tpu.memory_space<vmem>>, %arg2: memref<10112x128xf32, #tpu.memory_space<vmem>>, %arg3: memref<10112x128xf32, #tpu.memory_space<vmem>>) attributes {dimension_semantics = [], scalar_prefetch = 0 : i64, scratch_operands = 0 : i64, tpu.core_type = #tpu.core_type<tc>} {
    %get3A = arith.constant 0 : index
    %get3A_0 = arith.constant 0 : index
    %get3A_1 = vector.load %arg0[%get3A, %get3A_0] : memref<32x10112xf32, #tpu.memory_space<vmem>>, vector<32x10112xf32>
    %reduce_sum3A = arith.constant dense<0.000000e+00> : vector<10112xf32>
    %reduce_sum3A_2 = vector.multi_reduction <add>, %get3A_1, %reduce_sum3A [0] : vector<32x10112xf32> to vector<10112xf32>
    %add3A = arith.constant 1.000000e+00 : f32
    %add3A_3 = vector.broadcast %add3A : f32 to vector<10112xf32>
    %add3A_4 = arith.addf %reduce_sum3A_2, %add3A_3 : vector<10112xf32>
    %rsqrt3A = math.rsqrt %add3A_4 : vector<10112xf32>
    %broadcast_in_dim3A = vector.shape_cast %rsqrt3A : vector<10112xf32> to vector<10112x1xf32>
    %broadcast_in_dim3A_5 = vector.shape_cast %broadcast_in_dim3A : vector<10112x1xf32> to vector<10112x1xf32>
    %broadcast_in_dim3A_6 = vector.broadcast %broadcast_in_dim3A_5 : vector<10112x1xf32> to vector<10112x128xf32>
    %swap3A = arith.constant 0 : index
    %swap3A_7 = arith.constant 0 : index
    %swap3A_8 = vector.load %arg2[%swap3A, %swap3A_7] : memref<10112x128xf32, #tpu.memory_space<vmem>>, vector<10112x128xf32>
    tpu.vector_store %arg2[%swap3A, %swap3A_7], %broadcast_in_dim3A_6 {strides = array<i32>} : memref<10112x128xf32, #tpu.memory_space<vmem>>, vector<10112x128xf32>,
    %get3A_9 = arith.constant 0 : index
    %get3A_10 = arith.constant 0 : index
    %get3A_11 = vector.load %arg1[%get3A_9, %get3A_10] : memref<10112x128xf32, #tpu.memory_space<vmem>>, vector<10112x128xf32>
    %mul3A = arith.mulf %broadcast_in_dim3A_6, %get3A_11 : vector<10112x128xf32>
    %swap3A_12 = arith.constant 0 : index
    %swap3A_13 = arith.constant 0 : index
    %swap3A_14 = vector.load %arg3[%swap3A_12, %swap3A_13] : memref<10112x128xf32, #tpu.memory_space<vmem>>, vector<10112x128xf32>
    tpu.vector_store %arg3[%swap3A_12, %swap3A_13], %mul3A {strides = array<i32>} : memref<10112x128xf32, #tpu.memory_space<vmem>>, vector<10112x128xf32>,
    return
  }
}

module attributes {stable_mosaic.version = 14 : i64} {
  func.func @_tcmm_body(%arg0: memref<10000x128xf32, #tpu.memory_space<vmem>>, %arg1: memref<128x128xf32, #tpu.memory_space<vmem>>, %arg2: memref<10112x128xf32, #tpu.memory_space<vmem>>) attributes {dimension_semantics = [], scalar_prefetch = 0 : i64, scratch_operands = 0 : i64, tpu.core_type = #tpu.core_type<tc>} {
    %get3A = arith.constant 0 : index
    %get3A_0 = arith.constant 0 : index
    %get3A_1 = vector.load %arg0[%get3A, %get3A_0] : memref<10000x128xf32, #tpu.memory_space<vmem>>, vector<10000x128xf32>
    %get3A_2 = arith.constant 0 : index
    %get3A_3 = arith.constant 0 : index
    %get3A_4 = vector.load %arg1[%get3A_2, %get3A_3] : memref<128x128xf32, #tpu.memory_space<vmem>>, vector<128x128xf32>
    %dot_general3A = arith.constant dense<0.000000e+00> : vector<10000x128xf32>
    %dot_general3A_5 = tpu.matmul %get3A_1, %get3A_4, %dot_general3A {dimension_numbers = #tpu.dot_dimension_numbers<[1], [0], [0], [1], [0, 0, 1, 1], [], []>, transpose_lhs_hint = false} : vector<10000x128xf32>, vector<128x128xf32>, vector<10000x128xf32> -> vector<10000x128xf32>
    %broadcast_in_dim3A = arith.constant 0.000000e+00 : f32
    %broadcast_in_dim3A_6 = vector.broadcast %broadcast_in_dim3A : f32 to vector<112x128xf32>
    %concatenate3A = tpu.concatenate %dot_general3A_5, %broadcast_in_dim3A_6 in 0 : vector<10000x128xf32>, vector<112x128xf32> -> vector<10112x128xf32>
    %swap3A = arith.constant 0 : index
    %swap3A_7 = arith.constant 0 : index
    %swap3A_8 = vector.load %arg2[%swap3A, %swap3A_7] : memref<10112x128xf32, #tpu.memory_space<vmem>>, vector<10112x128xf32>
    tpu.vector_store %arg2[%swap3A, %swap3A_7], %concatenate3A {strides = array<i32>} : memref<10112x128xf32, #tpu.memory_space<vmem>>, vector<10112x128xf32>,
    return
  }
}

module attributes {stable_mosaic.version = 14 : i64} {
  func.func @_tc2_body(%arg0: memref<2x10112x128xf32, #tpu.memory_space<vmem>>, %arg1: memref<10112x128xf32, #tpu.memory_space<vmem>>, %arg2: memref<10112x128xf32, #tpu.memory_space<vmem>>, %arg3: memref<128x128xf32, #tpu.memory_space<vmem>>, %arg4: memref<1x128xf32, #tpu.memory_space<vmem>>, %arg5: memref<1x128xf32, #tpu.memory_space<vmem>>, %arg6: memref<1x128xf32, #tpu.memory_space<vmem>>, %arg7: memref<10112x128xf32, #tpu.memory_space<vmem>>) attributes {dimension_semantics = [], scalar_prefetch = 0 : i64, scratch_operands = 0 : i64, tpu.core_type = #tpu.core_type<tc>} {
    %iota3A = tpu.iota {dimensions = array<i32: 0>} : vector<10112x128xi32>
    %lt3A = arith.constant 10000 : i32
    %lt3A_0 = vector.broadcast %lt3A : i32 to vector<10112x128xi32>
    %lt3A_1 = arith.cmpi slt, %iota3A, %lt3A_0 : vector<10112x128xi32>
    %get3A = arith.constant 0 : index
    %get3A_2 = arith.constant 0 : index
    %get3A_3 = arith.constant 0 : index
    %get3A_4 = vector.load %arg0[%get3A, %get3A_2, %get3A_3] : memref<2x10112x128xf32, #tpu.memory_space<vmem>>, vector<1x10112x128xf32>
    %get3A_5 = vector.shape_cast %get3A_4 : vector<1x10112x128xf32> to vector<10112x128xf32>
    %get3A_6 = arith.constant 1 : index
    %get3A_7 = arith.constant 0 : index
    %get3A_8 = arith.constant 0 : index
    %get3A_9 = vector.load %arg0[%get3A_6, %get3A_7, %get3A_8] : memref<2x10112x128xf32, #tpu.memory_space<vmem>>, vector<1x10112x128xf32>
    %get3A_10 = vector.shape_cast %get3A_9 : vector<1x10112x128xf32> to vector<10112x128xf32>
    %add3A = arith.addf %get3A_5, %get3A_10 : vector<10112x128xf32>
    %get3A_11 = arith.constant 0 : index
    %get3A_12 = arith.constant 0 : index
    %get3A_13 = vector.load %arg1[%get3A_11, %get3A_12] : memref<10112x128xf32, #tpu.memory_space<vmem>>, vector<10112x128xf32>
    %add3A_14 = arith.addf %add3A, %get3A_13 : vector<10112x128xf32>
    %get3A_15 = arith.constant 0 : index
    %get3A_16 = arith.constant 0 : index
    %get3A_17 = vector.load %arg2[%get3A_15, %get3A_16] : memref<10112x128xf32, #tpu.memory_space<vmem>>, vector<10112x128xf32>
    %mul3A = arith.mulf %get3A_17, %add3A_14 : vector<10112x128xf32>
    %get3A_18 = arith.constant 0 : index
    %get3A_19 = arith.constant 0 : index
    %get3A_20 = vector.load %arg4[%get3A_18, %get3A_19] : memref<1x128xf32, #tpu.memory_space<vmem>>, vector<1x128xf32>
    %add3A_21 = vector.broadcast %get3A_20 : vector<1x128xf32> to vector<10112x128xf32>
    %add3A_22 = arith.addf %mul3A, %add3A_21 : vector<10112x128xf32>
    %get3A_23 = arith.constant 0 : index
    %get3A_24 = arith.constant 0 : index
    %get3A_25 = vector.load %arg5[%get3A_23, %get3A_24] : memref<1x128xf32, #tpu.memory_space<vmem>>, vector<1x128xf32>
    %get3A_26 = arith.constant 0 : index
    %get3A_27 = arith.constant 0 : index
    %get3A_28 = vector.load %arg6[%get3A_26, %get3A_27] : memref<1x128xf32, #tpu.memory_space<vmem>>, vector<1x128xf32>
    %jit3A = arith.constant 0.000000e+00 : f32
    %broadcast_in_dim3A = vector.broadcast %jit3A : f32 to vector<10112x128xf32>
    %select_n3A = arith.select %lt3A_1, %add3A_22, %broadcast_in_dim3A : vector<10112x128xi1>, vector<10112x128xf32>
    %reduce_sum3A = arith.constant dense<0.000000e+00> : vector<128xf32>
    %reduce_sum3A_29 = vector.multi_reduction <add>, %select_n3A, %reduce_sum3A [0] : vector<10112x128xf32> to vector<128xf32>
    %div3A = arith.constant 1.000000e+04 : f32
    %div3A_30 = vector.broadcast %div3A : f32 to vector<128xf32>
    %div3A_31 = arith.divf %reduce_sum3A_29, %div3A_30 : vector<128xf32>
    %broadcast_in_dim3A_32 = vector.shape_cast %div3A_31 : vector<128xf32> to vector<1x128xf32>
    %sub3A = vector.broadcast %broadcast_in_dim3A_32 : vector<1x128xf32> to vector<10112x128xf32>
    %sub3A_33 = arith.subf %add3A_22, %sub3A : vector<10112x128xf32>
    %mul3A_34 = arith.mulf %sub3A_33, %sub3A_33 : vector<10112x128xf32>
    %jit3A_35 = arith.constant 0.000000e+00 : f32
    %broadcast_in_dim3A_36 = vector.broadcast %jit3A_35 : f32 to vector<10112x128xf32>
    %select_n3A_37 = arith.select %lt3A_1, %mul3A_34, %broadcast_in_dim3A_36 : vector<10112x128xi1>, vector<10112x128xf32>
    %reduce_sum3A_38 = arith.constant dense<0.000000e+00> : vector<128xf32>
    %reduce_sum3A_39 = vector.multi_reduction <add>, %select_n3A_37, %reduce_sum3A_38 [0] : vector<10112x128xf32> to vector<128xf32>
    %div3A_40 = arith.constant 1.000000e+04 : f32
    %div3A_41 = vector.broadcast %div3A_40 : f32 to vector<128xf32>
    %div3A_42 = arith.divf %reduce_sum3A_39, %div3A_41 : vector<128xf32>
    %add3A_43 = arith.constant 9.99999974E-6 : f32
    %add3A_44 = vector.broadcast %add3A_43 : f32 to vector<128xf32>
    %add3A_45 = arith.addf %div3A_42, %add3A_44 : vector<128xf32>
    %rsqrt3A = math.rsqrt %add3A_45 : vector<128xf32>
    %broadcast_in_dim3A_46 = vector.shape_cast %rsqrt3A : vector<128xf32> to vector<1x128xf32>
    %mul3A_47 = vector.broadcast %broadcast_in_dim3A_46 : vector<1x128xf32> to vector<10112x128xf32>
    %mul3A_48 = arith.mulf %sub3A_33, %mul3A_47 : vector<10112x128xf32>
    %mul3A_49 = vector.broadcast %get3A_25 : vector<1x128xf32> to vector<10112x128xf32>
    %mul3A_50 = arith.mulf %mul3A_49, %mul3A_48 : vector<10112x128xf32>
    %add3A_51 = vector.broadcast %get3A_28 : vector<1x128xf32> to vector<10112x128xf32>
    %add3A_52 = arith.addf %mul3A_50, %add3A_51 : vector<10112x128xf32>
    %gt3A = arith.constant 0.000000e+00 : f32
    %gt3A_53 = vector.broadcast %gt3A : f32 to vector<10112x128xf32>
    %gt3A_54 = arith.cmpf ogt, %add3A_52, %gt3A_53 : vector<10112x128xf32>
    %min3A = arith.constant 0.000000e+00 : f32
    %min3A_55 = vector.broadcast %min3A : f32 to vector<10112x128xf32>
    %min3A_56 = arith.minimumf %add3A_52, %min3A_55 : vector<10112x128xf32>
    %exp3A = math.exp %min3A_56 : vector<10112x128xf32>
    %sub3A_57 = arith.constant 1.000000e+00 : f32
    %sub3A_58 = vector.broadcast %sub3A_57 : f32 to vector<10112x128xf32>
    %sub3A_59 = arith.subf %exp3A, %sub3A_58 : vector<10112x128xf32>
    %select_n3A_60 = arith.select %gt3A_54, %add3A_52, %sub3A_59 : vector<10112x128xi1>, vector<10112x128xf32>
    %jit3A_61 = arith.constant 0.000000e+00 : f32
    %broadcast_in_dim3A_62 = vector.broadcast %jit3A_61 : f32 to vector<10112x128xf32>
    %select_n3A_63 = arith.select %lt3A_1, %select_n3A_60, %broadcast_in_dim3A_62 : vector<10112x128xi1>, vector<10112x128xf32>
    %get3A_64 = arith.constant 0 : index
    %get3A_65 = arith.constant 0 : index
    %get3A_66 = vector.load %arg3[%get3A_64, %get3A_65] : memref<128x128xf32, #tpu.memory_space<vmem>>, vector<128x128xf32>
    %dot_general3A = arith.constant dense<0.000000e+00> : vector<10112x128xf32>
    %dot_general3A_67 = tpu.matmul %select_n3A_63, %get3A_66, %dot_general3A {dimension_numbers = #tpu.dot_dimension_numbers<[1], [0], [0], [1], [0, 0, 1, 1], [], []>, transpose_lhs_hint = false} : vector<10112x128xf32>, vector<128x128xf32>, vector<10112x128xf32> -> vector<10112x128xf32>
    %get3A_68 = arith.constant 0 : index
    %get3A_69 = arith.constant 0 : index
    %get3A_70 = vector.load %arg2[%get3A_68, %get3A_69] : memref<10112x128xf32, #tpu.memory_space<vmem>>, vector<10112x128xf32>
    %mul3A_71 = arith.mulf %get3A_70, %dot_general3A_67 : vector<10112x128xf32>
    %swap3A = arith.constant 0 : index
    %swap3A_72 = arith.constant 0 : index
    %swap3A_73 = vector.load %arg7[%swap3A, %swap3A_72] : memref<10112x128xf32, #tpu.memory_space<vmem>>, vector<10112x128xf32>
    tpu.vector_store %arg7[%swap3A, %swap3A_72], %mul3A_71 {strides = array<i32>} : memref<10112x128xf32, #tpu.memory_space<vmem>>, vector<10112x128xf32>,
    return
  }
}

module attributes {stable_mosaic.version = 14 : i64} {
  func.func @_tc3_body(%arg0: memref<2x10112x128xf32, #tpu.memory_space<vmem>>, %arg1: memref<10112x128xf32, #tpu.memory_space<vmem>>, %arg2: memref<10112x128xf32, #tpu.memory_space<vmem>>, %arg3: memref<1x128xf32, #tpu.memory_space<vmem>>, %arg4: memref<1x128xf32, #tpu.memory_space<vmem>>, %arg5: memref<1x128xf32, #tpu.memory_space<vmem>>, %arg6: memref<10000x128xf32, #tpu.memory_space<vmem>>) attributes {dimension_semantics = [], scalar_prefetch = 0 : i64, scratch_operands = 0 : i64, tpu.core_type = #tpu.core_type<tc>} {
    %iota3A = tpu.iota {dimensions = array<i32: 0>} : vector<10112x128xi32>
    %lt3A = arith.constant 10000 : i32
    %lt3A_0 = vector.broadcast %lt3A : i32 to vector<10112x128xi32>
    %lt3A_1 = arith.cmpi slt, %iota3A, %lt3A_0 : vector<10112x128xi32>
    %get3A = arith.constant 0 : index
    %get3A_2 = arith.constant 0 : index
    %get3A_3 = arith.constant 0 : index
    %get3A_4 = vector.load %arg0[%get3A, %get3A_2, %get3A_3] : memref<2x10112x128xf32, #tpu.memory_space<vmem>>, vector<1x10112x128xf32>
    %get3A_5 = vector.shape_cast %get3A_4 : vector<1x10112x128xf32> to vector<10112x128xf32>
    %get3A_6 = arith.constant 1 : index
    %get3A_7 = arith.constant 0 : index
    %get3A_8 = arith.constant 0 : index
    %get3A_9 = vector.load %arg0[%get3A_6, %get3A_7, %get3A_8] : memref<2x10112x128xf32, #tpu.memory_space<vmem>>, vector<1x10112x128xf32>
    %get3A_10 = vector.shape_cast %get3A_9 : vector<1x10112x128xf32> to vector<10112x128xf32>
    %add3A = arith.addf %get3A_5, %get3A_10 : vector<10112x128xf32>
    %get3A_11 = arith.constant 0 : index
    %get3A_12 = arith.constant 0 : index
    %get3A_13 = vector.load %arg1[%get3A_11, %get3A_12] : memref<10112x128xf32, #tpu.memory_space<vmem>>, vector<10112x128xf32>
    %add3A_14 = arith.addf %add3A, %get3A_13 : vector<10112x128xf32>
    %get3A_15 = arith.constant 0 : index
    %get3A_16 = arith.constant 0 : index
    %get3A_17 = vector.load %arg2[%get3A_15, %get3A_16] : memref<10112x128xf32, #tpu.memory_space<vmem>>, vector<10112x128xf32>
    %mul3A = arith.mulf %get3A_17, %add3A_14 : vector<10112x128xf32>
    %get3A_18 = arith.constant 0 : index
    %get3A_19 = arith.constant 0 : index
    %get3A_20 = vector.load %arg3[%get3A_18, %get3A_19] : memref<1x128xf32, #tpu.memory_space<vmem>>, vector<1x128xf32>
    %add3A_21 = vector.broadcast %get3A_20 : vector<1x128xf32> to vector<10112x128xf32>
    %add3A_22 = arith.addf %mul3A, %add3A_21 : vector<10112x128xf32>
    %get3A_23 = arith.constant 0 : index
    %get3A_24 = arith.constant 0 : index
    %get3A_25 = vector.load %arg4[%get3A_23, %get3A_24] : memref<1x128xf32, #tpu.memory_space<vmem>>, vector<1x128xf32>
    %get3A_26 = arith.constant 0 : index
    %get3A_27 = arith.constant 0 : index
    %get3A_28 = vector.load %arg5[%get3A_26, %get3A_27] : memref<1x128xf32, #tpu.memory_space<vmem>>, vector<1x128xf32>
    %jit3A = arith.constant 0.000000e+00 : f32
    %broadcast_in_dim3A = vector.broadcast %jit3A : f32 to vector<10112x128xf32>
    %select_n3A = arith.select %lt3A_1, %add3A_22, %broadcast_in_dim3A : vector<10112x128xi1>, vector<10112x128xf32>
    %reduce_sum3A = arith.constant dense<0.000000e+00> : vector<128xf32>
    %reduce_sum3A_29 = vector.multi_reduction <add>, %select_n3A, %reduce_sum3A [0] : vector<10112x128xf32> to vector<128xf32>
    %div3A = arith.constant 1.000000e+04 : f32
    %div3A_30 = vector.broadcast %div3A : f32 to vector<128xf32>
    %div3A_31 = arith.divf %reduce_sum3A_29, %div3A_30 : vector<128xf32>
    %broadcast_in_dim3A_32 = vector.shape_cast %div3A_31 : vector<128xf32> to vector<1x128xf32>
    %sub3A = vector.broadcast %broadcast_in_dim3A_32 : vector<1x128xf32> to vector<10112x128xf32>
    %sub3A_33 = arith.subf %add3A_22, %sub3A : vector<10112x128xf32>
    %mul3A_34 = arith.mulf %sub3A_33, %sub3A_33 : vector<10112x128xf32>
    %jit3A_35 = arith.constant 0.000000e+00 : f32
    %broadcast_in_dim3A_36 = vector.broadcast %jit3A_35 : f32 to vector<10112x128xf32>
    %select_n3A_37 = arith.select %lt3A_1, %mul3A_34, %broadcast_in_dim3A_36 : vector<10112x128xi1>, vector<10112x128xf32>
    %reduce_sum3A_38 = arith.constant dense<0.000000e+00> : vector<128xf32>
    %reduce_sum3A_39 = vector.multi_reduction <add>, %select_n3A_37, %reduce_sum3A_38 [0] : vector<10112x128xf32> to vector<128xf32>
    %div3A_40 = arith.constant 1.000000e+04 : f32
    %div3A_41 = vector.broadcast %div3A_40 : f32 to vector<128xf32>
    %div3A_42 = arith.divf %reduce_sum3A_39, %div3A_41 : vector<128xf32>
    %add3A_43 = arith.constant 9.99999974E-6 : f32
    %add3A_44 = vector.broadcast %add3A_43 : f32 to vector<128xf32>
    %add3A_45 = arith.addf %div3A_42, %add3A_44 : vector<128xf32>
    %rsqrt3A = math.rsqrt %add3A_45 : vector<128xf32>
    %broadcast_in_dim3A_46 = vector.shape_cast %rsqrt3A : vector<128xf32> to vector<1x128xf32>
    %mul3A_47 = vector.broadcast %broadcast_in_dim3A_46 : vector<1x128xf32> to vector<10112x128xf32>
    %mul3A_48 = arith.mulf %sub3A_33, %mul3A_47 : vector<10112x128xf32>
    %mul3A_49 = vector.broadcast %get3A_25 : vector<1x128xf32> to vector<10112x128xf32>
    %mul3A_50 = arith.mulf %mul3A_49, %mul3A_48 : vector<10112x128xf32>
    %add3A_51 = vector.broadcast %get3A_28 : vector<1x128xf32> to vector<10112x128xf32>
    %add3A_52 = arith.addf %mul3A_50, %add3A_51 : vector<10112x128xf32>
    %gt3A = arith.constant 0.000000e+00 : f32
    %gt3A_53 = vector.broadcast %gt3A : f32 to vector<10112x128xf32>
    %gt3A_54 = arith.cmpf ogt, %add3A_52, %gt3A_53 : vector<10112x128xf32>
    %min3A = arith.constant 0.000000e+00 : f32
    %min3A_55 = vector.broadcast %min3A : f32 to vector<10112x128xf32>
    %min3A_56 = arith.minimumf %add3A_52, %min3A_55 : vector<10112x128xf32>
    %exp3A = math.exp %min3A_56 : vector<10112x128xf32>
    %sub3A_57 = arith.constant 1.000000e+00 : f32
    %sub3A_58 = vector.broadcast %sub3A_57 : f32 to vector<10112x128xf32>
    %sub3A_59 = arith.subf %exp3A, %sub3A_58 : vector<10112x128xf32>
    %select_n3A_60 = arith.select %gt3A_54, %add3A_52, %sub3A_59 : vector<10112x128xi1>, vector<10112x128xf32>
    %slice3A = vector.extract_strided_slice %select_n3A_60 {offsets = [0, 0], sizes = [10000, 128], strides = [1, 1]} : vector<10112x128xf32> to vector<10000x128xf32>
    %swap3A = arith.constant 0 : index
    %swap3A_61 = arith.constant 0 : index
    %swap3A_62 = vector.load %arg6[%swap3A, %swap3A_61] : memref<10000x128xf32, #tpu.memory_space<vmem>>, vector<10000x128xf32>
    tpu.vector_store %arg6[%swap3A, %swap3A_61], %slice3A {strides = array<i32>} : memref<10000x128xf32, #tpu.memory_space<vmem>>, vector<10000x128xf32>,
    return
  }
}

</mosaic_0001>

<sc_bundles>
// kernel: kernel.12.cloned.1.call-start
scs
__scs_entry_jumppad:
0x0: {  	(pc) =	sbr.rel $0x88, $3  }
0x1: {  	(tag) =	ssettag $0x0;
	lr =	simm.s32 $0x1  }
0x2: {  	[smem:$0x3F97] =	sst lr;
	_ =	strace $0xD0000000  }
0x3: {  	_ = 	snop  }
0x4: {  	_ = 	snop  }
0x5: {  	_ = 	snop  }
0x6: {  	_ = 	snop  }
0x7: {  	_ = 	snop  }
__scs_overlays_trampoline_lowered:
0x8: {  	[smem:$0x3FA6] =	sst s0  }
0x9: {  	[smem:$0x3FA7] =	sst s1  }
0xa: {  	[smem:$0x3FA8] =	sst s2  }
0xb: {  	[smem:$0x3FA9] =	sst s3  }
0xc: {  	[smem:$0x3FAA] =	sst s4  }
0xd: {  	[smem:$0x3FAB] =	sst s5  }
0xe: {  	[smem:$0x3FAC] =	sst s6  }
0xf: {  	[smem:$0x3FAD] =	sst s7  }
0x10: {  	[smem:$0x3FAE] =	sst s8  }
0x11: {  	[smem:$0x3FAF] =	sst s9;
	s0 =	simm.s32 @!p0 $0x0  }
0x12: {  	s1 =	sld [smem:$0x3F95];
	s0 =	simm.s32 @p0 $0x1  }
0x13: {  	[smem:$0x3FB0] =	sst s0;
	s0 =	simm.s32 @!p1 $0x0  }
0x14: {  	s2 =	sld [smem:$0x3F94];
	s0 =	simm.s32 @p1 $0x1  }
0x15: {  	[smem:$0x3FB1] =	sst s0;
	s0 =	simm.s32 @!p2 $0x0  }
0x16: {  	s3 =	sld [smem:$0x3FDB];
	s0 =	simm.s32 @p2 $0x1  }
0x17: {  	s4 =	simm.s32 $0x1BF5;
	[smem:$0x3FB3] =	sst s0  }
0x18: {  	s0 =	sld [smem:$0x3F96];
	_ =	swait.ge [sflag:s4], $0x0  }
0x19: {  	s7 =	sld [smem:$0x3F97]  }
0x1a: {  	s8 =	sadd.s32 $0xFFFFE003, lr  }
0x1b: {  	s9 =	sadd.s32 $0xFFFFFEF7, lr;
	s5 =	simm.s32 $0xFFFFFFFF;
	p2 =	slt.u32 s8, $0xFFFFF086  }
0x1c: {  	p1 =	slt.u32 s9, $0xF7A;
	s5 =	simm.s32 @!p2 $0x0  }
0x1d: {  	s5 =	simm.s32 @p1 $0x1;
	p0 =	seq.s32 s7, s2  }
0x1e: {  	s7 =	smul.u32 @!p0 $0xF7A, s2;
	p2 =	seq.s32 @!p0 s5, $0x0  }
0x1f: {  	s9 =	smul.u32 $0xF7A, s1;
	s8 =	simm.s32 @!p0 $0x1BF5;
	p2 =	por !p2, p0  }
0x20: {  	[sflag:s8] =	ssyncset.s32 @!p0 $0xFFFFF086;
	s6 =	sadd.s32 @!p0 s3, s7;
	s7 =	simm.s32 @!p0 $0x108  }
0x21: {  	s3 =	sadd.s32 s3, s9;
	s6 =	sadd.s32 @!p0 $0x88, s6;
	s7 =	simm.s32 @p2 $0x1082  }
0x22: {  	[simem:s7], [sflag:s8] =	dma.local @!p0 [hbm:s6], $0xF7A  }
0x23: {  	s9 =	sor.u32 $0xD0000000, s2;
	s6 =	simm.s32 $0x108;
	_ =	swait.ge @!p0 [sflag:s8], $0x0  }
0x24: {  	s3 =	sadd.s32 $0x88, s3;
	s6 =	simm.s32 @!p1 $0x1082;
	[sflag:s4] =	ssyncset.s32 $0xFFFFF086  }
0x25: {  	[simem:s6], [sflag:s4] =	dma.local [hbm:s3], $0xF7A  }
0x26: {  	[smem:$0x3F97] =	sst s1;
	(tag) =	ssettag s2;
	_ =	strace s9  }
0x27: {  	s1 =	sld [smem:$0x3FA7]  }
0x28: {  	s2 =	sld [smem:$0x3FA8]  }
0x29: {  	s4 =	sld [smem:$0x3FAA]  }
0x2a: {  	p0 =	seq.s32 s5, $0x0;
	s5 =	sld [smem:$0x3FAB]  }
0x2b: {  	s6 =	sld [smem:$0x3FAC]  }
0x2c: {  	s7 =	sld [smem:$0x3FAD]  }
0x2d: {  	s3 =	simm.s32 $0x108;
	s8 =	sld [smem:$0x3FAE]  }
0x2e: {  	s3 =	simm.s32 @!p0 $0x1082;
	s9 =	sld [smem:$0x3FAF]  }
0x2f: {  	lr =	sadd.s32 s0, s3;
	s0 =	sld [smem:$0x3FA6]  }
0x30: {  	s3 =	sld [smem:$0x3FA9]  }
0x31: {  	[smem:$0x3FB2] =	sst s10  }
0x32: {  	s10 =	sld [smem:$0x3FB0];
	_ =	sdelay $0x3  }
0x33: {  	p0 =	seq.s32 s10, $0x1;
	s10 =	sld [smem:$0x3FB2];
	_ =	sdelay $0x3  }
0x34: {  	[smem:$0x3FB2] =	sst s10  }
0x35: {  	s10 =	sld [smem:$0x3FB1];
	_ =	sdelay $0x3  }
0x36: {  	p1 =	seq.s32 s10, $0x1;
	s10 =	sld [smem:$0x3FB2];
	_ =	sdelay $0x3  }
0x37: {  	[smem:$0x3FB2] =	sst s10  }
0x38: {  	s10 =	sld [smem:$0x3FB3]  }
0x39: {  	_ = 	snop;
	(pc) =	sbr.ind lr, $3  }
0x3a: {  	_ = 	snop  }
0x3b: {  	_ = 	snop  }
0x3c: {  	p2 =	seq.s32 s10, $0x1;
	s10 =	sld [smem:$0x3FB2]  }
0x3d: {  	_ =	shalt  }
0x3e: {  	_ =	shalt  }
0x3f: {  	_ =	shalt  }
0x40: {  	_ =	shalt  }
0x41: {  	_ =	shalt  }
0x42: {  	_ =	shalt  }
0x43: {  	_ =	shalt  }
0x44: {  	_ =	shalt  }
0x45: {  	_ =	shalt  }
0x46: {  	_ =	shalt  }
0x47: {  	_ =	shalt  }
0x48: {  	_ =	shalt  }
0x49: {  	_ =	shalt  }
0x4a: {  	_ =	shalt  }
0x4b: {  	_ =	shalt  }
0x4c: {  	_ =	shalt  }
0x4d: {  	_ =	shalt  }
0x4e: {  	_ =	shalt  }
0x4f: {  	_ =	shalt  }
0x50: {  	_ =	shalt  }
0x51: {  	_ =	shalt  }
0x52: {  	_ =	shalt  }
0x53: {  	_ =	shalt  }
0x54: {  	_ =	shalt  }
0x55: {  	_ =	shalt  }
0x56: {  	_ =	shalt  }
0x57: {  	_ =	shalt  }
0x58: {  	_ =	shalt  }
0x59: {  	_ =	shalt  }
0x5a: {  	_ =	shalt  }
0x5b: {  	_ =	shalt  }
0x5c: {  	_ =	shalt  }
0x5d: {  	_ =	shalt  }
0x5e: {  	_ =	shalt  }
0x5f: {  	_ =	shalt  }
0x60: {  	_ =	shalt  }
0x61: {  	_ =	shalt  }
0x62: {  	_ =	shalt  }
0x63: {  	_ =	shalt  }
0x64: {  	_ =	shalt  }
0x65: {  	_ =	shalt  }
0x66: {  	_ =	shalt  }
0x67: {  	_ =	shalt  }
0x68: {  	_ =	shalt  }
0x69: {  	_ =	shalt  }
0x6a: {  	_ =	shalt  }
0x6b: {  	_ =	shalt  }
0x6c: {  	_ =	shalt  }
0x6d: {  	_ =	shalt  }
0x6e: {  	_ =	shalt  }
0x6f: {  	_ =	shalt  }
0x70: {  	_ =	shalt  }
0x71: {  	_ =	shalt  }
0x72: {  	_ =	shalt  }
0x73: {  	_ =	shalt  }
0x74: {  	_ =	shalt  }
0x75: {  	_ =	shalt  }
0x76: {  	_ =	shalt  }
0x77: {  	_ =	shalt  }
0x78: {  	_ =	shalt  }
0x79: {  	_ =	shalt  }
0x7a: {  	_ =	shalt  }
0x7b: {  	_ =	shalt  }
0x7c: {  	_ =	shalt  }
0x7d: {  	_ =	shalt  }
0x7e: {  	_ =	shalt  }
0x7f: {  	_ =	shalt  }
0x80: {  	_ =	shalt  }
0x81: {  	_ =	shalt  }
0x82: {  	_ =	shalt  }
0x83: {  	_ =	shalt  }
0x84: {  	_ =	shalt  }
0x85: {  	_ =	shalt  }
0x86: {  	_ =	shalt  }
0x87: {  	_ =	shalt  }
.Lfunc_end0:
.L_simem_size_0:
called_computation.1_lowered:
.L_overlay_start_0:
0x88: {  	s2 =	sld [smem:$0x3FD9]  }
0x89: {  	s3 =	sld [smem:$0x3FFE];
	_ =	sdelay $0x1  }
0x8a: {  	s1 =	srdreg.scid  }
0x8b: {  	s0 =	sand.u32 $0x1, s1  }
0x8c: {  	s17 =	sshll.u32 s0, $0xA;
	s2 =	sadd.s32 s3, s2  }
0x8d: {  	s2 =	sadd.s32 s2, s17  }
0x8e: {  	[smem:$0x3FBE] =	sst s2  }
0x8f: {  	_ = 	snop  }
0x90: {  	s2 =	sld [smem:$0x3FC8];
	(tm) =	ssettm $0x1  }
0x91: {  	s18 =	sld [smem:$0x3FFB];
	_ =	sdelay $0x3  }
0x92: {  	_ =	strace s18  }
0x93: {  	s3 =	sld [smem:$0x3FFC];
	_ =	sdelay $0x3  }
0x94: {  	_ =	strace s3  }
0x95: {  	s3 =	sld [smem:$0x3FFD];
	_ =	sdelay $0x3  }
0x96: {  	_ =	strace s3  }
0x97: {  	_ =	strace $0x8FFFFFFF  }
0x98: {  	s19 =	sld [smem:$0x3FDB];
	_ =	sdelay $0x1  }
0x99: {  	s4 =	simm.s32 $_scs_section_size  }
0x9a: {  	s5 =	simm.s32 $_size__tile_overlayer_lowered;
	s6 =	simm.s32 $_tile_overlayer_lowered  }
0x9b: {  	s22 =	simm.s32 $0x1BFF;
	s21 =	sshll.u32 s6, $0x1;
	s3 =	sadd.s32 s4, s19  }
0x9c: {  	s7 =	simm.s32 $0x0;
	s20 =	sshll.u32 s5, $0x1;
	s5 =	sadd.s32 s21, s3  }
0x9d: {  	[timem:s7], [sflag:s22] =	dma.local [hbm:s5], s20  }
0x9e: {  	_ =	swait.ge [sflag:s22], s20  }
0x9f: {  	s4 =	ssub.s32 $0x0, s20;
	[sflag:s22] =	ssyncset.done $0x0  }
0xa0: {  	[sflag:s22] =	ssyncadd.s32 s4;
	_ =	sdelay $0x1  }
0xa1: {  	s23 =	simm.s32 $0x1B8B  }
0xa2: {  	_ =	swait.ge [sflag:s23], $0x1  }
0xa3: {  	[sflag:s23] =	ssyncset.done $0x0  }
0xa4: {  	s25 =	simm.s32 $0x1B8E;
	s24 =	sld [smem:$0x3FFE];
	[sflag:s23] =	ssyncadd.s32 $0xFFFFFFFF  }
0xa5: {  	s26 =	simm.s32 $execute0_lowered;
	[smem:$0x3FD2] =	sst s25  }
0xa6: {  	s5 =	sshll.u32 s26, $0x1;
	_ =	strace $0x80000049;
	[dreg:$0x1] =	wrdreg $0xFFFFFFFF  }
0xa7: {  	s28 =	simm.s32 $_size_execute0_lowered;
	s3 =	sadd.s32 s3, s5;
	[dreg:$0x0] =	wrdreg $0x0  }
0xa8: {  	s5 =	sshll.u32 s28, $0x1;
	[dreg:$0x2] =	wrdreg s3  }
0xa9: {  	[dreg:$0x3] =	wrdreg s5  }
0xaa: {  	[dreg:$0x4] =	wrdreg $0xC0  }
0xab: {  	_ =	task [dreg:s7], $0x5FFFF  }
0xac: {  	[dreg:$0x1] =	wrdreg $0xFFFFFFFF  }
0xad: {  	[dreg:$0x0] =	wrdreg $0x60  }
0xae: {  	[dreg:$0x2] =	wrdreg s24  }
0xaf: {  	[dreg:$0x3] =	wrdreg s2  }
0xb0: {  	[dreg:$0x4] =	wrdreg $0x0  }
0xb1: {  	[dreg:$0x5] =	wrdreg $0x9  }
0xb2: {  	_ =	task.clear_ibuf [dreg:s7], $0x6FFFF;
	_ =	strace $0x90000049  }
0xb3: {  	s29 =	simm.s32 $0x9;
	_ =	strace $0x8000004B  }
0xb4: {  	_ =	swait.ge [sflag:s29], $0x1  }
0xb5: {  	[sflag:s29] =	ssyncadd.s32 $0xFFFFFFFF  }
0xb6: {  	_ =	strace $0x9000004B  }
0xb7: {  	_ =	sfence  }
0xb8: {  	s30 =	sld [smem:$0x0];
	_ =	sdelay $0x2  }
0xb9: {  	s31 =	sshll.u32 s1, $0xD;
	s1 =	sshrl.u32 s1, $0x2  }
0xba: {  	s3 =	sand.u32 $0x4000, s31;
	s1 =	sadd.s32 s1, s30  }
0xbb: {  	s0 =	sor.u32 s3, s0;
	s1 =	sshll.u32 s1, $0x11  }
0xbc: {  	s0 =	sor.u32 s1, s0  }
0xbd: {  	s0 =	sadd.s32 $0x8F2B, s0  }
0xbe: {  	[sflag:s0] =	ssyncadd.remote.s32 $0x1  }
0xbf: {  	_ =	sfence.sel $0xFFFF  }
0xc0: {  	[dreg:$0x0] =	wrdreg $0xFFFFFFFF;
	(pc) =	sbr.abs _section_cstart, $3  }
0xc1: {  	[dreg:$0x1] =	wrdreg $0xFFFFFFFF  }
0xc2: {  	_ =	task.clear_ibuf [dreg:s7], $0x2FFFF;
	_ =	strace $0x9FFFFFFF  }
0xc3: {  	(tm) =	ssettm $0x7FFFFFFF  }
tec
execute0_lowered:
.L_overlay_start_1:
0x0: {  	(tag) =	ssettag $0x1  }
0x1: {  	s0 =	rddreg [dreg:$0x0]  }
0x2: {  	s2 =	rddreg [dreg:$0x1]  }
0x3: {  	s3 =	rddreg [dreg:$0x2]  }
0x4: {  	s13 =	stileid.u32;
	s5 =	srdreg.scid  }
0x5: {  	s4 =	simm.s32 $0x0;
	s1 =	smul.u32 $0x13C00, s13;
	s7 =	sand.u32 $0x1, s5  }
0x6: {  	[smem:$0x7FF] =	sst s4;
	s5 =	sadd.s32 $0x3200, s0;
	s28 =	smul.u32 $0x4F000, s13  }
0x7: {  	s14 =	sshll.u32 s13, $0x6;
	s23 =	sshll.u32 s13, $0x7;
	s8 =	smul.u32 $0x13C000, s7  }
0x8: {  	_ =	strace $0x8000004A;
	s25 =	ssub.s32 $0x2, s7;
	s26 =	sshll.u32 s7, $0x4  }
0x9: {  	s11 =	sand.u32 $0x40, s14;
	[dreg:$0x5] =	wrdreg s14;
	s14 =	sor.u32 $0x1C12, s14  }
0xa: {  	s7 =	sshll.u32 s7, $0xB;
	s6 =	sshrl.u32 s1, $0x3;
	s10 =	sshrl.u32 s25, $0x1  }
0xb: {  	[dreg:$0x8] =	wrdreg s14;
	s7 =	sor.u32 s23, s7;
	s9 =	sadd.s32 s6, s0  }
0xc: {  	s1 =	sadd.s32 s1, s8;
	s8 =	sor.u32 s13, s26;
	s6 =	simm.s32 $0x9D  }
0xd: {  	s7 =	sor.u32 $0x5000, s7;
	s13 =	simm.s32 $0x0;
	s1 =	sshrl.u32 s1, $0x3  }
0xe: {  	p0 =	slt.u32 s8, $0x8;
	s8 =	sshll.u32 s8, $0x7;
	s9 =	sadd.s32 $0x2AA00, s9  }
0xf: {  	s0 =	sadd.s32 s1, s0;
	s1 =	ssub.s32 s25, s10;
	s6 =	simm.s32 @!p0 $0x9C  }
0x10: {  	s10 =	sshrl.u32 s28, $0x2;
	s12 =	sand.u32 $0xF00, s8;
	s8 =	sor.u32 s11, s8  }
0x11: {  	[dreg:$0x7] =	wrdreg s9;
	s10 =	sadd.s32 s10, s3;
	s29 =	sor.u32 s11, s12  }
0x12: {  	s8 =	sshrl.u32 s8, $0x3;
	s26 =	sshll.u32 s6, $0x3;
	[dreg:$0x6] =	wrdreg s10  }
0x13: {  	s0 =	sadd.s32 $0x52200, s0;
	s1 =	smax.u32 s1, $0x1;
	[dreg:$0x4] =	wrdreg s26  }
0x14: {  	s30 =	sshrl.u32 s29, $0x3;
	s31 =	sor.u32 $0x10, s8;
	[dreg:$0x13] =	wrdreg s0  }
0x15: {  	s18 =	sor.u32 $0x210, s8;
	[dreg:$0x14] =	wrdreg s1;
	s16 =	sadd.s32 s2, s31  }
0x16: {  	s19 =	sor.u32 $0x410, s8;
	s9 =	sadd.s32 s2, s18;
	[dreg:$0xa] =	wrdreg s16  }
0x17: {  	s22 =	sor.u32 $0x610, s8;
	s21 =	sadd.s32 s2, s19;
	[dreg:$0xc] =	wrdreg s9  }
0x18: {  	s8 =	sor.u32 $0x810, s8;
	s15 =	sadd.s32 s2, s30;
	[dreg:$0xe] =	wrdreg s21  }
0x19: {  	s28 =	sand.u32 $0x5F00, s7;
	s8 =	sadd.s32 s2, s8;
	[dreg:$0x9] =	wrdreg s15  }
0x1a: {  	s12 =	simm.s32 $0x13;
	s17 =	sadd.s32 $0x200, s15;
	[dreg:$0x12] =	wrdreg s8  }
0x1b: {  	s29 =	sor.u32 s11, s28;
	s20 =	sadd.s32 $0x400, s15;
	[dreg:$0xb] =	wrdreg s17  }
0x1c: {  	s10 =	simm.s32 $0x8;
	s24 =	sadd.s32 $0x600, s15;
	[dreg:$0xd] =	wrdreg s20  }
0x1d: {  	s0 =	sshrl.u32 s29, $0x3;
	s9 =	sadd.s32 s2, s22;
	[dreg:$0xf] =	wrdreg s24  }
0x1e: {  	s30 =	sor.u32 s11, s7;
	s25 =	sadd.s32 $0x800, s15;
	[dreg:$0x10] =	wrdreg s9  }
0x1f: {  	s7 =	simm.s32 $0x12;
	s0 =	sadd.s32 s0, s2;
	[dreg:$0x11] =	wrdreg s25  }
0x20: {  	s31 =	sshrl.u32 s30, $0x3;
	s8 =	simm.s32 $0x6;
	[dreg:$0x15] =	wrdreg s0  }
0x21: {  	[dreg:$0x16] =	wrdreg s31;
	s0 =	simm.s32 $0x40;
	s9 =	simm.s32 $0x7  }
.LBB2_1:
0x22: {  	s1 =	rddreg [dreg:$0x6]  }
0x23: {  	s22 =	rddreg [dreg:$0x7]  }
0x24: {  	s11 =	rddreg [dreg:$0x8];
	s14 =	sshrl.u32 s1, $0x3  }
0x25: {  	[spmem:s14], [sflag:s11] =	dma.local [hbm:s22], $0x2780  }
0x26: {  	s11 =	simm.s32 $0x13C00;
	s1 =	rddreg [dreg:$0x9]  }
0x27: {  	[tilespmem:s11], [sflag:$0x1] =	stream.linear.gather [hbm4b:s1+s4], $0x40, $0x38;
	[tilespmem:$0x1E400] =	vst v63  }
0x28: {  	s15 =	simm.s32 $0x13C80;
	s23 =	rddreg [dreg:$0xa]  }
0x29: {  	[tilespmem:s15], [sflag:$0x2] =	stream.linear.gather [hbm4b:s23+s4], $0x40, $0x38;
	[tilespmem:$0x1E400] =	vst v63  }
0x2a: {  	s17 =	simm.s32 $0x13D00;
	s24 =	rddreg [dreg:$0xb]  }
0x2b: {  	[tilespmem:s17], [sflag:$0x3] =	stream.linear.gather [hbm4b:s24+s4], $0x40, $0x38;
	[tilespmem:$0x1E400] =	vst v63  }
0x2c: {  	s26 =	simm.s32 $0x13D80;
	s25 =	rddreg [dreg:$0xc]  }
0x2d: {  	[tilespmem:s26], [sflag:$0x4] =	stream.linear.gather [hbm4b:s25+s4], $0x40, $0x38;
	[tilespmem:$0x1E400] =	vst v63  }
0x2e: {  	s18 =	simm.s32 $0x13E00;
	s29 =	rddreg [dreg:$0xd]  }
0x2f: {  	[tilespmem:s18], [sflag:$0x5] =	stream.linear.gather [hbm4b:s29+s4], $0x40, $0x38;
	[tilespmem:$0x1E400] =	vst v63  }
0x30: {  	s31 =	simm.s32 $0x13E80;
	s30 =	rddreg [dreg:$0xe]  }
0x31: {  	[tilespmem:s31], [sflag:$0x6] =	stream.linear.gather [hbm4b:s30+s4], $0x40, $0x38;
	[tilespmem:$0x1E400] =	vst v63  }
0x32: {  	s19 =	simm.s32 $0x13F00;
	s16 =	rddreg [dreg:$0xf]  }
0x33: {  	[tilespmem:s19], [sflag:$0x7] =	stream.linear.gather [hbm4b:s16+s4], $0x40, $0x38;
	[tilespmem:$0x1E400] =	vst v63  }
0x34: {  	s21 =	simm.s32 $0x13F80;
	s20 =	rddreg [dreg:$0x10]  }
0x35: {  	[tilespmem:s21], [sflag:$0x8] =	stream.linear.gather [hbm4b:s20+s4], $0x40, $0x38;
	[tilespmem:$0x1E400] =	vst v63  }
0x36: {  	s22 =	rddreg [dreg:$0x11];
	s15 =	simm.s32 $0x14000  }
0x37: {  	[tilespmem:s15], [sflag:$0x9] =	stream.linear.gather [hbm4b:s22+s4], $0x40, $0x38;
	[tilespmem:$0x1E400] =	vst v63  }
0x38: {  	s23 =	rddreg [dreg:$0x12];
	s24 =	simm.s32 $0x1;
	s16 =	simm.s32 $0x14080  }
0x39: {  	[tilespmem:s16], [sflag:$0xA] =	stream.linear.gather [hbm4b:s23+s4], $0x40, $0x38;
	[tilespmem:$0x1E400] =	vst v63  }
0x3a: {  	_ =	swait.ge [sflag:s24], $0x40  }
0x3b: {  	[sflag:s24] =	ssyncset.done $0x0  }
0x3c: {  	s25 =	simm.s32 $0x2;
	[sflag:s24] =	ssyncadd.s32 $0xFFFFFFC0  }
0x3d: {  	_ =	swait.ge [sflag:s25], $0x40  }
0x3e: {  	[sflag:s25] =	ssyncset.done $0x0  }
0x3f: {  	s26 =	simm.s32 $0x3;
	s16 =	simm.s32 $0x14400;
	[sflag:s25] =	ssyncadd.s32 $0xFFFFFFC0  }
0x40: {  	[tilespmem:s16], [sflag:$0xD] =	stream.indirect.gather [hbm4b:s5+s0], $0x80, s11, s0, $0xb8;
	[tilespmem:$0x1E400] =	vst v63  }
0x41: {  	_ =	swait.ge [sflag:s26], $0x40  }
0x42: {  	[sflag:s26] =	ssyncset.done $0x0  }
0x43: {  	s28 =	simm.s32 $0x4;
	[sflag:s26] =	ssyncadd.s32 $0xFFFFFFC0  }
0x44: {  	_ =	swait.ge [sflag:s28], $0x40  }
0x45: {  	[sflag:s28] =	ssyncset.done $0x0  }
0x46: {  	s29 =	simm.s32 $0x16400;
	[sflag:s28] =	ssyncadd.s32 $0xFFFFFFC0  }
0x47: {  	[tilespmem:s29], [sflag:$0xE] =	stream.indirect.gather [hbm4b:s5+s0], $0x80, s17, s0, $0xb8;
	[tilespmem:$0x1E400] =	vst v63  }
0x48: {  	s17 =	simm.s32 $0x5  }
0x49: {  	_ =	swait.ge [sflag:s17], $0x40  }
0x4a: {  	[sflag:s17] =	ssyncset.done $0x0  }
0x4b: {  	[sflag:s17] =	ssyncadd.s32 $0xFFFFFFC0  }
0x4c: {  	_ =	swait.ge [sflag:s8], $0x40  }
0x4d: {  	[sflag:s8] =	ssyncset.done $0x0  }
0x4e: {  	s30 =	simm.s32 $0x18400;
	[sflag:s8] =	ssyncadd.s32 $0xFFFFFFC0  }
0x4f: {  	[tilespmem:s30], [sflag:$0xF] =	stream.indirect.gather [hbm4b:s5+s0], $0x80, s18, s0, $0xb8;
	[tilespmem:$0x1E400] =	vst v63  }
0x50: {  	_ =	swait.ge [sflag:s9], $0x40  }
0x51: {  	[sflag:s9] =	ssyncset.done $0x0  }
0x52: {  	[sflag:s9] =	ssyncadd.s32 $0xFFFFFFC0  }
0x53: {  	_ =	swait.ge [sflag:s10], $0x40  }
0x54: {  	[sflag:s10] =	ssyncset.done $0x0  }
0x55: {  	s31 =	simm.s32 $0x1A400;
	[sflag:s10] =	ssyncadd.s32 $0xFFFFFFC0  }
0x56: {  	[tilespmem:s31], [sflag:$0x10] =	stream.indirect.gather [hbm4b:s5+s0], $0x80, s19, s0, $0xb8;
	[tilespmem:$0x1E400] =	vst v63  }
0x57: {  	_ =	swait.ge [sflag:s7], $0x2780  }
0x58: {  	[sflag:s7] =	ssyncset.done $0x0  }
0x59: {  	[sflag:s7] =	ssyncadd.s32 $0xFFFFD880  }
0x5a: {  	s20 =	simm.s32 $0xD;
	[bflag:$0x0] =	sbarrier.arrive $0xFFFF  }
0x5b: {  	s25 =	simm.s32 $0x0;
	s11 =	simm.s32 $0x0;
	s24 =	rddreg [dreg:$0x16]  }
0x5c: {  	s18 =	simm.s32 $0x11;
	s19 =	simm.s32 $0x1C400;
	s23 =	rddreg [dreg:$0x15]  }
.LBB2_2:
0x5d: {  	s22 =	smulhi.u32 $0xAAAAAAAB, s17;
	_ =	sdelay $0x1  }
0x5e: {  	s22 =	sshrl.u32 s22, $0x2  }
0x5f: {  	s30 =	smul.u32 $0x1800, s22  }
0x60: {  	s21 =	smul.u32 $0xFFFFFFD0, s22  }
0x61: {  	s22 =	sadd.s32 $0x1, s28  }
0x62: {  	p0 =	sge.u32 s22, s6;
	s30 =	ssub.s32 $0x1400, s30;
	s21 =	sshra.s32 s21, $0x2  }
0x63: {  	s29 =	sshra.s32 @!p0 s11, $0x2;
	s21 =	sor.u32 $0x1, s21;
	s30 =	sshra.s32 @!p0 s30, $0x2  }
0x64: {  	s1 =	smulhi.u32 $0xAAAAAAAB, s28;
	s30 =	sadd.s32 @!p0 s30, s15;
	s21 =	sadd.s32 @!p0 s29, s21  }
0x65: {  	s26 =	simm.s32 @!p0 $0x0;
	s29 =	sadd.s32 @!p0 $0xFFFFFC00, s30;
	s31 =	sadd.s32 @!p0 $0xA, s21  }
0x66: {  	[tilespmem:s29], [sflag:s31] =	stream.linear.gather @!p0 [hbm4b:s23+s26], $0x40, $0x38;
	[tilespmem:$0x1E400] =	vst v63  }
0x67: {  	s1 =	sshrl.u32 s1, $0x2;
	s30 =	sadd.s32 @!p0 $0xFFFFFC80, s30;
	s31 =	sor.u32 @!p0 $0x10, s24  }
0x68: {  	s21 =	sadd.s32 @!p0 $0xB, s21;
	s29 =	smul.u32 $0xFFFFFFD0, s1;
	s31 =	sadd.s32 @!p0 s2, s31  }
0x69: {  	[tilespmem:s30], [sflag:s21] =	stream.linear.gather @!p0 [hbm4b:s31+s26], $0x40, $0x38;
	[tilespmem:$0x1E400] =	vst v63  }
0x6a: {  	s1 =	smul.u32 $0xFFFFE800, s1;
	s26 =	sshra.s32 s29, $0x2;
	p0 =	sge.u32 s28, s6  }
0x6b: {  	s29 =	smulhi.u32 $0xCCCCCCCD, s28;
	s21 =	sor.u32 $0x1, s26;
	s28 =	sshra.s32 @!p0 s11, $0x2  }
0x6c: {  	s30 =	smulhi.u32 $0xCCCCCCCD, s25;
	s21 =	sadd.s32 @!p0 s28, s21  }
0x6d: {  	s1 =	sshra.s32 @!p0 s1, $0x2;
	s26 =	sshrl.u32 s29, $0x2;
	s29 =	sadd.s32 @!p0 $0x8, s21  }
0x6e: {  	s1 =	sadd.s32 @!p0 s1, s15;
	s28 =	smul.u32 $0xFFFFFFEC, s26;
	_ =	swait.ge @!p0 [sflag:s29], $0x40  }
0x6f: {  	s31 =	sshrl.u32 s30, $0x2;
	s26 =	smul.u32 $0xFFFD8000, s26;
	[sflag:s29] =	ssyncset.done @!p0 $0x0  }
0x70: {  	s21 =	sadd.s32 @!p0 $0x9, s21;
	s30 =	smul.u32 $0xFFFFFFEC, s31;
	[sflag:s29] =	ssyncadd.s32 @!p0 $0xFFFFFFC0  }
0x71: {  	s28 =	sshra.s32 s28, $0x2;
	s26 =	sshra.s32 s26, $0x2;
	_ =	swait.ge @!p0 [sflag:s21], $0x40  }
0x72: {  	s28 =	sadd.s32 s28, s18;
	s26 =	sadd.s32 s26, s19;
	[sflag:s21] =	ssyncset.done @!p0 $0x0  }
0x73: {  	s29 =	smulhi.u32 $0xAAAAAAAB, s25;
	[sflag:s21] =	ssyncadd.s32 @!p0 $0xFFFFFFC0;
	s21 =	simm.s32 @!p0 $0x40  }
0x74: {  	[tilespmem:s26], [sflag:s28] =	stream.indirect.gather @!p0 [hbm4b:s5+s21], $0x80, s1, s21, $0xb8;
	[tilespmem:$0x1E400] =	vst v63  }
0x75: {  	s21 =	sshrl.u32 s29, $0x2  }
0x76: {  	s26 =	sshra.s32 s30, $0x2;
	s21 =	smul.u32 $0xFFFFE800, s21  }
0x77: {  	s1 =	smul.u32 $0xFFFD8000, s31;
	s26 =	sadd.s32 s26, s20  }
0x78: {  	_ =	swait.ge [sflag:s26], $0x2000;
	s21 =	sshra.s32 s21, $0x2  }
0x79: {  	s1 =	sshra.s32 s1, $0x2;
	[sflag:s26] =	ssyncset.done $0x0;
	s21 =	sadd.s32 s21, s15  }
0x7a: {  	s1 =	sadd.s32 s1, s16;
	[sflag:s26] =	ssyncadd.s32 $0xFFFFE000;
	s21 =	sadd.s32 $0xFFFFFC80, s21  }
0x7b: {  	[spmem:s3] =	stream.indirect.scatter.add.f32 [tilespmem:s1], [sflag:$0x13], $0x80, s21, s0, $0xb8;
	[tilespmem:$0x1E400] =	vst v63  }
0x7c: {  	_ =	swait.ge [sflag:s12], $0x2000  }
0x7d: {  	s11 =	sadd.s32 $0x8, s11;
	s31 =	rddreg [dreg:$0x4]  }
0x7e: {  	p0 =	sne.s32 s31, s11  }
.Ltmp0:
0x7f: {  	_ = 	snop;
	(pc) =	sbr.rel @p0 .LBB2_2-.Ltmp0, $4  }
0x80: {  	s17 =	sadd.s32 $0x1, s17;
	s23 =	sadd.s32 $0x200, s23;
	s24 =	sadd.s32 $0x200, s24  }
0x81: {  	s25 =	sadd.s32 $0x1, s25;
	s18 =	sadd.s32 $0x1, s18;
	s19 =	sadd.s32 $0x2000, s19  }
0x82: {  	s28 =	smov.u32 s22;
	s20 =	sadd.s32 $0x1, s20;
	[sflag:s12] =	ssyncset.done $0x0  }
0x83: {  	s16 =	sadd.s32 $0x2000, s16;
	s15 =	sadd.s32 $0x100, s15;
	[sflag:s12] =	ssyncadd.s32 $0xFFFFE000  }
0x84: {  	[bflag:$0x0] =	sbarrier.arrive $0xFFFF  }
0x85: {  	s1 =	rddreg [dreg:$0x5]  }
0x86: {  	s11 =	rddreg [dreg:$0x13];
	s1 =	sor.u32 $0x1C13, s1  }
0x87: {  	[hbm:s11], [sflag:s1] =	dma.local [spmem:s14], $0x2780  }
0x88: {  	_ =	swait.ge [sflag:s12], $0x2780  }
0x89: {  	s13 =	sadd.s32 $0x1, s13;
	s31 =	rddreg [dreg:$0x14]  }
0x8a: {  	p0 =	sne.s32 s13, s31  }
.Ltmp1:
0x8b: {  	_ = 	snop;
	(pc) =	sbr.rel @p0 .LBB2_1-.Ltmp1, $3  }
0x8c: {  	_ =	sdelay $0x1  }
0x8d: {  	[sflag:s12] =	ssyncset.done $0x0  }
0x8e: {  	[sflag:s12] =	ssyncadd.s32 $0xFFFFD880  }
0x8f: {  	_ =	sfence.sel $0x180000  }
0x90: {  	[bflag:$0x0] =	sbarrier.arrive $0xFFFF  }
0x91: {  	_ =	strace $0x9000004A  }
0x92: {  	s0 =	stileid.u32;
	[bflag:$0x2] =	sbarrier.arrive $0xFFFF  }
0x93: {  	p0 =	sne.s32 s0, $0x0;
	s0 =	rddreg [dreg:$0x3]  }
0x94: {  	s0 =	sadd.s32 @!p0 $0x100000, s0  }
0x95: {  	[sflag:s0] =	ssyncadd.tile.s32 @!p0 $0x1;
	_ =	shalt  }
.Lfunc_end2:
_tile_overlayer_lowered:
.L_overlay_start_2:
0x96: {  	(tag) =	ssettag $0x2  }
0x97: {  	s0 =	rddreg [dreg:$0x0];
	s2 =	stileid.u32  }
0x98: {  	s1 =	rddreg [dreg:$0x1];
	p0 =	sne.s32 s2, $0x0  }
0x99: {  	s3 =	rddreg [dreg:$0x2];
	[bflag:$0x3] =	sbarrier.arrive $0xFFFF;
	s2 =	simm.s32 @!p0 $0x1C13  }
0x9a: {  	[timem:s3], [sflag:s2] =	dma.local @!p0 [hbm:s0], s1  }
0x9b: {  	s0 =	simm.s32 @!p0 $0x13  }
0x9c: {  	_ =	swait.ge @!p0 [sflag:s0], s1  }
0x9d: {  	s1 =	ssub.s32 @!p0 $0x0, s1;
	[sflag:s0] =	ssyncset.done @!p0 $0x0  }
0x9e: {  	[sflag:s0] =	ssyncadd.s32 @!p0 s1  }
0x9f: {  	[bflag:$0x3] =	sbarrier.arrive $0xFFFF  }
0xa0: {  	_ =	shalt  }

// kernel: kernel.15.cloned.1.call-start
scs
__scs_entry_jumppad:
0x0: {  	(pc) =	sbr.rel $0x88, $3  }
0x1: {  	(tag) =	ssettag $0x0;
	lr =	simm.s32 $0x1  }
0x2: {  	[smem:$0x3F97] =	sst lr;
	_ =	strace $0xD0000000  }
0x3: {  	_ = 	snop  }
0x4: {  	_ = 	snop  }
0x5: {  	_ = 	snop  }
0x6: {  	_ = 	snop  }
0x7: {  	_ = 	snop  }
__scs_overlays_trampoline_lowered:
0x8: {  	[smem:$0x3FA6] =	sst s0  }
0x9: {  	[smem:$0x3FA7] =	sst s1  }
0xa: {  	[smem:$0x3FA8] =	sst s2  }
0xb: {  	[smem:$0x3FA9] =	sst s3  }
0xc: {  	[smem:$0x3FAA] =	sst s4  }
0xd: {  	[smem:$0x3FAB] =	sst s5  }
0xe: {  	[smem:$0x3FAC] =	sst s6  }
0xf: {  	[smem:$0x3FAD] =	sst s7  }
0x10: {  	[smem:$0x3FAE] =	sst s8  }
0x11: {  	[smem:$0x3FAF] =	sst s9;
	s0 =	simm.s32 @!p0 $0x0  }
0x12: {  	s1 =	sld [smem:$0x3F95];
	s0 =	simm.s32 @p0 $0x1  }
0x13: {  	[smem:$0x3FB0] =	sst s0;
	s0 =	simm.s32 @!p1 $0x0  }
0x14: {  	s2 =	sld [smem:$0x3F94];
	s0 =	simm.s32 @p1 $0x1  }
0x15: {  	[smem:$0x3FB1] =	sst s0;
	s0 =	simm.s32 @!p2 $0x0  }
0x16: {  	s3 =	sld [smem:$0x3FDB];
	s0 =	simm.s32 @p2 $0x1  }
0x17: {  	s4 =	simm.s32 $0x1BF5;
	[smem:$0x3FB3] =	sst s0  }
0x18: {  	s0 =	sld [smem:$0x3F96];
	_ =	swait.ge [sflag:s4], $0x0  }
0x19: {  	s7 =	sld [smem:$0x3F97]  }
0x1a: {  	s8 =	sadd.s32 $0xFFFFE003, lr  }
0x1b: {  	s9 =	sadd.s32 $0xFFFFFEF7, lr;
	s5 =	simm.s32 $0xFFFFFFFF;
	p2 =	slt.u32 s8, $0xFFFFF086  }
0x1c: {  	p1 =	slt.u32 s9, $0xF7A;
	s5 =	simm.s32 @!p2 $0x0  }
0x1d: {  	s5 =	simm.s32 @p1 $0x1;
	p0 =	seq.s32 s7, s2  }
0x1e: {  	s7 =	smul.u32 @!p0 $0xF7A, s2;
	p2 =	seq.s32 @!p0 s5, $0x0  }
0x1f: {  	s9 =	smul.u32 $0xF7A, s1;
	s8 =	simm.s32 @!p0 $0x1BF5;
	p2 =	por !p2, p0  }
0x20: {  	[sflag:s8] =	ssyncset.s32 @!p0 $0xFFFFF086;
	s6 =	sadd.s32 @!p0 s3, s7;
	s7 =	simm.s32 @!p0 $0x108  }
0x21: {  	s3 =	sadd.s32 s3, s9;
	s6 =	sadd.s32 @!p0 $0x88, s6;
	s7 =	simm.s32 @p2 $0x1082  }
0x22: {  	[simem:s7], [sflag:s8] =	dma.local @!p0 [hbm:s6], $0xF7A  }
0x23: {  	s9 =	sor.u32 $0xD0000000, s2;
	s6 =	simm.s32 $0x108;
	_ =	swait.ge @!p0 [sflag:s8], $0x0  }
0x24: {  	s3 =	sadd.s32 $0x88, s3;
	s6 =	simm.s32 @!p1 $0x1082;
	[sflag:s4] =	ssyncset.s32 $0xFFFFF086  }
0x25: {  	[simem:s6], [sflag:s4] =	dma.local [hbm:s3], $0xF7A  }
0x26: {  	[smem:$0x3F97] =	sst s1;
	(tag) =	ssettag s2;
	_ =	strace s9  }
0x27: {  	s1 =	sld [smem:$0x3FA7]  }
0x28: {  	s2 =	sld [smem:$0x3FA8]  }
0x29: {  	s4 =	sld [smem:$0x3FAA]  }
0x2a: {  	p0 =	seq.s32 s5, $0x0;
	s5 =	sld [smem:$0x3FAB]  }
0x2b: {  	s6 =	sld [smem:$0x3FAC]  }
0x2c: {  	s7 =	sld [smem:$0x3FAD]  }
0x2d: {  	s3 =	simm.s32 $0x108;
	s8 =	sld [smem:$0x3FAE]  }
0x2e: {  	s3 =	simm.s32 @!p0 $0x1082;
	s9 =	sld [smem:$0x3FAF]  }
0x2f: {  	lr =	sadd.s32 s0, s3;
	s0 =	sld [smem:$0x3FA6]  }
0x30: {  	s3 =	sld [smem:$0x3FA9]  }
0x31: {  	[smem:$0x3FB2] =	sst s10  }
0x32: {  	s10 =	sld [smem:$0x3FB0];
	_ =	sdelay $0x3  }
0x33: {  	p0 =	seq.s32 s10, $0x1;
	s10 =	sld [smem:$0x3FB2];
	_ =	sdelay $0x3  }
0x34: {  	[smem:$0x3FB2] =	sst s10  }
0x35: {  	s10 =	sld [smem:$0x3FB1];
	_ =	sdelay $0x3  }
0x36: {  	p1 =	seq.s32 s10, $0x1;
	s10 =	sld [smem:$0x3FB2];
	_ =	sdelay $0x3  }
0x37: {  	[smem:$0x3FB2] =	sst s10  }
0x38: {  	s10 =	sld [smem:$0x3FB3]  }
0x39: {  	_ = 	snop;
	(pc) =	sbr.ind lr, $3  }
0x3a: {  	_ = 	snop  }
0x3b: {  	_ = 	snop  }
0x3c: {  	p2 =	seq.s32 s10, $0x1;
	s10 =	sld [smem:$0x3FB2]  }
0x3d: {  	_ =	shalt  }
0x3e: {  	_ =	shalt  }
0x3f: {  	_ =	shalt  }
0x40: {  	_ =	shalt  }
0x41: {  	_ =	shalt  }
0x42: {  	_ =	shalt  }
0x43: {  	_ =	shalt  }
0x44: {  	_ =	shalt  }
0x45: {  	_ =	shalt  }
0x46: {  	_ =	shalt  }
0x47: {  	_ =	shalt  }
0x48: {  	_ =	shalt  }
0x49: {  	_ =	shalt  }
0x4a: {  	_ =	shalt  }
0x4b: {  	_ =	shalt  }
0x4c: {  	_ =	shalt  }
0x4d: {  	_ =	shalt  }
0x4e: {  	_ =	shalt  }
0x4f: {  	_ =	shalt  }
0x50: {  	_ =	shalt  }
0x51: {  	_ =	shalt  }
0x52: {  	_ =	shalt  }
0x53: {  	_ =	shalt  }
0x54: {  	_ =	shalt  }
0x55: {  	_ =	shalt  }
0x56: {  	_ =	shalt  }
0x57: {  	_ =	shalt  }
0x58: {  	_ =	shalt  }
0x59: {  	_ =	shalt  }
0x5a: {  	_ =	shalt  }
0x5b: {  	_ =	shalt  }
0x5c: {  	_ =	shalt  }
0x5d: {  	_ =	shalt  }
0x5e: {  	_ =	shalt  }
0x5f: {  	_ =	shalt  }
0x60: {  	_ =	shalt  }
0x61: {  	_ =	shalt  }
0x62: {  	_ =	shalt  }
0x63: {  	_ =	shalt  }
0x64: {  	_ =	shalt  }
0x65: {  	_ =	shalt  }
0x66: {  	_ =	shalt  }
0x67: {  	_ =	shalt  }
0x68: {  	_ =	shalt  }
0x69: {  	_ =	shalt  }
0x6a: {  	_ =	shalt  }
0x6b: {  	_ =	shalt  }
0x6c: {  	_ =	shalt  }
0x6d: {  	_ =	shalt  }
0x6e: {  	_ =	shalt  }
0x6f: {  	_ =	shalt  }
0x70: {  	_ =	shalt  }
0x71: {  	_ =	shalt  }
0x72: {  	_ =	shalt  }
0x73: {  	_ =	shalt  }
0x74: {  	_ =	shalt  }
0x75: {  	_ =	shalt  }
0x76: {  	_ =	shalt  }
0x77: {  	_ =	shalt  }
0x78: {  	_ =	shalt  }
0x79: {  	_ =	shalt  }
0x7a: {  	_ =	shalt  }
0x7b: {  	_ =	shalt  }
0x7c: {  	_ =	shalt  }
0x7d: {  	_ =	shalt  }
0x7e: {  	_ =	shalt  }
0x7f: {  	_ =	shalt  }
0x80: {  	_ =	shalt  }
0x81: {  	_ =	shalt  }
0x82: {  	_ =	shalt  }
0x83: {  	_ =	shalt  }
0x84: {  	_ =	shalt  }
0x85: {  	_ =	shalt  }
0x86: {  	_ =	shalt  }
0x87: {  	_ =	shalt  }
.Lfunc_end0:
.L_simem_size_0:
called_computation.2_lowered:
.L_overlay_start_0:
0x88: {  	s2 =	sld [smem:$0x3FD9]  }
0x89: {  	s3 =	sld [smem:$0x3FFE];
	_ =	sdelay $0x1  }
0x8a: {  	s1 =	srdreg.scid  }
0x8b: {  	s0 =	sand.u32 $0x1, s1  }
0x8c: {  	s17 =	sshll.u32 s0, $0xA;
	s2 =	sadd.s32 s3, s2  }
0x8d: {  	s2 =	sadd.s32 s2, s17  }
0x8e: {  	[smem:$0x3FBE] =	sst s2  }
0x8f: {  	_ = 	snop  }
0x90: {  	s2 =	sld [smem:$0x3FC8];
	(tm) =	ssettm $0x1  }
0x91: {  	s18 =	sld [smem:$0x3FFB];
	_ =	sdelay $0x3  }
0x92: {  	_ =	strace s18  }
0x93: {  	s3 =	sld [smem:$0x3FFC];
	_ =	sdelay $0x3  }
0x94: {  	_ =	strace s3  }
0x95: {  	s3 =	sld [smem:$0x3FFD];
	_ =	sdelay $0x3  }
0x96: {  	_ =	strace s3  }
0x97: {  	_ =	strace $0x8FFFFFFF  }
0x98: {  	s19 =	sld [smem:$0x3FDB];
	_ =	sdelay $0x1  }
0x99: {  	s4 =	simm.s32 $_scs_section_size  }
0x9a: {  	s5 =	simm.s32 $_size__tile_overlayer_lowered;
	s6 =	simm.s32 $_tile_overlayer_lowered  }
0x9b: {  	s22 =	simm.s32 $0x1BFF;
	s21 =	sshll.u32 s6, $0x1;
	s3 =	sadd.s32 s4, s19  }
0x9c: {  	s7 =	simm.s32 $0x0;
	s20 =	sshll.u32 s5, $0x1;
	s5 =	sadd.s32 s21, s3  }
0x9d: {  	[timem:s7], [sflag:s22] =	dma.local [hbm:s5], s20  }
0x9e: {  	_ =	swait.ge [sflag:s22], s20  }
0x9f: {  	s4 =	ssub.s32 $0x0, s20;
	[sflag:s22] =	ssyncset.done $0x0  }
0xa0: {  	[sflag:s22] =	ssyncadd.s32 s4;
	_ =	sdelay $0x1  }
0xa1: {  	s23 =	simm.s32 $0x1B8B  }
0xa2: {  	_ =	swait.ge [sflag:s23], $0x1  }
0xa3: {  	[sflag:s23] =	ssyncset.done $0x0  }
0xa4: {  	s25 =	simm.s32 $0x1B8E;
	s24 =	sld [smem:$0x3FFE];
	[sflag:s23] =	ssyncadd.s32 $0xFFFFFFFF  }
0xa5: {  	s26 =	simm.s32 $execute0_lowered;
	[smem:$0x3FD2] =	sst s25  }
0xa6: {  	s5 =	sshll.u32 s26, $0x1;
	_ =	strace $0x8000004C;
	[dreg:$0x1] =	wrdreg $0xFFFFFFFF  }
0xa7: {  	s28 =	simm.s32 $_size_execute0_lowered;
	s3 =	sadd.s32 s3, s5;
	[dreg:$0x0] =	wrdreg $0x0  }
0xa8: {  	s5 =	sshll.u32 s28, $0x1;
	[dreg:$0x2] =	wrdreg s3  }
0xa9: {  	[dreg:$0x3] =	wrdreg s5  }
0xaa: {  	[dreg:$0x4] =	wrdreg $0xC0  }
0xab: {  	_ =	task [dreg:s7], $0x5FFFF  }
0xac: {  	[dreg:$0x1] =	wrdreg $0xFFFFFFFF  }
0xad: {  	[dreg:$0x0] =	wrdreg $0x60  }
0xae: {  	[dreg:$0x2] =	wrdreg s24  }
0xaf: {  	[dreg:$0x3] =	wrdreg s2  }
0xb0: {  	[dreg:$0x4] =	wrdreg $0x0  }
0xb1: {  	[dreg:$0x5] =	wrdreg $0x9  }
0xb2: {  	_ =	task.clear_ibuf [dreg:s7], $0x6FFFF;
	_ =	strace $0x9000004C  }
0xb3: {  	s29 =	simm.s32 $0x9;
	_ =	strace $0x8000004E  }
0xb4: {  	_ =	swait.ge [sflag:s29], $0x1  }
0xb5: {  	[sflag:s29] =	ssyncadd.s32 $0xFFFFFFFF  }
0xb6: {  	_ =	strace $0x9000004E  }
0xb7: {  	_ =	sfence  }
0xb8: {  	s30 =	sld [smem:$0x0];
	_ =	sdelay $0x2  }
0xb9: {  	s31 =	sshll.u32 s1, $0xD;
	s1 =	sshrl.u32 s1, $0x2  }
0xba: {  	s3 =	sand.u32 $0x4000, s31;
	s1 =	sadd.s32 s1, s30  }
0xbb: {  	s0 =	sor.u32 s3, s0;
	s1 =	sshll.u32 s1, $0x11  }
0xbc: {  	s0 =	sor.u32 s1, s0  }
0xbd: {  	s0 =	sadd.s32 $0x8F2B, s0  }
0xbe: {  	[sflag:s0] =	ssyncadd.remote.s32 $0x1  }
0xbf: {  	_ =	sfence.sel $0xFFFF  }
0xc0: {  	[dreg:$0x0] =	wrdreg $0xFFFFFFFF;
	(pc) =	sbr.abs _section_cstart, $3  }
0xc1: {  	[dreg:$0x1] =	wrdreg $0xFFFFFFFF  }
0xc2: {  	_ =	task.clear_ibuf [dreg:s7], $0x2FFFF;
	_ =	strace $0x9FFFFFFF  }
0xc3: {  	(tm) =	ssettm $0x7FFFFFFF  }
tec
execute0_lowered:
.L_overlay_start_1:
0x0: {  	(tag) =	ssettag $0x1  }
0x1: {  	s0 =	rddreg [dreg:$0x0]  }
0x2: {  	s2 =	rddreg [dreg:$0x1]  }
0x3: {  	s3 =	rddreg [dreg:$0x2]  }
0x4: {  	s13 =	stileid.u32;
	s5 =	srdreg.scid  }
0x5: {  	s4 =	simm.s32 $0x0;
	s1 =	smul.u32 $0x13C00, s13;
	s7 =	sand.u32 $0x1, s5  }
0x6: {  	[smem:$0x7FF] =	sst s4;
	s5 =	sadd.s32 $0x3200, s0;
	s28 =	smul.u32 $0x4F000, s13  }
0x7: {  	s14 =	sshll.u32 s13, $0x6;
	s23 =	sshll.u32 s13, $0x7;
	s8 =	smul.u32 $0x13C000, s7  }
0x8: {  	_ =	strace $0x8000004D;
	s25 =	ssub.s32 $0x2, s7;
	s26 =	sshll.u32 s7, $0x4  }
0x9: {  	s11 =	sand.u32 $0x40, s14;
	[dreg:$0x5] =	wrdreg s14;
	s14 =	sor.u32 $0x1C12, s14  }
0xa: {  	s7 =	sshll.u32 s7, $0xB;
	s6 =	sshrl.u32 s1, $0x3;
	s10 =	sshrl.u32 s25, $0x1  }
0xb: {  	[dreg:$0x8] =	wrdreg s14;
	s7 =	sor.u32 s23, s7;
	s9 =	sadd.s32 s6, s0  }
0xc: {  	s1 =	sadd.s32 s1, s8;
	s8 =	sor.u32 s13, s26;
	s6 =	simm.s32 $0x9D  }
0xd: {  	s7 =	sor.u32 $0x5000, s7;
	s13 =	simm.s32 $0x0;
	s1 =	sshrl.u32 s1, $0x3  }
0xe: {  	p0 =	slt.u32 s8, $0x8;
	s8 =	sshll.u32 s8, $0x7;
	s9 =	sadd.s32 $0x2AA00, s9  }
0xf: {  	s0 =	sadd.s32 s1, s0;
	s1 =	ssub.s32 s25, s10;
	s6 =	simm.s32 @!p0 $0x9C  }
0x10: {  	s10 =	sshrl.u32 s28, $0x2;
	s12 =	sand.u32 $0xF00, s8;
	s8 =	sor.u32 s11, s8  }
0x11: {  	[dreg:$0x7] =	wrdreg s9;
	s10 =	sadd.s32 s10, s3;
	s29 =	sor.u32 s11, s12  }
0x12: {  	s8 =	sshrl.u32 s8, $0x3;
	s26 =	sshll.u32 s6, $0x3;
	[dreg:$0x6] =	wrdreg s10  }
0x13: {  	s0 =	sadd.s32 $0x52200, s0;
	s1 =	smax.u32 s1, $0x1;
	[dreg:$0x4] =	wrdreg s26  }
0x14: {  	s30 =	sshrl.u32 s29, $0x3;
	s31 =	sor.u32 $0x10, s8;
	[dreg:$0x13] =	wrdreg s0  }
0x15: {  	s18 =	sor.u32 $0x210, s8;
	[dreg:$0x14] =	wrdreg s1;
	s16 =	sadd.s32 s2, s31  }
0x16: {  	s19 =	sor.u32 $0x410, s8;
	s9 =	sadd.s32 s2, s18;
	[dreg:$0xa] =	wrdreg s16  }
0x17: {  	s22 =	sor.u32 $0x610, s8;
	s21 =	sadd.s32 s2, s19;
	[dreg:$0xc] =	wrdreg s9  }
0x18: {  	s8 =	sor.u32 $0x810, s8;
	s15 =	sadd.s32 s2, s30;
	[dreg:$0xe] =	wrdreg s21  }
0x19: {  	s28 =	sand.u32 $0x5F00, s7;
	s8 =	sadd.s32 s2, s8;
	[dreg:$0x9] =	wrdreg s15  }
0x1a: {  	s12 =	simm.s32 $0x13;
	s17 =	sadd.s32 $0x200, s15;
	[dreg:$0x12] =	wrdreg s8  }
0x1b: {  	s29 =	sor.u32 s11, s28;
	s20 =	sadd.s32 $0x400, s15;
	[dreg:$0xb] =	wrdreg s17  }
0x1c: {  	s10 =	simm.s32 $0x8;
	s24 =	sadd.s32 $0x600, s15;
	[dreg:$0xd] =	wrdreg s20  }
0x1d: {  	s0 =	sshrl.u32 s29, $0x3;
	s9 =	sadd.s32 s2, s22;
	[dreg:$0xf] =	wrdreg s24  }
0x1e: {  	s30 =	sor.u32 s11, s7;
	s25 =	sadd.s32 $0x800, s15;
	[dreg:$0x10] =	wrdreg s9  }
0x1f: {  	s7 =	simm.s32 $0x12;
	s0 =	sadd.s32 s0, s2;
	[dreg:$0x11] =	wrdreg s25  }
0x20: {  	s31 =	sshrl.u32 s30, $0x3;
	s8 =	simm.s32 $0x6;
	[dreg:$0x15] =	wrdreg s0  }
0x21: {  	[dreg:$0x16] =	wrdreg s31;
	s0 =	simm.s32 $0x40;
	s9 =	simm.s32 $0x7  }
.LBB2_1:
0x22: {  	s1 =	rddreg [dreg:$0x6]  }
0x23: {  	s22 =	rddreg [dreg:$0x7]  }
0x24: {  	s11 =	rddreg [dreg:$0x8];
	s14 =	sshrl.u32 s1, $0x3  }
0x25: {  	[spmem:s14], [sflag:s11] =	dma.local [hbm:s22], $0x2780  }
0x26: {  	s11 =	simm.s32 $0x13C00;
	s1 =	rddreg [dreg:$0x9]  }
0x27: {  	[tilespmem:s11], [sflag:$0x1] =	stream.linear.gather [hbm4b:s1+s4], $0x40, $0x38;
	[tilespmem:$0x1E400] =	vst v63  }
0x28: {  	s15 =	simm.s32 $0x13C80;
	s23 =	rddreg [dreg:$0xa]  }
0x29: {  	[tilespmem:s15], [sflag:$0x2] =	stream.linear.gather [hbm4b:s23+s4], $0x40, $0x38;
	[tilespmem:$0x1E400] =	vst v63  }
0x2a: {  	s17 =	simm.s32 $0x13D00;
	s24 =	rddreg [dreg:$0xb]  }
0x2b: {  	[tilespmem:s17], [sflag:$0x3] =	stream.linear.gather [hbm4b:s24+s4], $0x40, $0x38;
	[tilespmem:$0x1E400] =	vst v63  }
0x2c: {  	s26 =	simm.s32 $0x13D80;
	s25 =	rddreg [dreg:$0xc]  }
0x2d: {  	[tilespmem:s26], [sflag:$0x4] =	stream.linear.gather [hbm4b:s25+s4], $0x40, $0x38;
	[tilespmem:$0x1E400] =	vst v63  }
0x2e: {  	s18 =	simm.s32 $0x13E00;
	s29 =	rddreg [dreg:$0xd]  }
0x2f: {  	[tilespmem:s18], [sflag:$0x5] =	stream.linear.gather [hbm4b:s29+s4], $0x40, $0x38;
	[tilespmem:$0x1E400] =	vst v63  }
0x30: {  	s31 =	simm.s32 $0x13E80;
	s30 =	rddreg [dreg:$0xe]  }
0x31: {  	[tilespmem:s31], [sflag:$0x6] =	stream.linear.gather [hbm4b:s30+s4], $0x40, $0x38;
	[tilespmem:$0x1E400] =	vst v63  }
0x32: {  	s19 =	simm.s32 $0x13F00;
	s16 =	rddreg [dreg:$0xf]  }
0x33: {  	[tilespmem:s19], [sflag:$0x7] =	stream.linear.gather [hbm4b:s16+s4], $0x40, $0x38;
	[tilespmem:$0x1E400] =	vst v63  }
0x34: {  	s21 =	simm.s32 $0x13F80;
	s20 =	rddreg [dreg:$0x10]  }
0x35: {  	[tilespmem:s21], [sflag:$0x8] =	stream.linear.gather [hbm4b:s20+s4], $0x40, $0x38;
	[tilespmem:$0x1E400] =	vst v63  }
0x36: {  	s22 =	rddreg [dreg:$0x11];
	s15 =	simm.s32 $0x14000  }
0x37: {  	[tilespmem:s15], [sflag:$0x9] =	stream.linear.gather [hbm4b:s22+s4], $0x40, $0x38;
	[tilespmem:$0x1E400] =	vst v63  }
0x38: {  	s23 =	rddreg [dreg:$0x12];
	s24 =	simm.s32 $0x1;
	s16 =	simm.s32 $0x14080  }
0x39: {  	[tilespmem:s16], [sflag:$0xA] =	stream.linear.gather [hbm4b:s23+s4], $0x40, $0x38;
	[tilespmem:$0x1E400] =	vst v63  }
0x3a: {  	_ =	swait.ge [sflag:s24], $0x40  }
0x3b: {  	[sflag:s24] =	ssyncset.done $0x0  }
0x3c: {  	s25 =	simm.s32 $0x2;
	[sflag:s24] =	ssyncadd.s32 $0xFFFFFFC0  }
0x3d: {  	_ =	swait.ge [sflag:s25], $0x40  }
0x3e: {  	[sflag:s25] =	ssyncset.done $0x0  }
0x3f: {  	s26 =	simm.s32 $0x3;
	s16 =	simm.s32 $0x14400;
	[sflag:s25] =	ssyncadd.s32 $0xFFFFFFC0  }
0x40: {  	[tilespmem:s16], [sflag:$0xD] =	stream.indirect.gather [hbm4b:s5+s0], $0x80, s11, s0, $0xb8;
	[tilespmem:$0x1E400] =	vst v63  }
0x41: {  	_ =	swait.ge [sflag:s26], $0x40  }
0x42: {  	[sflag:s26] =	ssyncset.done $0x0  }
0x43: {  	s28 =	simm.s32 $0x4;
	[sflag:s26] =	ssyncadd.s32 $0xFFFFFFC0  }
0x44: {  	_ =	swait.ge [sflag:s28], $0x40  }
0x45: {  	[sflag:s28] =	ssyncset.done $0x0  }
0x46: {  	s29 =	simm.s32 $0x16400;
	[sflag:s28] =	ssyncadd.s32 $0xFFFFFFC0  }
0x47: {  	[tilespmem:s29], [sflag:$0xE] =	stream.indirect.gather [hbm4b:s5+s0], $0x80, s17, s0, $0xb8;
	[tilespmem:$0x1E400] =	vst v63  }
0x48: {  	s17 =	simm.s32 $0x5  }
0x49: {  	_ =	swait.ge [sflag:s17], $0x40  }
0x4a: {  	[sflag:s17] =	ssyncset.done $0x0  }
0x4b: {  	[sflag:s17] =	ssyncadd.s32 $0xFFFFFFC0  }
0x4c: {  	_ =	swait.ge [sflag:s8], $0x40  }
0x4d: {  	[sflag:s8] =	ssyncset.done $0x0  }
0x4e: {  	s30 =	simm.s32 $0x18400;
	[sflag:s8] =	ssyncadd.s32 $0xFFFFFFC0  }
0x4f: {  	[tilespmem:s30], [sflag:$0xF] =	stream.indirect.gather [hbm4b:s5+s0], $0x80, s18, s0, $0xb8;
	[tilespmem:$0x1E400] =	vst v63  }
0x50: {  	_ =	swait.ge [sflag:s9], $0x40  }
0x51: {  	[sflag:s9] =	ssyncset.done $0x0  }
0x52: {  	[sflag:s9] =	ssyncadd.s32 $0xFFFFFFC0  }
0x53: {  	_ =	swait.ge [sflag:s10], $0x40  }
0x54: {  	[sflag:s10] =	ssyncset.done $0x0  }
0x55: {  	s31 =	simm.s32 $0x1A400;
	[sflag:s10] =	ssyncadd.s32 $0xFFFFFFC0  }
0x56: {  	[tilespmem:s31], [sflag:$0x10] =	stream.indirect.gather [hbm4b:s5+s0], $0x80, s19, s0, $0xb8;
	[tilespmem:$0x1E400] =	vst v63  }
0x57: {  	_ =	swait.ge [sflag:s7], $0x2780  }
0x58: {  	[sflag:s7] =	ssyncset.done $0x0  }
0x59: {  	[sflag:s7] =	ssyncadd.s32 $0xFFFFD880  }
0x5a: {  	s20 =	simm.s32 $0xD;
	[bflag:$0x0] =	sbarrier.arrive $0xFFFF  }
0x5b: {  	s25 =	simm.s32 $0x0;
	s11 =	simm.s32 $0x0;
	s24 =	rddreg [dreg:$0x16]  }
0x5c: {  	s18 =	simm.s32 $0x11;
	s19 =	simm.s32 $0x1C400;
	s23 =	rddreg [dreg:$0x15]  }
.LBB2_2:
0x5d: {  	s22 =	smulhi.u32 $0xAAAAAAAB, s17;
	_ =	sdelay $0x1  }
0x5e: {  	s22 =	sshrl.u32 s22, $0x2  }
0x5f: {  	s30 =	smul.u32 $0x1800, s22  }
0x60: {  	s21 =	smul.u32 $0xFFFFFFD0, s22  }
0x61: {  	s22 =	sadd.s32 $0x1, s28  }
0x62: {  	p0 =	sge.u32 s22, s6;
	s30 =	ssub.s32 $0x1400, s30;
	s21 =	sshra.s32 s21, $0x2  }
0x63: {  	s29 =	sshra.s32 @!p0 s11, $0x2;
	s21 =	sor.u32 $0x1, s21;
	s30 =	sshra.s32 @!p0 s30, $0x2  }
0x64: {  	s1 =	smulhi.u32 $0xAAAAAAAB, s28;
	s30 =	sadd.s32 @!p0 s30, s15;
	s21 =	sadd.s32 @!p0 s29, s21  }
0x65: {  	s26 =	simm.s32 @!p0 $0x0;
	s29 =	sadd.s32 @!p0 $0xFFFFFC00, s30;
	s31 =	sadd.s32 @!p0 $0xA, s21  }
0x66: {  	[tilespmem:s29], [sflag:s31] =	stream.linear.gather @!p0 [hbm4b:s23+s26], $0x40, $0x38;
	[tilespmem:$0x1E400] =	vst v63  }
0x67: {  	s1 =	sshrl.u32 s1, $0x2;
	s30 =	sadd.s32 @!p0 $0xFFFFFC80, s30;
	s31 =	sor.u32 @!p0 $0x10, s24  }
0x68: {  	s21 =	sadd.s32 @!p0 $0xB, s21;
	s29 =	smul.u32 $0xFFFFFFD0, s1;
	s31 =	sadd.s32 @!p0 s2, s31  }
0x69: {  	[tilespmem:s30], [sflag:s21] =	stream.linear.gather @!p0 [hbm4b:s31+s26], $0x40, $0x38;
	[tilespmem:$0x1E400] =	vst v63  }
0x6a: {  	s1 =	smul.u32 $0xFFFFE800, s1;
	s26 =	sshra.s32 s29, $0x2;
	p0 =	sge.u32 s28, s6  }
0x6b: {  	s29 =	smulhi.u32 $0xCCCCCCCD, s28;
	s21 =	sor.u32 $0x1, s26;
	s28 =	sshra.s32 @!p0 s11, $0x2  }
0x6c: {  	s30 =	smulhi.u32 $0xCCCCCCCD, s25;
	s21 =	sadd.s32 @!p0 s28, s21  }
0x6d: {  	s1 =	sshra.s32 @!p0 s1, $0x2;
	s26 =	sshrl.u32 s29, $0x2;
	s29 =	sadd.s32 @!p0 $0x8, s21  }
0x6e: {  	s1 =	sadd.s32 @!p0 s1, s15;
	s28 =	smul.u32 $0xFFFFFFEC, s26;
	_ =	swait.ge @!p0 [sflag:s29], $0x40  }
0x6f: {  	s31 =	sshrl.u32 s30, $0x2;
	s26 =	smul.u32 $0xFFFD8000, s26;
	[sflag:s29] =	ssyncset.done @!p0 $0x0  }
0x70: {  	s21 =	sadd.s32 @!p0 $0x9, s21;
	s30 =	smul.u32 $0xFFFFFFEC, s31;
	[sflag:s29] =	ssyncadd.s32 @!p0 $0xFFFFFFC0  }
0x71: {  	s28 =	sshra.s32 s28, $0x2;
	s26 =	sshra.s32 s26, $0x2;
	_ =	swait.ge @!p0 [sflag:s21], $0x40  }
0x72: {  	s28 =	sadd.s32 s28, s18;
	s26 =	sadd.s32 s26, s19;
	[sflag:s21] =	ssyncset.done @!p0 $0x0  }
0x73: {  	s29 =	smulhi.u32 $0xAAAAAAAB, s25;
	[sflag:s21] =	ssyncadd.s32 @!p0 $0xFFFFFFC0;
	s21 =	simm.s32 @!p0 $0x40  }
0x74: {  	[tilespmem:s26], [sflag:s28] =	stream.indirect.gather @!p0 [hbm4b:s5+s21], $0x80, s1, s21, $0xb8;
	[tilespmem:$0x1E400] =	vst v63  }
0x75: {  	s21 =	sshrl.u32 s29, $0x2  }
0x76: {  	s26 =	sshra.s32 s30, $0x2;
	s21 =	smul.u32 $0xFFFFE800, s21  }
0x77: {  	s1 =	smul.u32 $0xFFFD8000, s31;
	s26 =	sadd.s32 s26, s20  }
0x78: {  	_ =	swait.ge [sflag:s26], $0x2000;
	s21 =	sshra.s32 s21, $0x2  }
0x79: {  	s1 =	sshra.s32 s1, $0x2;
	[sflag:s26] =	ssyncset.done $0x0;
	s21 =	sadd.s32 s21, s15  }
0x7a: {  	s1 =	sadd.s32 s1, s16;
	[sflag:s26] =	ssyncadd.s32 $0xFFFFE000;
	s21 =	sadd.s32 $0xFFFFFC80, s21  }
0x7b: {  	[spmem:s3] =	stream.indirect.scatter.add.f32 [tilespmem:s1], [sflag:$0x13], $0x80, s21, s0, $0xb8;
	[tilespmem:$0x1E400] =	vst v63  }
0x7c: {  	_ =	swait.ge [sflag:s12], $0x2000  }
0x7d: {  	s11 =	sadd.s32 $0x8, s11;
	s31 =	rddreg [dreg:$0x4]  }
0x7e: {  	p0 =	sne.s32 s31, s11  }
.Ltmp0:
0x7f: {  	_ = 	snop;
	(pc) =	sbr.rel @p0 .LBB2_2-.Ltmp0, $4  }
0x80: {  	s17 =	sadd.s32 $0x1, s17;
	s23 =	sadd.s32 $0x200, s23;
	s24 =	sadd.s32 $0x200, s24  }
0x81: {  	s25 =	sadd.s32 $0x1, s25;
	s18 =	sadd.s32 $0x1, s18;
	s19 =	sadd.s32 $0x2000, s19  }
0x82: {  	s28 =	smov.u32 s22;
	s20 =	sadd.s32 $0x1, s20;
	[sflag:s12] =	ssyncset.done $0x0  }
0x83: {  	s16 =	sadd.s32 $0x2000, s16;
	s15 =	sadd.s32 $0x100, s15;
	[sflag:s12] =	ssyncadd.s32 $0xFFFFE000  }
0x84: {  	[bflag:$0x0] =	sbarrier.arrive $0xFFFF  }
0x85: {  	s1 =	rddreg [dreg:$0x5]  }
0x86: {  	s11 =	rddreg [dreg:$0x13];
	s1 =	sor.u32 $0x1C13, s1  }
0x87: {  	[hbm:s11], [sflag:s1] =	dma.local [spmem:s14], $0x2780  }
0x88: {  	_ =	swait.ge [sflag:s12], $0x2780  }
0x89: {  	s13 =	sadd.s32 $0x1, s13;
	s31 =	rddreg [dreg:$0x14]  }
0x8a: {  	p0 =	sne.s32 s13, s31  }
.Ltmp1:
0x8b: {  	_ = 	snop;
	(pc) =	sbr.rel @p0 .LBB2_1-.Ltmp1, $3  }
0x8c: {  	_ =	sdelay $0x1  }
0x8d: {  	[sflag:s12] =	ssyncset.done $0x0  }
0x8e: {  	[sflag:s12] =	ssyncadd.s32 $0xFFFFD880  }
0x8f: {  	_ =	sfence.sel $0x180000  }
0x90: {  	[bflag:$0x0] =	sbarrier.arrive $0xFFFF  }
0x91: {  	_ =	strace $0x9000004D  }
0x92: {  	s0 =	stileid.u32;
	[bflag:$0x2] =	sbarrier.arrive $0xFFFF  }
0x93: {  	p0 =	sne.s32 s0, $0x0;
	s0 =	rddreg [dreg:$0x3]  }
0x94: {  	s0 =	sadd.s32 @!p0 $0x100000, s0  }
0x95: {  	[sflag:s0] =	ssyncadd.tile.s32 @!p0 $0x1;
	_ =	shalt  }
.Lfunc_end2:
_tile_overlayer_lowered:
.L_overlay_start_2:
0x96: {  	(tag) =	ssettag $0x2  }
0x97: {  	s0 =	rddreg [dreg:$0x0];
	s2 =	stileid.u32  }
0x98: {  	s1 =	rddreg [dreg:$0x1];
	p0 =	sne.s32 s2, $0x0  }
0x99: {  	s3 =	rddreg [dreg:$0x2];
	[bflag:$0x3] =	sbarrier.arrive $0xFFFF;
	s2 =	simm.s32 @!p0 $0x1C13  }
0x9a: {  	[timem:s3], [sflag:s2] =	dma.local @!p0 [hbm:s0], s1  }
0x9b: {  	s0 =	simm.s32 @!p0 $0x13  }
0x9c: {  	_ =	swait.ge @!p0 [sflag:s0], s1  }
0x9d: {  	s1 =	ssub.s32 @!p0 $0x0, s1;
	[sflag:s0] =	ssyncset.done @!p0 $0x0  }
0x9e: {  	[sflag:s0] =	ssyncadd.s32 @!p0 s1  }
0x9f: {  	[bflag:$0x3] =	sbarrier.arrive $0xFFFF  }
0xa0: {  	_ =	shalt  }

// kernel: kernel.9.cloned.1.call-start
scs
__scs_entry_jumppad:
0x0: {  	(pc) =	sbr.rel $0x88, $3  }
0x1: {  	(tag) =	ssettag $0x0;
	lr =	simm.s32 $0x1  }
0x2: {  	[smem:$0x3F97] =	sst lr;
	_ =	strace $0xD0000000  }
0x3: {  	_ = 	snop  }
0x4: {  	_ = 	snop  }
0x5: {  	_ = 	snop  }
0x6: {  	_ = 	snop  }
0x7: {  	_ = 	snop  }
__scs_overlays_trampoline_lowered:
0x8: {  	[smem:$0x3FA6] =	sst s0  }
0x9: {  	[smem:$0x3FA7] =	sst s1  }
0xa: {  	[smem:$0x3FA8] =	sst s2  }
0xb: {  	[smem:$0x3FA9] =	sst s3  }
0xc: {  	[smem:$0x3FAA] =	sst s4  }
0xd: {  	[smem:$0x3FAB] =	sst s5  }
0xe: {  	[smem:$0x3FAC] =	sst s6  }
0xf: {  	[smem:$0x3FAD] =	sst s7  }
0x10: {  	[smem:$0x3FAE] =	sst s8  }
0x11: {  	[smem:$0x3FAF] =	sst s9;
	s0 =	simm.s32 @!p0 $0x0  }
0x12: {  	s1 =	sld [smem:$0x3F95];
	s0 =	simm.s32 @p0 $0x1  }
0x13: {  	[smem:$0x3FB0] =	sst s0;
	s0 =	simm.s32 @!p1 $0x0  }
0x14: {  	s2 =	sld [smem:$0x3F94];
	s0 =	simm.s32 @p1 $0x1  }
0x15: {  	[smem:$0x3FB1] =	sst s0;
	s0 =	simm.s32 @!p2 $0x0  }
0x16: {  	s3 =	sld [smem:$0x3FDB];
	s0 =	simm.s32 @p2 $0x1  }
0x17: {  	s4 =	simm.s32 $0x1BF5;
	[smem:$0x3FB3] =	sst s0  }
0x18: {  	s0 =	sld [smem:$0x3F96];
	_ =	swait.ge [sflag:s4], $0x0  }
0x19: {  	s7 =	sld [smem:$0x3F97]  }
0x1a: {  	s8 =	sadd.s32 $0xFFFFE003, lr  }
0x1b: {  	s9 =	sadd.s32 $0xFFFFFEF7, lr;
	s5 =	simm.s32 $0xFFFFFFFF;
	p2 =	slt.u32 s8, $0xFFFFF086  }
0x1c: {  	p1 =	slt.u32 s9, $0xF7A;
	s5 =	simm.s32 @!p2 $0x0  }
0x1d: {  	s5 =	simm.s32 @p1 $0x1;
	p0 =	seq.s32 s7, s2  }
0x1e: {  	s7 =	smul.u32 @!p0 $0xF7A, s2;
	p2 =	seq.s32 @!p0 s5, $0x0  }
0x1f: {  	s9 =	smul.u32 $0xF7A, s1;
	s8 =	simm.s32 @!p0 $0x1BF5;
	p2 =	por !p2, p0  }
0x20: {  	[sflag:s8] =	ssyncset.s32 @!p0 $0xFFFFF086;
	s6 =	sadd.s32 @!p0 s3, s7;
	s7 =	simm.s32 @!p0 $0x108  }
0x21: {  	s3 =	sadd.s32 s3, s9;
	s6 =	sadd.s32 @!p0 $0x88, s6;
	s7 =	simm.s32 @p2 $0x1082  }
0x22: {  	[simem:s7], [sflag:s8] =	dma.local @!p0 [hbm:s6], $0xF7A  }
0x23: {  	s9 =	sor.u32 $0xD0000000, s2;
	s6 =	simm.s32 $0x108;
	_ =	swait.ge @!p0 [sflag:s8], $0x0  }
0x24: {  	s3 =	sadd.s32 $0x88, s3;
	s6 =	simm.s32 @!p1 $0x1082;
	[sflag:s4] =	ssyncset.s32 $0xFFFFF086  }
0x25: {  	[simem:s6], [sflag:s4] =	dma.local [hbm:s3], $0xF7A  }
0x26: {  	[smem:$0x3F97] =	sst s1;
	(tag) =	ssettag s2;
	_ =	strace s9  }
0x27: {  	s1 =	sld [smem:$0x3FA7]  }
0x28: {  	s2 =	sld [smem:$0x3FA8]  }
0x29: {  	s4 =	sld [smem:$0x3FAA]  }
0x2a: {  	p0 =	seq.s32 s5, $0x0;
	s5 =	sld [smem:$0x3FAB]  }
0x2b: {  	s6 =	sld [smem:$0x3FAC]  }
0x2c: {  	s7 =	sld [smem:$0x3FAD]  }
0x2d: {  	s3 =	simm.s32 $0x108;
	s8 =	sld [smem:$0x3FAE]  }
0x2e: {  	s3 =	simm.s32 @!p0 $0x1082;
	s9 =	sld [smem:$0x3FAF]  }
0x2f: {  	lr =	sadd.s32 s0, s3;
	s0 =	sld [smem:$0x3FA6]  }
0x30: {  	s3 =	sld [smem:$0x3FA9]  }
0x31: {  	[smem:$0x3FB2] =	sst s10  }
0x32: {  	s10 =	sld [smem:$0x3FB0];
	_ =	sdelay $0x3  }
0x33: {  	p0 =	seq.s32 s10, $0x1;
	s10 =	sld [smem:$0x3FB2];
	_ =	sdelay $0x3  }
0x34: {  	[smem:$0x3FB2] =	sst s10  }
0x35: {  	s10 =	sld [smem:$0x3FB1];
	_ =	sdelay $0x3  }
0x36: {  	p1 =	seq.s32 s10, $0x1;
	s10 =	sld [smem:$0x3FB2];
	_ =	sdelay $0x3  }
0x37: {  	[smem:$0x3FB2] =	sst s10  }
0x38: {  	s10 =	sld [smem:$0x3FB3]  }
0x39: {  	_ = 	snop;
	(pc) =	sbr.ind lr, $3  }
0x3a: {  	_ = 	snop  }
0x3b: {  	_ = 	snop  }
0x3c: {  	p2 =	seq.s32 s10, $0x1;
	s10 =	sld [smem:$0x3FB2]  }
0x3d: {  	_ =	shalt  }
0x3e: {  	_ =	shalt  }
0x3f: {  	_ =	shalt  }
0x40: {  	_ =	shalt  }
0x41: {  	_ =	shalt  }
0x42: {  	_ =	shalt  }
0x43: {  	_ =	shalt  }
0x44: {  	_ =	shalt  }
0x45: {  	_ =	shalt  }
0x46: {  	_ =	shalt  }
0x47: {  	_ =	shalt  }
0x48: {  	_ =	shalt  }
0x49: {  	_ =	shalt  }
0x4a: {  	_ =	shalt  }
0x4b: {  	_ =	shalt  }
0x4c: {  	_ =	shalt  }
0x4d: {  	_ =	shalt  }
0x4e: {  	_ =	shalt  }
0x4f: {  	_ =	shalt  }
0x50: {  	_ =	shalt  }
0x51: {  	_ =	shalt  }
0x52: {  	_ =	shalt  }
0x53: {  	_ =	shalt  }
0x54: {  	_ =	shalt  }
0x55: {  	_ =	shalt  }
0x56: {  	_ =	shalt  }
0x57: {  	_ =	shalt  }
0x58: {  	_ =	shalt  }
0x59: {  	_ =	shalt  }
0x5a: {  	_ =	shalt  }
0x5b: {  	_ =	shalt  }
0x5c: {  	_ =	shalt  }
0x5d: {  	_ =	shalt  }
0x5e: {  	_ =	shalt  }
0x5f: {  	_ =	shalt  }
0x60: {  	_ =	shalt  }
0x61: {  	_ =	shalt  }
0x62: {  	_ =	shalt  }
0x63: {  	_ =	shalt  }
0x64: {  	_ =	shalt  }
0x65: {  	_ =	shalt  }
0x66: {  	_ =	shalt  }
0x67: {  	_ =	shalt  }
0x68: {  	_ =	shalt  }
0x69: {  	_ =	shalt  }
0x6a: {  	_ =	shalt  }
0x6b: {  	_ =	shalt  }
0x6c: {  	_ =	shalt  }
0x6d: {  	_ =	shalt  }
0x6e: {  	_ =	shalt  }
0x6f: {  	_ =	shalt  }
0x70: {  	_ =	shalt  }
0x71: {  	_ =	shalt  }
0x72: {  	_ =	shalt  }
0x73: {  	_ =	shalt  }
0x74: {  	_ =	shalt  }
0x75: {  	_ =	shalt  }
0x76: {  	_ =	shalt  }
0x77: {  	_ =	shalt  }
0x78: {  	_ =	shalt  }
0x79: {  	_ =	shalt  }
0x7a: {  	_ =	shalt  }
0x7b: {  	_ =	shalt  }
0x7c: {  	_ =	shalt  }
0x7d: {  	_ =	shalt  }
0x7e: {  	_ =	shalt  }
0x7f: {  	_ =	shalt  }
0x80: {  	_ =	shalt  }
0x81: {  	_ =	shalt  }
0x82: {  	_ =	shalt  }
0x83: {  	_ =	shalt  }
0x84: {  	_ =	shalt  }
0x85: {  	_ =	shalt  }
0x86: {  	_ =	shalt  }
0x87: {  	_ =	shalt  }
.Lfunc_end0:
.L_simem_size_0:
called_computation_lowered:
.L_overlay_start_0:
0x88: {  	s2 =	sld [smem:$0x3FD9]  }
0x89: {  	s3 =	sld [smem:$0x3FFE];
	_ =	sdelay $0x1  }
0x8a: {  	s1 =	srdreg.scid  }
0x8b: {  	s0 =	sand.u32 $0x1, s1  }
0x8c: {  	s17 =	sshll.u32 s0, $0xA;
	s2 =	sadd.s32 s3, s2  }
0x8d: {  	s2 =	sadd.s32 s2, s17  }
0x8e: {  	[smem:$0x3FBE] =	sst s2  }
0x8f: {  	_ = 	snop  }
0x90: {  	s2 =	sld [smem:$0x3FD0];
	(tm) =	ssettm $0x1  }
0x91: {  	s18 =	sld [smem:$0x3FFB];
	_ =	sdelay $0x3  }
0x92: {  	_ =	strace s18  }
0x93: {  	s3 =	sld [smem:$0x3FFC];
	_ =	sdelay $0x3  }
0x94: {  	_ =	strace s3  }
0x95: {  	s3 =	sld [smem:$0x3FFD];
	_ =	sdelay $0x3  }
0x96: {  	_ =	strace s3  }
0x97: {  	_ =	strace $0x8FFFFFFF  }
0x98: {  	s19 =	sld [smem:$0x3FDB];
	_ =	sdelay $0x1  }
0x99: {  	s4 =	simm.s32 $_scs_section_size  }
0x9a: {  	s5 =	simm.s32 $_size__tile_overlayer_lowered;
	s6 =	simm.s32 $_tile_overlayer_lowered  }
0x9b: {  	s22 =	simm.s32 $0x1BFF;
	s21 =	sshll.u32 s6, $0x1;
	s3 =	sadd.s32 s4, s19  }
0x9c: {  	s7 =	simm.s32 $0x0;
	s20 =	sshll.u32 s5, $0x1;
	s5 =	sadd.s32 s21, s3  }
0x9d: {  	[timem:s7], [sflag:s22] =	dma.local [hbm:s5], s20  }
0x9e: {  	_ =	swait.ge [sflag:s22], s20  }
0x9f: {  	s4 =	ssub.s32 $0x0, s20;
	[sflag:s22] =	ssyncset.done $0x0  }
0xa0: {  	[sflag:s22] =	ssyncadd.s32 s4;
	_ =	sdelay $0x1  }
0xa1: {  	s23 =	simm.s32 $0x1B8B  }
0xa2: {  	_ =	swait.ge [sflag:s23], $0x1  }
0xa3: {  	[sflag:s23] =	ssyncset.done $0x0  }
0xa4: {  	s25 =	simm.s32 $0x1B8E;
	s24 =	sld [smem:$0x3FFE];
	[sflag:s23] =	ssyncadd.s32 $0xFFFFFFFF  }
0xa5: {  	s26 =	simm.s32 $execute0_lowered;
	[smem:$0x3FD2] =	sst s25  }
0xa6: {  	s5 =	sshll.u32 s26, $0x1;
	_ =	strace $0x80000046;
	[dreg:$0x1] =	wrdreg $0xFFFFFFFF  }
0xa7: {  	s28 =	simm.s32 $_size_execute0_lowered;
	s3 =	sadd.s32 s3, s5;
	[dreg:$0x0] =	wrdreg $0x0  }
0xa8: {  	s5 =	sshll.u32 s28, $0x1;
	[dreg:$0x2] =	wrdreg s3  }
0xa9: {  	[dreg:$0x3] =	wrdreg s5  }
0xaa: {  	[dreg:$0x4] =	wrdreg $0xC0  }
0xab: {  	_ =	task [dreg:s7], $0x5FFFF  }
0xac: {  	[dreg:$0x1] =	wrdreg $0xFFFFFFFF  }
0xad: {  	[dreg:$0x0] =	wrdreg $0x60  }
0xae: {  	[dreg:$0x2] =	wrdreg s2  }
0xaf: {  	[dreg:$0x3] =	wrdreg s24  }
0xb0: {  	[dreg:$0x4] =	wrdreg $0x9  }
0xb1: {  	_ =	task.clear_ibuf [dreg:s7], $0x5FFFF;
	_ =	strace $0x90000046  }
0xb2: {  	s29 =	simm.s32 $0x9;
	_ =	strace $0x80000048  }
0xb3: {  	_ =	swait.ge [sflag:s29], $0x1  }
0xb4: {  	[sflag:s29] =	ssyncadd.s32 $0xFFFFFFFF  }
0xb5: {  	_ =	strace $0x90000048  }
0xb6: {  	_ =	sfence  }
0xb7: {  	s30 =	sld [smem:$0x0];
	_ =	sdelay $0x2  }
0xb8: {  	s31 =	sshll.u32 s1, $0xD;
	s1 =	sshrl.u32 s1, $0x2  }
0xb9: {  	s3 =	sand.u32 $0x4000, s31;
	s1 =	sadd.s32 s1, s30  }
0xba: {  	s0 =	sor.u32 s3, s0;
	s1 =	sshll.u32 s1, $0x11  }
0xbb: {  	s0 =	sor.u32 s1, s0  }
0xbc: {  	s0 =	sadd.s32 $0x8F2B, s0  }
0xbd: {  	[sflag:s0] =	ssyncadd.remote.s32 $0x1  }
0xbe: {  	_ =	sfence.sel $0xFFFF  }
0xbf: {  	[dreg:$0x0] =	wrdreg $0xFFFFFFFF;
	(pc) =	sbr.abs _section_cstart, $3  }
0xc0: {  	[dreg:$0x1] =	wrdreg $0xFFFFFFFF  }
0xc1: {  	_ =	task.clear_ibuf [dreg:s7], $0x2FFFF;
	_ =	strace $0x9FFFFFFF  }
0xc2: {  	(tm) =	ssettm $0x7FFFFFFF  }
0xc3: {  	_ =	shalt  }
tec
execute0_lowered:
.L_overlay_start_1:
0x0: {  	(tag) =	ssettag $0x1  }
0x1: {  	s4 =	rddreg [dreg:$0x0]  }
0x2: {  	s0 =	srdreg.scid;
	s5 =	rddreg [dreg:$0x1]  }
0x3: {  	s2 =	simm.s32 $0x0;
	s9 =	simm.s32 $0x400;
	s3 =	sand.u32 $0x1, s0  }
0x4: {  	s10 =	simm.s32 $0x2;
	s0 =	stileid.u32;
	s1 =	sshll.u32 s3, $0x4  }
0x5: {  	s11 =	simm.s32 $0x0;
	[smem:$0x7FF] =	sst s2;
	s6 =	sor.u32 s0, s1  }
0x6: {  	s8 =	sshll.u32 s0, $0x7;
	s7 =	sshrl.u32 s6, $0x3;
	s6 =	smul.u32 $0x2710, s6  }
0x7: {  	s3 =	ssub.s32 $0x2, s3;
	s1 =	rddreg [dreg:$0x2];
	s7 =	smul.u32 $0x13C00, s7  }
0x8: {  	s8 =	sand.u32 $0x380, s8;
	_ =	strace $0x80000047;
	s29 =	sshrl.u32 s3, $0x1  }
0x9: {  	s30 =	ssub.s32 s3, s29;
	s6 =	sshrl.u32 s6, $0x3;
	s7 =	sor.u32 s8, s7  }
0xa: {  	s31 =	sadd.s32 s4, s6;
	s6 =	simm.s32 $0x2780;
	s7 =	sshrl.u32 s7, $0x3  }
0xb: {  	s8 =	simm.s32 $0x80;
	s3 =	sadd.s32 $0x9C40, s31;
	s5 =	sadd.s32 s7, s5  }
0xc: {  	v0 =	vimm.f32 $0.0e+00;
	v1 =	vimm.f32 $1.000000000e+00;
	s7 =	simm.s32 $0x1;
	s4 =	sadd.s32 $0x3200, s5;
	s5 =	smax.u32 s30, $0x1  }
.LBB2_1:
0xd: {  	[tilespmem:s6], [sflag:$0x1] =	stream.linear.gather [hbm4b:s3+s2], $0x2710, $0x38;
	[tilespmem:$0x4F00] =	vst v63  }
0xe: {  	s12 =	simm.s32 $0x40;
	s13 =	simm.s32 $0x0  }
.LBB2_2:
0xf: {  	p0 =	sne.s32 s12, $0x9DC0;
	[tilespmem:s13+$0x0] =	vst v0;
	s13 =	smov.u32 s12;
	s12 =	sadd.s32 $0x40, s12  }
.Ltmp0:
0x10: {  	(pc) =	sbr.rel @p0 .LBB2_2-.Ltmp0, $2  }
0x11: {  	_ =	sdelay $0x2  }
0x12: {  	s13 =	sshra.s32 s13, $0x2  }
0x13: {  	[tilespmem:s13+$0x0] =	vst v0  }
0x14: {  	_ =	swait.ge [sflag:s7], $0x2710  }
0x15: {  	[sflag:s7] =	ssyncset.done $0x0  }
0x16: {  	s13 =	simm.s32 $0x0;
	s12 =	simm.s32 $0x40;
	[sflag:s7] =	ssyncadd.s32 $0xFFFFD8F0  }
.LBB2_4:
0x17: {  	p0 =	sne.s32 s12, $0x9C00;
	v2 =	vld [tilespmem:s13+$0x2780];
	_ =	sdelay $0x3  }
.Ltmp1:
0x18: {  	(pc) =	sbr.rel @p0 .LBB2_4-.Ltmp1, $2  }
0x19: {  	_ =	sdelay $0x2  }
0x1a: {  	s13 =	sshra.s32 s12, $0x2;
	s12 =	sadd.s32 $0x40, s12;
	[tilespmem:v2+s2+$0x0] =	vst.idx.add.f32.msk $0xffff, v1  }
0x1b: {  	v2 =	vld [tilespmem:s13+$0x2780];
	_ =	sdelay $0x5  }
0x1c: {  	s11 =	sadd.s32 $0x1, s11  }
0x1d: {  	p0 =	sne.s32 s11, s5  }
.Ltmp2:
0x1e: {  	[tilespmem:v2+s2+$0x0] =	vst.idx.add.f32.msk $0xffff, v1;
	(pc) =	sbr.rel @p0 .LBB2_1-.Ltmp2, $4  }
0x1f: {  	[hbm4b:s4+s8] =	stream.strided.scatter [tilespmem:s2], [sflag:$0x2], $0x2780, s9, s8, $0x38;
	[tilespmem:$0x4F00] =	vst v63  }
0x20: {  	_ =	swait.ge [sflag:s10], $0x2780  }
0x21: {  	[sflag:s10] =	ssyncset.done $0x0  }
0x22: {  	[sflag:s10] =	ssyncadd.s32 $0xFFFFD880  }
0x23: {  	_ =	sfence.sel $0x180000  }
0x24: {  	[bflag:$0x0] =	sbarrier.arrive $0xFFFF  }
0x25: {  	p0 =	sne.s32 s0, $0x0;
	_ =	strace $0x90000047  }
0x26: {  	s0 =	sadd.s32 @!p0 $0x100000, s1;
	[bflag:$0x2] =	sbarrier.arrive $0xFFFF  }
0x27: {  	[sflag:s0] =	ssyncadd.tile.s32 @!p0 $0x1;
	_ =	shalt  }
.Lfunc_end2:
_tile_overlayer_lowered:
.L_overlay_start_2:
0x28: {  	(tag) =	ssettag $0x2  }
0x29: {  	s0 =	rddreg [dreg:$0x0];
	s2 =	stileid.u32  }
0x2a: {  	s1 =	rddreg [dreg:$0x1];
	p0 =	sne.s32 s2, $0x0  }
0x2b: {  	s3 =	rddreg [dreg:$0x2];
	[bflag:$0x3] =	sbarrier.arrive $0xFFFF;
	s2 =	simm.s32 @!p0 $0x1C02  }
0x2c: {  	[timem:s3], [sflag:s2] =	dma.local @!p0 [hbm:s0], s1  }
0x2d: {  	s0 =	simm.s32 @!p0 $0x2  }
0x2e: {  	_ =	swait.ge @!p0 [sflag:s0], s1  }
0x2f: {  	s1 =	ssub.s32 @!p0 $0x0, s1;
	[sflag:s0] =	ssyncset.done @!p0 $0x0  }
0x30: {  	[sflag:s0] =	ssyncadd.s32 @!p0 s1  }
0x31: {  	[bflag:$0x3] =	sbarrier.arrive $0xFFFF  }
0x32: {  	_ =	shalt  }

</sc_bundles>
